<compile_context>
chip_gen: v7x
topology: tpu7x:2x2x1
jax: 0.10.2.dev20260603
libtpu: 0.0.44.dev20260713+nightly
codegen_flags: <defaults>
</compile_context>

<pallas_src>
import jax
import jax.numpy as jnp
from jax import lax
from jax.experimental import pallas as pl
from jax.experimental.pallas import tpu as pltpu
from jax.experimental.pallas import tpu_sc as plsc

_M = 1048576
_N = 4194304
_NC = 2
_NS = 16
_NW = _NC * _NS
_LANE = 16
_CHUNK = 8192
_ROWW = 128
_UPD_PER_W = _N // _NW
_NCHUNK = _UPD_PER_W // _CHUNK
_STRIPE = _M // _NS
_ZB = 4096


def _sc_body(idx_hbm, val_hbm, coef_hbm, out_hbm,
             idx_v, val_v, idx2d, val2d, coef_v, zbuf, acc_sh, sem):
    c = lax.axis_index("c")
    s = lax.axis_index("s")
    wid = c * _NS + s

    pltpu.sync_copy(coef_hbm, coef_v)
    a_v = coef_v[pl.ds(0, _LANE)]
    b_v = coef_v[pl.ds(16, _LANE)]
    d_v = coef_v[pl.ds(32, _LANE)]
    h_v = coef_v[pl.ds(48, _LANE)]

    @pl.loop(0, _ZB, step=_LANE)
    def _(i):
        zbuf[pl.ds(i, _LANE)] = h_v

    init_descs = [
        pltpu.async_copy(zbuf, acc_sh.at[pl.ds(s * _STRIPE + q, _ZB)],
                         sem)
        for q in range(0, _STRIPE, _ZB)
    ]
    for dsc in init_descs:
        dsc.wait()

    plsc.subcore_barrier()

    base = wid * _UPD_PER_W
    nrow = _CHUNK // _ROWW

    half = nrow // 2
    drain_bytes_ref = val_v.at[pl.ds(0, half * _ROWW)]
    drain_src = val_hbm.at[pl.ds(0, half * _ROWW)]

    def _compute_rows(j0):
        @pl.loop(j0, j0 + half)
        def _(j):
            for k in range(0, _ROWW, _LANE):
                v = val_v[pl.ds(j * _ROWW + k, _LANE)]
                val2d[j, pl.ds(k, _LANE)] = (a_v * v + b_v) * v + d_v
                idx2d[j, pl.ds(k, _LANE)] = idx_v[pl.ds(j * _ROWW + k, _LANE)]

    def _fire_rows(j0):
        return [
            pltpu.async_copy(val2d.at[j], acc_sh.at[idx2d.at[j]],
                             sem, add=True)
            for j in range(j0, j0 + half)
        ]

    @pl.loop(0, _NCHUNK)
    def _(g):
        e0 = base + g * _CHUNK
        pltpu.sync_copy(idx_hbm.at[pl.ds(e0, _CHUNK)], idx_v)
        pltpu.sync_copy(val_hbm.at[pl.ds(e0, _CHUNK)], val_v)

        _compute_rows(0)

        @pl.when(g > 0)
        def _():
            pltpu.make_async_copy(drain_src, drain_bytes_ref, sem).wait()

        descs_a = _fire_rows(0)
        _compute_rows(half)
        for dsc in descs_a:
            dsc.wait()
        _fire_rows(half)

    pltpu.make_async_copy(drain_src, drain_bytes_ref, sem).wait()

    plsc.subcore_barrier()

    qw = _STRIPE // 4
    out_descs = [
        pltpu.async_copy(acc_sh.at[pl.ds(s * _STRIPE + q * qw, qw)],
                         out_hbm.at[c, pl.ds(s * _STRIPE + q * qw, qw)],
                         sem)
        for q in range(4)
    ]
    for dsc in out_descs:
        dsc.wait()


@jax.jit
def _sc_accumulate(lst_idx, lst_val, coef):
    mesh = plsc.VectorSubcoreMesh(core_axis_name="c", subcore_axis_name="s")
    f = pl.kernel(
        _sc_body,
        out_type=jax.ShapeDtypeStruct((_NC, _M), jnp.float32),
        mesh=mesh,
        scratch_types=[
            pltpu.VMEM((_CHUNK,), jnp.int32),
            pltpu.VMEM((_CHUNK,), jnp.float32),
            pltpu.VMEM((_CHUNK // _ROWW, _ROWW), jnp.int32),
            pltpu.VMEM((_CHUNK // _ROWW, _ROWW), jnp.float32),
            pltpu.VMEM((4 * _LANE,), jnp.float32),
            pltpu.VMEM((_ZB,), jnp.float32),
            pltpu.VMEM_SHARED((_M,), jnp.float32),
            pltpu.SemaphoreType.DMA,
        ],
    )
    return f(lst_idx, lst_val, coef)


def _tc_merge_body(p_ref, o_ref):
    o_ref[...] = jnp.exp(p_ref[0] + p_ref[1])


@jax.jit
def _tc_merge(partial):
    return pl.pallas_call(
        _tc_merge_body,
        grid=(2,),
        in_specs=[pl.BlockSpec((_NC, _M // 2), lambda i: (0, i))],
        out_specs=pl.BlockSpec((_M // 2,), lambda i: (i,)),
        out_shape=jax.ShapeDtypeStruct((_M,), jnp.float32),
    )(partial)


def kernel(batch, lst_idx, lst_val, thetas):
    l5 = jnp.maximum(jnp.minimum(thetas[0], 1.0), 0.0)
    l1 = 1.0 - l5
    inv = 1.0 / thetas[1]
    a = -0.5 * inv * inv
    b = thetas[2] * inv * inv
    d = (jnp.log(l5 * inv) - 0.5 * jnp.log(jnp.float32(2.0 * 3.14159))
         - 0.5 * inv * inv * thetas[2] * thetas[2])
    h = 0.5 * jnp.log(l1)
    coef = jnp.concatenate([
        jnp.full((_LANE,), a, jnp.float32),
        jnp.full((_LANE,), b, jnp.float32),
        jnp.full((_LANE,), d, jnp.float32),
        jnp.full((_LANE,), h, jnp.float32),
    ])

    partial = _sc_accumulate(lst_idx, lst_val, coef)
    return _tc_merge(partial)

# --- scband reference (transcript-rebuilt; emitter-appended) ---
"""Pipeline reference for scband-main-columnwise-15805479649746 (READ-ONLY COPY).

The authoritative reference and input builder live on the scoring server;
editing this copy changes nothing except your own understanding.
"""

import jax, jax.numpy as jnp
import numpy as np


def _density_irnormal(x):
    return 1.0 / jnp.sqrt(jnp.asarray(2.0 * 3.14159, dtype=x.dtype)) * jnp.exp(-0.5 * x * x)


def setup_inputs(seed: int = 0) -> dict:
    key = jax.random.key(seed)
    k1, k2 = jax.random.split(key)
    M = 1048576
    N = 4194304
    lst_idx = jax.random.randint(k1, (N,), 0, M, dtype=jnp.int32)
    lst_val = jax.random.normal(k2, (N,), dtype=jnp.float32)
    # learned parameter of the module: thetas = [mix_prob, scale, loc]
    # chosen so every per-update factor is strictly positive
    thetas = jnp.array([0.5, 1.0, 0.0], dtype=jnp.float32)
    return {"batch": M, "lst_idx": lst_idx, "lst_val": lst_val, "thetas": thetas}


def reference(batch, lst_idx, lst_val, thetas):
    # l_4_high = min(thetas[0], 1.0); l_5 = max(l_4_high, 0.0)
    l_4_high = jnp.minimum(thetas[0], 1.0)
    l_5_lhs_integral = jnp.maximum(l_4_high, 0.0)
    l_1_cond = 1.0 - l_5_lhs_integral
    # per-update multiplicative factor (same math as the torch loop body)
    contrib = (1.0 - l_1_cond) * (
        _density_irnormal((lst_val - thetas[2]) / thetas[1]) / thetas[1]
    )
    # result starts at ones; each update multiplies slot lst_idx[i] by contrib[i].
    # All factors are strictly positive, so the scatter-product equals
    # exp(segment_sum(log(contrib))) exactly (slots with no updates stay 1).
    num_segments = lst_idx.shape[0] // 4
    idx = jnp.minimum(lst_idx, batch - 1)
    log_prod = jax.ops.segment_sum(jnp.log(contrib), idx, num_segments=num_segments)
    result = jnp.exp(log_prod)
    return result * l_1_cond

if __name__ == "__main__":
    import jax
    _d = setup_inputs()
    print(jax.jit(kernel)(*tuple(_d.values())))

</pallas_src>

<mosaic_0001>
#map = affine_map<(d0, d1) -> (0)>
#map1 = affine_map<(d0, d1) -> (0, 0)>
module attributes {stable_mosaic.version = 14 : i64} {
  func.func @_sc_body(%arg0: i32, %arg1: i32, %arg2: memref<4194304xi32, #tpu.memory_space<hbm>>, %arg3: memref<4194304xf32, #tpu.memory_space<hbm>>, %arg4: memref<64xf32, #tpu.memory_space<hbm>>, %arg5: memref<2x1048576xf32, #tpu.memory_space<hbm>>, %arg6: memref<8192xi32, #tpu.memory_space<vmem>>, %arg7: memref<8192xf32, #tpu.memory_space<vmem>>, %arg8: memref<64x128xi32, #tpu.memory_space<vmem>>, %arg9: memref<64x128xf32, #tpu.memory_space<vmem>>, %arg10: memref<64xf32, #tpu.memory_space<vmem>>, %arg11: memref<4096xf32, #tpu.memory_space<vmem>>, %arg12: memref<1048576xf32, #tpu.memory_space<vmem_shared>>, %arg13: memref<!tpu.dma_semaphore, #tpu.memory_space<semaphore_mem>>) attributes {dimension_semantics = [#tpu.dimension_semantics<core_parallel>, #tpu.dimension_semantics<subcore_parallel>], iteration_bounds = array<i64: 2, 16>, scalar_prefetch = 0 : i64, scratch_operands = 8 : i64, tpu.core_type = #tpu.core_type<sc_vector_subcore>, window_params = [{transform_indices = #map}, {transform_indices = #map}, {transform_indices = #map}, {transform_indices = #map1}]} {
    %mul3A = arith.constant 16 : i32
    %mul3A_0 = arith.muli %arg0, %mul3A : i32
    %add3A = arith.addi %mul3A_0, %arg1 : i32
    "tpu.region"() ({
      %run_scoped3A = tpu.sem_alloc : memref<!tpu.dma_semaphore, #tpu.memory_space<semaphore_mem>>
      tpu.enqueue_dma source(%arg4 : memref<64xf32, #tpu.memory_space<hbm>>) target(%arg10 : memref<64xf32, #tpu.memory_space<vmem>>) target_semaphore(%run_scoped3A : memref<!tpu.dma_semaphore, #tpu.memory_space<semaphore_mem>>)
      tpu.wait_dma2 semaphore(%run_scoped3A : memref<!tpu.dma_semaphore, #tpu.memory_space<semaphore_mem>>) src(%arg4 : memref<64xf32, #tpu.memory_space<hbm>>) dst(%arg10 : memref<64xf32, #tpu.memory_space<vmem>>)
      tpu.yield
    }) : () -> ()
    %get3A = arith.constant 0 : index
    %get3A_1 = tpu.vector_load %arg10[%get3A] {strides = array<i32>} : memref<64xf32, #tpu.memory_space<vmem>>, vector<16xf32>,
    %get3A_2 = vector.shape_cast %get3A_1 : vector<16xf32> to vector<16xf32>
    %get3A_3 = arith.constant 16 : index
    %get3A_4 = tpu.vector_load %arg10[%get3A_3] {strides = array<i32>} : memref<64xf32, #tpu.memory_space<vmem>>, vector<16xf32>,
    %get3A_5 = vector.shape_cast %get3A_4 : vector<16xf32> to vector<16xf32>
    %get3A_6 = arith.constant 32 : index
    %get3A_7 = tpu.vector_load %arg10[%get3A_6] {strides = array<i32>} : memref<64xf32, #tpu.memory_space<vmem>>, vector<16xf32>,
    %get3A_8 = vector.shape_cast %get3A_7 : vector<16xf32> to vector<16xf32>
    %get3A_9 = arith.constant 48 : index
    %get3A_10 = tpu.vector_load %arg10[%get3A_9] {strides = array<i32>} : memref<64xf32, #tpu.memory_space<vmem>>, vector<16xf32>,
    %get3A_11 = vector.shape_cast %get3A_10 : vector<16xf32> to vector<16xf32>
    %scan3A = arith.constant 0 : i32
    %scan3A_12 = arith.constant 256 : i32
    %scan3A_13 = arith.addi %scan3A, %scan3A_12 : i32
    %scan3A_14 = arith.constant 1 : i32
    scf.for %scan3A_214 = %scan3A to %scan3A_13 step %scan3A_14  : i32 {
      %mul3A_215 = arith.constant 16 : i32
      %mul3A_216 = arith.muli %scan3A_214, %mul3A_215 : i32
      %add3A_217 = arith.constant 0 : i32
      %add3A_218 = arith.addi %add3A_217, %mul3A_216 : i32
      %swap3A = arith.index_cast %add3A_218 : i32 to index
      %swap3A_219 = tpu.vector_load %arg11[%swap3A] {strides = array<i32>} : memref<4096xf32, #tpu.memory_space<vmem>>, vector<16xf32>,
      %swap3A_220 = vector.shape_cast %swap3A_219 : vector<16xf32> to vector<16xf32>
      %swap3A_221 = vector.shape_cast %get3A_11 : vector<16xf32> to vector<16xf32>
      tpu.vector_store %arg11[%swap3A], %swap3A_221 {strides = array<i32>} : memref<4096xf32, #tpu.memory_space<vmem>>, vector<16xf32>,
    }
    %scan3A_15 = arith.constant 256 : i32
    %mul3A_16 = arith.constant 65536 : i32
    %mul3A_17 = arith.muli %arg1, %mul3A_16 : i32
    %add3A_18 = arith.constant 0 : i32
    %add3A_19 = arith.addi %mul3A_17, %add3A_18 : i32
    %dma_start3A = tpu.memref_slice %arg12[%add3A_19] : memref<1048576xf32, #tpu.memory_space<vmem_shared>> -> memref<4096xf32, #tpu.memory_space<vmem_shared>>
    %dma_start3A_20 = tpu.memref_slice %arg12[%add3A_19] : memref<1048576xf32, #tpu.memory_space<vmem_shared>> -> memref<4096xf32, #tpu.memory_space<vmem_shared>>
    tpu.enqueue_dma source(%arg11 : memref<4096xf32, #tpu.memory_space<vmem>>) target(%dma_start3A_20 : memref<4096xf32, #tpu.memory_space<vmem_shared>>) target_semaphore(%arg13 : memref<!tpu.dma_semaphore, #tpu.memory_space<semaphore_mem>>)
    %mul3A_21 = arith.constant 65536 : i32
    %mul3A_22 = arith.muli %arg1, %mul3A_21 : i32
    %add3A_23 = arith.constant 4096 : i32
    %add3A_24 = arith.addi %mul3A_22, %add3A_23 : i32
    %dma_start3A_25 = tpu.memref_slice %arg12[%add3A_24] : memref<1048576xf32, #tpu.memory_space<vmem_shared>> -> memref<4096xf32, #tpu.memory_space<vmem_shared>>
    %dma_start3A_26 = tpu.memref_slice %arg12[%add3A_24] : memref<1048576xf32, #tpu.memory_space<vmem_shared>> -> memref<4096xf32, #tpu.memory_space<vmem_shared>>
    tpu.enqueue_dma source(%arg11 : memref<4096xf32, #tpu.memory_space<vmem>>) target(%dma_start3A_26 : memref<4096xf32, #tpu.memory_space<vmem_shared>>) target_semaphore(%arg13 : memref<!tpu.dma_semaphore, #tpu.memory_space<semaphore_mem>>)
    %mul3A_27 = arith.constant 65536 : i32
    %mul3A_28 = arith.muli %arg1, %mul3A_27 : i32
    %add3A_29 = arith.constant 8192 : i32
    %add3A_30 = arith.addi %mul3A_28, %add3A_29 : i32
    %dma_start3A_31 = tpu.memref_slice %arg12[%add3A_30] : memref<1048576xf32, #tpu.memory_space<vmem_shared>> -> memref<4096xf32, #tpu.memory_space<vmem_shared>>
    %dma_start3A_32 = tpu.memref_slice %arg12[%add3A_30] : memref<1048576xf32, #tpu.memory_space<vmem_shared>> -> memref<4096xf32, #tpu.memory_space<vmem_shared>>
    tpu.enqueue_dma source(%arg11 : memref<4096xf32, #tpu.memory_space<vmem>>) target(%dma_start3A_32 : memref<4096xf32, #tpu.memory_space<vmem_shared>>) target_semaphore(%arg13 : memref<!tpu.dma_semaphore, #tpu.memory_space<semaphore_mem>>)
    %mul3A_33 = arith.constant 65536 : i32
    %mul3A_34 = arith.muli %arg1, %mul3A_33 : i32
    %add3A_35 = arith.constant 12288 : i32
    %add3A_36 = arith.addi %mul3A_34, %add3A_35 : i32
    %dma_start3A_37 = tpu.memref_slice %arg12[%add3A_36] : memref<1048576xf32, #tpu.memory_space<vmem_shared>> -> memref<4096xf32, #tpu.memory_space<vmem_shared>>
    %dma_start3A_38 = tpu.memref_slice %arg12[%add3A_36] : memref<1048576xf32, #tpu.memory_space<vmem_shared>> -> memref<4096xf32, #tpu.memory_space<vmem_shared>>
    tpu.enqueue_dma source(%arg11 : memref<4096xf32, #tpu.memory_space<vmem>>) target(%dma_start3A_38 : memref<4096xf32, #tpu.memory_space<vmem_shared>>) target_semaphore(%arg13 : memref<!tpu.dma_semaphore, #tpu.memory_space<semaphore_mem>>)
    %mul3A_39 = arith.constant 65536 : i32
    %mul3A_40 = arith.muli %arg1, %mul3A_39 : i32
    %add3A_41 = arith.constant 16384 : i32
    %add3A_42 = arith.addi %mul3A_40, %add3A_41 : i32
    %dma_start3A_43 = tpu.memref_slice %arg12[%add3A_42] : memref<1048576xf32, #tpu.memory_space<vmem_shared>> -> memref<4096xf32, #tpu.memory_space<vmem_shared>>
    %dma_start3A_44 = tpu.memref_slice %arg12[%add3A_42] : memref<1048576xf32, #tpu.memory_space<vmem_shared>> -> memref<4096xf32, #tpu.memory_space<vmem_shared>>
    tpu.enqueue_dma source(%arg11 : memref<4096xf32, #tpu.memory_space<vmem>>) target(%dma_start3A_44 : memref<4096xf32, #tpu.memory_space<vmem_shared>>) target_semaphore(%arg13 : memref<!tpu.dma_semaphore, #tpu.memory_space<semaphore_mem>>)
    %mul3A_45 = arith.constant 65536 : i32
    %mul3A_46 = arith.muli %arg1, %mul3A_45 : i32
    %add3A_47 = arith.constant 20480 : i32
    %add3A_48 = arith.addi %mul3A_46, %add3A_47 : i32
    %dma_start3A_49 = tpu.memref_slice %arg12[%add3A_48] : memref<1048576xf32, #tpu.memory_space<vmem_shared>> -> memref<4096xf32, #tpu.memory_space<vmem_shared>>
    %dma_start3A_50 = tpu.memref_slice %arg12[%add3A_48] : memref<1048576xf32, #tpu.memory_space<vmem_shared>> -> memref<4096xf32, #tpu.memory_space<vmem_shared>>
    tpu.enqueue_dma source(%arg11 : memref<4096xf32, #tpu.memory_space<vmem>>) target(%dma_start3A_50 : memref<4096xf32, #tpu.memory_space<vmem_shared>>) target_semaphore(%arg13 : memref<!tpu.dma_semaphore, #tpu.memory_space<semaphore_mem>>)
    %mul3A_51 = arith.constant 65536 : i32
    %mul3A_52 = arith.muli %arg1, %mul3A_51 : i32
    %add3A_53 = arith.constant 24576 : i32
    %add3A_54 = arith.addi %mul3A_52, %add3A_53 : i32
    %dma_start3A_55 = tpu.memref_slice %arg12[%add3A_54] : memref<1048576xf32, #tpu.memory_space<vmem_shared>> -> memref<4096xf32, #tpu.memory_space<vmem_shared>>
    %dma_start3A_56 = tpu.memref_slice %arg12[%add3A_54] : memref<1048576xf32, #tpu.memory_space<vmem_shared>> -> memref<4096xf32, #tpu.memory_space<vmem_shared>>
    tpu.enqueue_dma source(%arg11 : memref<4096xf32, #tpu.memory_space<vmem>>) target(%dma_start3A_56 : memref<4096xf32, #tpu.memory_space<vmem_shared>>) target_semaphore(%arg13 : memref<!tpu.dma_semaphore, #tpu.memory_space<semaphore_mem>>)
    %mul3A_57 = arith.constant 65536 : i32
    %mul3A_58 = arith.muli %arg1, %mul3A_57 : i32
    %add3A_59 = arith.constant 28672 : i32
    %add3A_60 = arith.addi %mul3A_58, %add3A_59 : i32
    %dma_start3A_61 = tpu.memref_slice %arg12[%add3A_60] : memref<1048576xf32, #tpu.memory_space<vmem_shared>> -> memref<4096xf32, #tpu.memory_space<vmem_shared>>
    %dma_start3A_62 = tpu.memref_slice %arg12[%add3A_60] : memref<1048576xf32, #tpu.memory_space<vmem_shared>> -> memref<4096xf32, #tpu.memory_space<vmem_shared>>
    tpu.enqueue_dma source(%arg11 : memref<4096xf32, #tpu.memory_space<vmem>>) target(%dma_start3A_62 : memref<4096xf32, #tpu.memory_space<vmem_shared>>) target_semaphore(%arg13 : memref<!tpu.dma_semaphore, #tpu.memory_space<semaphore_mem>>)
    %mul3A_63 = arith.constant 65536 : i32
    %mul3A_64 = arith.muli %arg1, %mul3A_63 : i32
    %add3A_65 = arith.constant 32768 : i32
    %add3A_66 = arith.addi %mul3A_64, %add3A_65 : i32
    %dma_start3A_67 = tpu.memref_slice %arg12[%add3A_66] : memref<1048576xf32, #tpu.memory_space<vmem_shared>> -> memref<4096xf32, #tpu.memory_space<vmem_shared>>
    %dma_start3A_68 = tpu.memref_slice %arg12[%add3A_66] : memref<1048576xf32, #tpu.memory_space<vmem_shared>> -> memref<4096xf32, #tpu.memory_space<vmem_shared>>
    tpu.enqueue_dma source(%arg11 : memref<4096xf32, #tpu.memory_space<vmem>>) target(%dma_start3A_68 : memref<4096xf32, #tpu.memory_space<vmem_shared>>) target_semaphore(%arg13 : memref<!tpu.dma_semaphore, #tpu.memory_space<semaphore_mem>>)
    %mul3A_69 = arith.constant 65536 : i32
    %mul3A_70 = arith.muli %arg1, %mul3A_69 : i32
    %add3A_71 = arith.constant 36864 : i32
    %add3A_72 = arith.addi %mul3A_70, %add3A_71 : i32
    %dma_start3A_73 = tpu.memref_slice %arg12[%add3A_72] : memref<1048576xf32, #tpu.memory_space<vmem_shared>> -> memref<4096xf32, #tpu.memory_space<vmem_shared>>
    %dma_start3A_74 = tpu.memref_slice %arg12[%add3A_72] : memref<1048576xf32, #tpu.memory_space<vmem_shared>> -> memref<4096xf32, #tpu.memory_space<vmem_shared>>
    tpu.enqueue_dma source(%arg11 : memref<4096xf32, #tpu.memory_space<vmem>>) target(%dma_start3A_74 : memref<4096xf32, #tpu.memory_space<vmem_shared>>) target_semaphore(%arg13 : memref<!tpu.dma_semaphore, #tpu.memory_space<semaphore_mem>>)
    %mul3A_75 = arith.constant 65536 : i32
    %mul3A_76 = arith.muli %arg1, %mul3A_75 : i32
    %add3A_77 = arith.constant 40960 : i32
    %add3A_78 = arith.addi %mul3A_76, %add3A_77 : i32
    %dma_start3A_79 = tpu.memref_slice %arg12[%add3A_78] : memref<1048576xf32, #tpu.memory_space<vmem_shared>> -> memref<4096xf32, #tpu.memory_space<vmem_shared>>
    %dma_start3A_80 = tpu.memref_slice %arg12[%add3A_78] : memref<1048576xf32, #tpu.memory_space<vmem_shared>> -> memref<4096xf32, #tpu.memory_space<vmem_shared>>
    tpu.enqueue_dma source(%arg11 : memref<4096xf32, #tpu.memory_space<vmem>>) target(%dma_start3A_80 : memref<4096xf32, #tpu.memory_space<vmem_shared>>) target_semaphore(%arg13 : memref<!tpu.dma_semaphore, #tpu.memory_space<semaphore_mem>>)
    %mul3A_81 = arith.constant 65536 : i32
    %mul3A_82 = arith.muli %arg1, %mul3A_81 : i32
    %add3A_83 = arith.constant 45056 : i32
    %add3A_84 = arith.addi %mul3A_82, %add3A_83 : i32
    %dma_start3A_85 = tpu.memref_slice %arg12[%add3A_84] : memref<1048576xf32, #tpu.memory_space<vmem_shared>> -> memref<4096xf32, #tpu.memory_space<vmem_shared>>
    %dma_start3A_86 = tpu.memref_slice %arg12[%add3A_84] : memref<1048576xf32, #tpu.memory_space<vmem_shared>> -> memref<4096xf32, #tpu.memory_space<vmem_shared>>
    tpu.enqueue_dma source(%arg11 : memref<4096xf32, #tpu.memory_space<vmem>>) target(%dma_start3A_86 : memref<4096xf32, #tpu.memory_space<vmem_shared>>) target_semaphore(%arg13 : memref<!tpu.dma_semaphore, #tpu.memory_space<semaphore_mem>>)
    %mul3A_87 = arith.constant 65536 : i32
    %mul3A_88 = arith.muli %arg1, %mul3A_87 : i32
    %add3A_89 = arith.constant 49152 : i32
    %add3A_90 = arith.addi %mul3A_88, %add3A_89 : i32
    %dma_start3A_91 = tpu.memref_slice %arg12[%add3A_90] : memref<1048576xf32, #tpu.memory_space<vmem_shared>> -> memref<4096xf32, #tpu.memory_space<vmem_shared>>
    %dma_start3A_92 = tpu.memref_slice %arg12[%add3A_90] : memref<1048576xf32, #tpu.memory_space<vmem_shared>> -> memref<4096xf32, #tpu.memory_space<vmem_shared>>
    tpu.enqueue_dma source(%arg11 : memref<4096xf32, #tpu.memory_space<vmem>>) target(%dma_start3A_92 : memref<4096xf32, #tpu.memory_space<vmem_shared>>) target_semaphore(%arg13 : memref<!tpu.dma_semaphore, #tpu.memory_space<semaphore_mem>>)
    %mul3A_93 = arith.constant 65536 : i32
    %mul3A_94 = arith.muli %arg1, %mul3A_93 : i32
    %add3A_95 = arith.constant 53248 : i32
    %add3A_96 = arith.addi %mul3A_94, %add3A_95 : i32
    %dma_start3A_97 = tpu.memref_slice %arg12[%add3A_96] : memref<1048576xf32, #tpu.memory_space<vmem_shared>> -> memref<4096xf32, #tpu.memory_space<vmem_shared>>
    %dma_start3A_98 = tpu.memref_slice %arg12[%add3A_96] : memref<1048576xf32, #tpu.memory_space<vmem_shared>> -> memref<4096xf32, #tpu.memory_space<vmem_shared>>
    tpu.enqueue_dma source(%arg11 : memref<4096xf32, #tpu.memory_space<vmem>>) target(%dma_start3A_98 : memref<4096xf32, #tpu.memory_space<vmem_shared>>) target_semaphore(%arg13 : memref<!tpu.dma_semaphore, #tpu.memory_space<semaphore_mem>>)
    %mul3A_99 = arith.constant 65536 : i32
    %mul3A_100 = arith.muli %arg1, %mul3A_99 : i32
    %add3A_101 = arith.constant 57344 : i32
    %add3A_102 = arith.addi %mul3A_100, %add3A_101 : i32
    %dma_start3A_103 = tpu.memref_slice %arg12[%add3A_102] : memref<1048576xf32, #tpu.memory_space<vmem_shared>> -> memref<4096xf32, #tpu.memory_space<vmem_shared>>
    %dma_start3A_104 = tpu.memref_slice %arg12[%add3A_102] : memref<1048576xf32, #tpu.memory_space<vmem_shared>> -> memref<4096xf32, #tpu.memory_space<vmem_shared>>
    tpu.enqueue_dma source(%arg11 : memref<4096xf32, #tpu.memory_space<vmem>>) target(%dma_start3A_104 : memref<4096xf32, #tpu.memory_space<vmem_shared>>) target_semaphore(%arg13 : memref<!tpu.dma_semaphore, #tpu.memory_space<semaphore_mem>>)
    %mul3A_105 = arith.constant 65536 : i32
    %mul3A_106 = arith.muli %arg1, %mul3A_105 : i32
    %add3A_107 = arith.constant 61440 : i32
    %add3A_108 = arith.addi %mul3A_106, %add3A_107 : i32
    %dma_start3A_109 = tpu.memref_slice %arg12[%add3A_108] : memref<1048576xf32, #tpu.memory_space<vmem_shared>> -> memref<4096xf32, #tpu.memory_space<vmem_shared>>
    %dma_start3A_110 = tpu.memref_slice %arg12[%add3A_108] : memref<1048576xf32, #tpu.memory_space<vmem_shared>> -> memref<4096xf32, #tpu.memory_space<vmem_shared>>
    tpu.enqueue_dma source(%arg11 : memref<4096xf32, #tpu.memory_space<vmem>>) target(%dma_start3A_110 : memref<4096xf32, #tpu.memory_space<vmem_shared>>) target_semaphore(%arg13 : memref<!tpu.dma_semaphore, #tpu.memory_space<semaphore_mem>>)
    %dma_wait3A = tpu.memref_slice %arg12[%add3A_19] : memref<1048576xf32, #tpu.memory_space<vmem_shared>> -> memref<4096xf32, #tpu.memory_space<vmem_shared>>
    %dma_wait3A_111 = tpu.memref_slice %arg12[%add3A_19] : memref<1048576xf32, #tpu.memory_space<vmem_shared>> -> memref<4096xf32, #tpu.memory_space<vmem_shared>>
    tpu.wait_dma2 semaphore(%arg13 : memref<!tpu.dma_semaphore, #tpu.memory_space<semaphore_mem>>) src(%arg11 : memref<4096xf32, #tpu.memory_space<vmem>>) dst(%dma_wait3A_111 : memref<4096xf32, #tpu.memory_space<vmem_shared>>)
    %dma_wait3A_112 = tpu.memref_slice %arg12[%add3A_24] : memref<1048576xf32, #tpu.memory_space<vmem_shared>> -> memref<4096xf32, #tpu.memory_space<vmem_shared>>
    %dma_wait3A_113 = tpu.memref_slice %arg12[%add3A_24] : memref<1048576xf32, #tpu.memory_space<vmem_shared>> -> memref<4096xf32, #tpu.memory_space<vmem_shared>>
    tpu.wait_dma2 semaphore(%arg13 : memref<!tpu.dma_semaphore, #tpu.memory_space<semaphore_mem>>) src(%arg11 : memref<4096xf32, #tpu.memory_space<vmem>>) dst(%dma_wait3A_113 : memref<4096xf32, #tpu.memory_space<vmem_shared>>)
    %dma_wait3A_114 = tpu.memref_slice %arg12[%add3A_30] : memref<1048576xf32, #tpu.memory_space<vmem_shared>> -> memref<4096xf32, #tpu.memory_space<vmem_shared>>
    %dma_wait3A_115 = tpu.memref_slice %arg12[%add3A_30] : memref<1048576xf32, #tpu.memory_space<vmem_shared>> -> memref<4096xf32, #tpu.memory_space<vmem_shared>>
    tpu.wait_dma2 semaphore(%arg13 : memref<!tpu.dma_semaphore, #tpu.memory_space<semaphore_mem>>) src(%arg11 : memref<4096xf32, #tpu.memory_space<vmem>>) dst(%dma_wait3A_115 : memref<4096xf32, #tpu.memory_space<vmem_shared>>)
    %dma_wait3A_116 = tpu.memref_slice %arg12[%add3A_36] : memref<1048576xf32, #tpu.memory_space<vmem_shared>> -> memref<4096xf32, #tpu.memory_space<vmem_shared>>
    %dma_wait3A_117 = tpu.memref_slice %arg12[%add3A_36] : memref<1048576xf32, #tpu.memory_space<vmem_shared>> -> memref<4096xf32, #tpu.memory_space<vmem_shared>>
    tpu.wait_dma2 semaphore(%arg13 : memref<!tpu.dma_semaphore, #tpu.memory_space<semaphore_mem>>) src(%arg11 : memref<4096xf32, #tpu.memory_space<vmem>>) dst(%dma_wait3A_117 : memref<4096xf32, #tpu.memory_space<vmem_shared>>)
    %dma_wait3A_118 = tpu.memref_slice %arg12[%add3A_42] : memref<1048576xf32, #tpu.memory_space<vmem_shared>> -> memref<4096xf32, #tpu.memory_space<vmem_shared>>
    %dma_wait3A_119 = tpu.memref_slice %arg12[%add3A_42] : memref<1048576xf32, #tpu.memory_space<vmem_shared>> -> memref<4096xf32, #tpu.memory_space<vmem_shared>>
    tpu.wait_dma2 semaphore(%arg13 : memref<!tpu.dma_semaphore, #tpu.memory_space<semaphore_mem>>) src(%arg11 : memref<4096xf32, #tpu.memory_space<vmem>>) dst(%dma_wait3A_119 : memref<4096xf32, #tpu.memory_space<vmem_shared>>)
    %dma_wait3A_120 = tpu.memref_slice %arg12[%add3A_48] : memref<1048576xf32, #tpu.memory_space<vmem_shared>> -> memref<4096xf32, #tpu.memory_space<vmem_shared>>
    %dma_wait3A_121 = tpu.memref_slice %arg12[%add3A_48] : memref<1048576xf32, #tpu.memory_space<vmem_shared>> -> memref<4096xf32, #tpu.memory_space<vmem_shared>>
    tpu.wait_dma2 semaphore(%arg13 : memref<!tpu.dma_semaphore, #tpu.memory_space<semaphore_mem>>) src(%arg11 : memref<4096xf32, #tpu.memory_space<vmem>>) dst(%dma_wait3A_121 : memref<4096xf32, #tpu.memory_space<vmem_shared>>)
    %dma_wait3A_122 = tpu.memref_slice %arg12[%add3A_54] : memref<1048576xf32, #tpu.memory_space<vmem_shared>> -> memref<4096xf32, #tpu.memory_space<vmem_shared>>
    %dma_wait3A_123 = tpu.memref_slice %arg12[%add3A_54] : memref<1048576xf32, #tpu.memory_space<vmem_shared>> -> memref<4096xf32, #tpu.memory_space<vmem_shared>>
    tpu.wait_dma2 semaphore(%arg13 : memref<!tpu.dma_semaphore, #tpu.memory_space<semaphore_mem>>) src(%arg11 : memref<4096xf32, #tpu.memory_space<vmem>>) dst(%dma_wait3A_123 : memref<4096xf32, #tpu.memory_space<vmem_shared>>)
    %dma_wait3A_124 = tpu.memref_slice %arg12[%add3A_60] : memref<1048576xf32, #tpu.memory_space<vmem_shared>> -> memref<4096xf32, #tpu.memory_space<vmem_shared>>
    %dma_wait3A_125 = tpu.memref_slice %arg12[%add3A_60] : memref<1048576xf32, #tpu.memory_space<vmem_shared>> -> memref<4096xf32, #tpu.memory_space<vmem_shared>>
    tpu.wait_dma2 semaphore(%arg13 : memref<!tpu.dma_semaphore, #tpu.memory_space<semaphore_mem>>) src(%arg11 : memref<4096xf32, #tpu.memory_space<vmem>>) dst(%dma_wait3A_125 : memref<4096xf32, #tpu.memory_space<vmem_shared>>)
    %dma_wait3A_126 = tpu.memref_slice %arg12[%add3A_66] : memref<1048576xf32, #tpu.memory_space<vmem_shared>> -> memref<4096xf32, #tpu.memory_space<vmem_shared>>
    %dma_wait3A_127 = tpu.memref_slice %arg12[%add3A_66] : memref<1048576xf32, #tpu.memory_space<vmem_shared>> -> memref<4096xf32, #tpu.memory_space<vmem_shared>>
    tpu.wait_dma2 semaphore(%arg13 : memref<!tpu.dma_semaphore, #tpu.memory_space<semaphore_mem>>) src(%arg11 : memref<4096xf32, #tpu.memory_space<vmem>>) dst(%dma_wait3A_127 : memref<4096xf32, #tpu.memory_space<vmem_shared>>)
    %dma_wait3A_128 = tpu.memref_slice %arg12[%add3A_72] : memref<1048576xf32, #tpu.memory_space<vmem_shared>> -> memref<4096xf32, #tpu.memory_space<vmem_shared>>
    %dma_wait3A_129 = tpu.memref_slice %arg12[%add3A_72] : memref<1048576xf32, #tpu.memory_space<vmem_shared>> -> memref<4096xf32, #tpu.memory_space<vmem_shared>>
    tpu.wait_dma2 semaphore(%arg13 : memref<!tpu.dma_semaphore, #tpu.memory_space<semaphore_mem>>) src(%arg11 : memref<4096xf32, #tpu.memory_space<vmem>>) dst(%dma_wait3A_129 : memref<4096xf32, #tpu.memory_space<vmem_shared>>)
    %dma_wait3A_130 = tpu.memref_slice %arg12[%add3A_78] : memref<1048576xf32, #tpu.memory_space<vmem_shared>> -> memref<4096xf32, #tpu.memory_space<vmem_shared>>
    %dma_wait3A_131 = tpu.memref_slice %arg12[%add3A_78] : memref<1048576xf32, #tpu.memory_space<vmem_shared>> -> memref<4096xf32, #tpu.memory_space<vmem_shared>>
    tpu.wait_dma2 semaphore(%arg13 : memref<!tpu.dma_semaphore, #tpu.memory_space<semaphore_mem>>) src(%arg11 : memref<4096xf32, #tpu.memory_space<vmem>>) dst(%dma_wait3A_131 : memref<4096xf32, #tpu.memory_space<vmem_shared>>)
    %dma_wait3A_132 = tpu.memref_slice %arg12[%add3A_84] : memref<1048576xf32, #tpu.memory_space<vmem_shared>> -> memref<4096xf32, #tpu.memory_space<vmem_shared>>
    %dma_wait3A_133 = tpu.memref_slice %arg12[%add3A_84] : memref<1048576xf32, #tpu.memory_space<vmem_shared>> -> memref<4096xf32, #tpu.memory_space<vmem_shared>>
    tpu.wait_dma2 semaphore(%arg13 : memref<!tpu.dma_semaphore, #tpu.memory_space<semaphore_mem>>) src(%arg11 : memref<4096xf32, #tpu.memory_space<vmem>>) dst(%dma_wait3A_133 : memref<4096xf32, #tpu.memory_space<vmem_shared>>)
    %dma_wait3A_134 = tpu.memref_slice %arg12[%add3A_90] : memref<1048576xf32, #tpu.memory_space<vmem_shared>> -> memref<4096xf32, #tpu.memory_space<vmem_shared>>
    %dma_wait3A_135 = tpu.memref_slice %arg12[%add3A_90] : memref<1048576xf32, #tpu.memory_space<vmem_shared>> -> memref<4096xf32, #tpu.memory_space<vmem_shared>>
    tpu.wait_dma2 semaphore(%arg13 : memref<!tpu.dma_semaphore, #tpu.memory_space<semaphore_mem>>) src(%arg11 : memref<4096xf32, #tpu.memory_space<vmem>>) dst(%dma_wait3A_135 : memref<4096xf32, #tpu.memory_space<vmem_shared>>)
    %dma_wait3A_136 = tpu.memref_slice %arg12[%add3A_96] : memref<1048576xf32, #tpu.memory_space<vmem_shared>> -> memref<4096xf32, #tpu.memory_space<vmem_shared>>
    %dma_wait3A_137 = tpu.memref_slice %arg12[%add3A_96] : memref<1048576xf32, #tpu.memory_space<vmem_shared>> -> memref<4096xf32, #tpu.memory_space<vmem_shared>>
    tpu.wait_dma2 semaphore(%arg13 : memref<!tpu.dma_semaphore, #tpu.memory_space<semaphore_mem>>) src(%arg11 : memref<4096xf32, #tpu.memory_space<vmem>>) dst(%dma_wait3A_137 : memref<4096xf32, #tpu.memory_space<vmem_shared>>)
    %dma_wait3A_138 = tpu.memref_slice %arg12[%add3A_102] : memref<1048576xf32, #tpu.memory_space<vmem_shared>> -> memref<4096xf32, #tpu.memory_space<vmem_shared>>
    %dma_wait3A_139 = tpu.memref_slice %arg12[%add3A_102] : memref<1048576xf32, #tpu.memory_space<vmem_shared>> -> memref<4096xf32, #tpu.memory_space<vmem_shared>>
    tpu.wait_dma2 semaphore(%arg13 : memref<!tpu.dma_semaphore, #tpu.memory_space<semaphore_mem>>) src(%arg11 : memref<4096xf32, #tpu.memory_space<vmem>>) dst(%dma_wait3A_139 : memref<4096xf32, #tpu.memory_space<vmem_shared>>)
    %dma_wait3A_140 = tpu.memref_slice %arg12[%add3A_108] : memref<1048576xf32, #tpu.memory_space<vmem_shared>> -> memref<4096xf32, #tpu.memory_space<vmem_shared>>
    %dma_wait3A_141 = tpu.memref_slice %arg12[%add3A_108] : memref<1048576xf32, #tpu.memory_space<vmem_shared>> -> memref<4096xf32, #tpu.memory_space<vmem_shared>>
    tpu.wait_dma2 semaphore(%arg13 : memref<!tpu.dma_semaphore, #tpu.memory_space<semaphore_mem>>) src(%arg11 : memref<4096xf32, #tpu.memory_space<vmem>>) dst(%dma_wait3A_141 : memref<4096xf32, #tpu.memory_space<vmem_shared>>)
    %barrier3A = arith.constant 0 : index
    tpu.barrier barrier_id(%barrier3A)
    %mul3A_142 = arith.constant 131072 : i32
    %mul3A_143 = arith.muli %add3A, %mul3A_142 : i32
    %scan3A_144 = arith.constant 0 : i32
    %scan3A_145 = arith.constant 16 : i32
    %scan3A_146 = arith.addi %scan3A_144, %scan3A_145 : i32
    %scan3A_147 = arith.constant 1 : i32
    scf.for %scan3A_214 = %scan3A_144 to %scan3A_146 step %scan3A_147  : i32 {
      %mul3A_215 = arith.constant 1 : i32
      %mul3A_216 = arith.muli %scan3A_214, %mul3A_215 : i32
      %add3A_217 = arith.constant 0 : i32
      %add3A_218 = arith.addi %add3A_217, %mul3A_216 : i32
      %mul3A_219 = arith.constant 8192 : i32
      %mul3A_220 = arith.muli %add3A_218, %mul3A_219 : i32
      %add3A_221 = arith.addi %mul3A_143, %mul3A_220 : i32
      "tpu.region"() ({
        %run_scoped3A = tpu.sem_alloc : memref<!tpu.dma_semaphore, #tpu.memory_space<semaphore_mem>>
        %dma_start3A_1194 = tpu.memref_slice %arg2[%add3A_221] : memref<4194304xi32, #tpu.memory_space<hbm>> -> memref<8192xi32, #tpu.memory_space<hbm>>
        %dma_start3A_1195 = tpu.memref_slice %arg2[%add3A_221] : memref<4194304xi32, #tpu.memory_space<hbm>> -> memref<8192xi32, #tpu.memory_space<hbm>>
        tpu.enqueue_dma source(%dma_start3A_1195 : memref<8192xi32, #tpu.memory_space<hbm>>) target(%arg6 : memref<8192xi32, #tpu.memory_space<vmem>>) target_semaphore(%run_scoped3A : memref<!tpu.dma_semaphore, #tpu.memory_space<semaphore_mem>>)
        %dma_wait3A_1196 = tpu.memref_slice %arg2[%add3A_221] : memref<4194304xi32, #tpu.memory_space<hbm>> -> memref<8192xi32, #tpu.memory_space<hbm>>
        %dma_wait3A_1197 = tpu.memref_slice %arg2[%add3A_221] : memref<4194304xi32, #tpu.memory_space<hbm>> -> memref<8192xi32, #tpu.memory_space<hbm>>
        tpu.wait_dma2 semaphore(%run_scoped3A : memref<!tpu.dma_semaphore, #tpu.memory_space<semaphore_mem>>) src(%dma_wait3A_1197 : memref<8192xi32, #tpu.memory_space<hbm>>) dst(%arg6 : memref<8192xi32, #tpu.memory_space<vmem>>)
        tpu.yield
      }) : () -> ()
      "tpu.region"() ({
        %run_scoped3A = tpu.sem_alloc : memref<!tpu.dma_semaphore, #tpu.memory_space<semaphore_mem>>
        %dma_start3A_1194 = tpu.memref_slice %arg3[%add3A_221] : memref<4194304xf32, #tpu.memory_space<hbm>> -> memref<8192xf32, #tpu.memory_space<hbm>>
        %dma_start3A_1195 = tpu.memref_slice %arg3[%add3A_221] : memref<4194304xf32, #tpu.memory_space<hbm>> -> memref<8192xf32, #tpu.memory_space<hbm>>
        tpu.enqueue_dma source(%dma_start3A_1195 : memref<8192xf32, #tpu.memory_space<hbm>>) target(%arg7 : memref<8192xf32, #tpu.memory_space<vmem>>) target_semaphore(%run_scoped3A : memref<!tpu.dma_semaphore, #tpu.memory_space<semaphore_mem>>)
        %dma_wait3A_1196 = tpu.memref_slice %arg3[%add3A_221] : memref<4194304xf32, #tpu.memory_space<hbm>> -> memref<8192xf32, #tpu.memory_space<hbm>>
        %dma_wait3A_1197 = tpu.memref_slice %arg3[%add3A_221] : memref<4194304xf32, #tpu.memory_space<hbm>> -> memref<8192xf32, #tpu.memory_space<hbm>>
        tpu.wait_dma2 semaphore(%run_scoped3A : memref<!tpu.dma_semaphore, #tpu.memory_space<semaphore_mem>>) src(%dma_wait3A_1197 : memref<8192xf32, #tpu.memory_space<hbm>>) dst(%arg7 : memref<8192xf32, #tpu.memory_space<vmem>>)
        tpu.yield
      }) : () -> ()
      %scan3A_222 = arith.constant 0 : i32
      %scan3A_223 = arith.constant 32 : i32
      %scan3A_224 = arith.addi %scan3A_222, %scan3A_223 : i32
      %scan3A_225 = arith.constant 1 : i32
      scf.for %scan3A_1194 = %scan3A_222 to %scan3A_224 step %scan3A_225  : i32 {
        %mul3A_1195 = arith.constant 1 : i32
        %mul3A_1196 = arith.muli %scan3A_1194, %mul3A_1195 : i32
        %add3A_1197 = arith.constant 0 : i32
        %add3A_1198 = arith.addi %add3A_1197, %mul3A_1196 : i32
        %mul3A_1199 = arith.constant 128 : i32
        %mul3A_1200 = arith.muli %add3A_1198, %mul3A_1199 : i32
        %add3A_1201 = arith.constant 0 : i32
        %add3A_1202 = arith.addi %mul3A_1200, %add3A_1201 : i32
        %get3A_1203 = arith.index_cast %add3A_1202 : i32 to index
        %get3A_1204 = tpu.vector_load %arg7[%get3A_1203] {strides = array<i32>} : memref<8192xf32, #tpu.memory_space<vmem>>, vector<16xf32>,
        %get3A_1205 = vector.shape_cast %get3A_1204 : vector<16xf32> to vector<16xf32>
        %mul3A_1206 = arith.mulf %get3A_2, %get3A_1205 : vector<16xf32>
        %add3A_1207 = arith.addf %mul3A_1206, %get3A_5 : vector<16xf32>
        %mul3A_1208 = arith.mulf %add3A_1207, %get3A_1205 : vector<16xf32>
        %add3A_1209 = arith.addf %mul3A_1208, %get3A_8 : vector<16xf32>
        %swap3A = arith.index_cast %add3A_1198 : i32 to index
        %swap3A_1210 = arith.constant 0 : index
        %swap3A_1211 = tpu.vector_load %arg9[%swap3A, %swap3A_1210] {strides = array<i32>} : memref<64x128xf32, #tpu.memory_space<vmem>>, vector<1x16xf32>,
        %swap3A_1212 = vector.shape_cast %swap3A_1211 : vector<1x16xf32> to vector<16xf32>
        %swap3A_1213 = vector.shape_cast %add3A_1209 : vector<16xf32> to vector<1x16xf32>
        tpu.vector_store %arg9[%swap3A, %swap3A_1210], %swap3A_1213 {strides = array<i32>} : memref<64x128xf32, #tpu.memory_space<vmem>>, vector<1x16xf32>,
        %mul3A_1214 = arith.constant 128 : i32
        %mul3A_1215 = arith.muli %add3A_1198, %mul3A_1214 : i32
        %add3A_1216 = arith.constant 0 : i32
        %add3A_1217 = arith.addi %mul3A_1215, %add3A_1216 : i32
        %get3A_1218 = arith.index_cast %add3A_1217 : i32 to index
        %get3A_1219 = tpu.vector_load %arg6[%get3A_1218] {strides = array<i32>} : memref<8192xi32, #tpu.memory_space<vmem>>, vector<16xi32>,
        %get3A_1220 = vector.shape_cast %get3A_1219 : vector<16xi32> to vector<16xi32>
        %swap3A_1221 = arith.index_cast %add3A_1198 : i32 to index
        %swap3A_1222 = arith.constant 0 : index
        %swap3A_1223 = tpu.vector_load %arg8[%swap3A_1221, %swap3A_1222] {strides = array<i32>} : memref<64x128xi32, #tpu.memory_space<vmem>>, vector<1x16xi32>,
        %swap3A_1224 = vector.shape_cast %swap3A_1223 : vector<1x16xi32> to vector<16xi32>
        %swap3A_1225 = vector.shape_cast %get3A_1220 : vector<16xi32> to vector<1x16xi32>
        tpu.vector_store %arg8[%swap3A_1221, %swap3A_1222], %swap3A_1225 {strides = array<i32>} : memref<64x128xi32, #tpu.memory_space<vmem>>, vector<1x16xi32>,
        %mul3A_1226 = arith.constant 128 : i32
        %mul3A_1227 = arith.muli %add3A_1198, %mul3A_1226 : i32
        %add3A_1228 = arith.constant 16 : i32
        %add3A_1229 = arith.addi %mul3A_1227, %add3A_1228 : i32
        %get3A_1230 = arith.index_cast %add3A_1229 : i32 to index
        %get3A_1231 = tpu.vector_load %arg7[%get3A_1230] {strides = array<i32>} : memref<8192xf32, #tpu.memory_space<vmem>>, vector<16xf32>,
        %get3A_1232 = vector.shape_cast %get3A_1231 : vector<16xf32> to vector<16xf32>
        %mul3A_1233 = arith.mulf %get3A_2, %get3A_1232 : vector<16xf32>
        %add3A_1234 = arith.addf %mul3A_1233, %get3A_5 : vector<16xf32>
        %mul3A_1235 = arith.mulf %add3A_1234, %get3A_1232 : vector<16xf32>
        %add3A_1236 = arith.addf %mul3A_1235, %get3A_8 : vector<16xf32>
        %swap3A_1237 = arith.index_cast %add3A_1198 : i32 to index
        %swap3A_1238 = arith.constant 16 : index
        %swap3A_1239 = tpu.vector_load %arg9[%swap3A_1237, %swap3A_1238] {strides = array<i32>} : memref<64x128xf32, #tpu.memory_space<vmem>>, vector<1x16xf32>,
        %swap3A_1240 = vector.shape_cast %swap3A_1239 : vector<1x16xf32> to vector<16xf32>
        %swap3A_1241 = vector.shape_cast %add3A_1236 : vector<16xf32> to vector<1x16xf32>
        tpu.vector_store %arg9[%swap3A_1237, %swap3A_1238], %swap3A_1241 {strides = array<i32>} : memref<64x128xf32, #tpu.memory_space<vmem>>, vector<1x16xf32>,
        %mul3A_1242 = arith.constant 128 : i32
        %mul3A_1243 = arith.muli %add3A_1198, %mul3A_1242 : i32
        %add3A_1244 = arith.constant 16 : i32
        %add3A_1245 = arith.addi %mul3A_1243, %add3A_1244 : i32
        %get3A_1246 = arith.index_cast %add3A_1245 : i32 to index
        %get3A_1247 = tpu.vector_load %arg6[%get3A_1246] {strides = array<i32>} : memref<8192xi32, #tpu.memory_space<vmem>>, vector<16xi32>,
        %get3A_1248 = vector.shape_cast %get3A_1247 : vector<16xi32> to vector<16xi32>
        %swap3A_1249 = arith.index_cast %add3A_1198 : i32 to index
        %swap3A_1250 = arith.constant 16 : index
        %swap3A_1251 = tpu.vector_load %arg8[%swap3A_1249, %swap3A_1250] {strides = array<i32>} : memref<64x128xi32, #tpu.memory_space<vmem>>, vector<1x16xi32>,
        %swap3A_1252 = vector.shape_cast %swap3A_1251 : vector<1x16xi32> to vector<16xi32>
        %swap3A_1253 = vector.shape_cast %get3A_1248 : vector<16xi32> to vector<1x16xi32>
        tpu.vector_store %arg8[%swap3A_1249, %swap3A_1250], %swap3A_1253 {strides = array<i32>} : memref<64x128xi32, #tpu.memory_space<vmem>>, vector<1x16xi32>,
        %mul3A_1254 = arith.constant 128 : i32
        %mul3A_1255 = arith.muli %add3A_1198, %mul3A_1254 : i32
        %add3A_1256 = arith.constant 32 : i32
        %add3A_1257 = arith.addi %mul3A_1255, %add3A_1256 : i32
        %get3A_1258 = arith.index_cast %add3A_1257 : i32 to index
        %get3A_1259 = tpu.vector_load %arg7[%get3A_1258] {strides = array<i32>} : memref<8192xf32, #tpu.memory_space<vmem>>, vector<16xf32>,
        %get3A_1260 = vector.shape_cast %get3A_1259 : vector<16xf32> to vector<16xf32>
        %mul3A_1261 = arith.mulf %get3A_2, %get3A_1260 : vector<16xf32>
        %add3A_1262 = arith.addf %mul3A_1261, %get3A_5 : vector<16xf32>
        %mul3A_1263 = arith.mulf %add3A_1262, %get3A_1260 : vector<16xf32>
        %add3A_1264 = arith.addf %mul3A_1263, %get3A_8 : vector<16xf32>
        %swap3A_1265 = arith.index_cast %add3A_1198 : i32 to index
        %swap3A_1266 = arith.constant 32 : index
        %swap3A_1267 = tpu.vector_load %arg9[%swap3A_1265, %swap3A_1266] {strides = array<i32>} : memref<64x128xf32, #tpu.memory_space<vmem>>, vector<1x16xf32>,
        %swap3A_1268 = vector.shape_cast %swap3A_1267 : vector<1x16xf32> to vector<16xf32>
        %swap3A_1269 = vector.shape_cast %add3A_1264 : vector<16xf32> to vector<1x16xf32>
        tpu.vector_store %arg9[%swap3A_1265, %swap3A_1266], %swap3A_1269 {strides = array<i32>} : memref<64x128xf32, #tpu.memory_space<vmem>>, vector<1x16xf32>,
        %mul3A_1270 = arith.constant 128 : i32
        %mul3A_1271 = arith.muli %add3A_1198, %mul3A_1270 : i32
        %add3A_1272 = arith.constant 32 : i32
        %add3A_1273 = arith.addi %mul3A_1271, %add3A_1272 : i32
        %get3A_1274 = arith.index_cast %add3A_1273 : i32 to index
        %get3A_1275 = tpu.vector_load %arg6[%get3A_1274] {strides = array<i32>} : memref<8192xi32, #tpu.memory_space<vmem>>, vector<16xi32>,
        %get3A_1276 = vector.shape_cast %get3A_1275 : vector<16xi32> to vector<16xi32>
        %swap3A_1277 = arith.index_cast %add3A_1198 : i32 to index
        %swap3A_1278 = arith.constant 32 : index
        %swap3A_1279 = tpu.vector_load %arg8[%swap3A_1277, %swap3A_1278] {strides = array<i32>} : memref<64x128xi32, #tpu.memory_space<vmem>>, vector<1x16xi32>,
        %swap3A_1280 = vector.shape_cast %swap3A_1279 : vector<1x16xi32> to vector<16xi32>
        %swap3A_1281 = vector.shape_cast %get3A_1276 : vector<16xi32> to vector<1x16xi32>
        tpu.vector_store %arg8[%swap3A_1277, %swap3A_1278], %swap3A_1281 {strides = array<i32>} : memref<64x128xi32, #tpu.memory_space<vmem>>, vector<1x16xi32>,
        %mul3A_1282 = arith.constant 128 : i32
        %mul3A_1283 = arith.muli %add3A_1198, %mul3A_1282 : i32
        %add3A_1284 = arith.constant 48 : i32
        %add3A_1285 = arith.addi %mul3A_1283, %add3A_1284 : i32
        %get3A_1286 = arith.index_cast %add3A_1285 : i32 to index
        %get3A_1287 = tpu.vector_load %arg7[%get3A_1286] {strides = array<i32>} : memref<8192xf32, #tpu.memory_space<vmem>>, vector<16xf32>,
        %get3A_1288 = vector.shape_cast %get3A_1287 : vector<16xf32> to vector<16xf32>
        %mul3A_1289 = arith.mulf %get3A_2, %get3A_1288 : vector<16xf32>
        %add3A_1290 = arith.addf %mul3A_1289, %get3A_5 : vector<16xf32>
        %mul3A_1291 = arith.mulf %add3A_1290, %get3A_1288 : vector<16xf32>
        %add3A_1292 = arith.addf %mul3A_1291, %get3A_8 : vector<16xf32>
        %swap3A_1293 = arith.index_cast %add3A_1198 : i32 to index
        %swap3A_1294 = arith.constant 48 : index
        %swap3A_1295 = tpu.vector_load %arg9[%swap3A_1293, %swap3A_1294] {strides = array<i32>} : memref<64x128xf32, #tpu.memory_space<vmem>>, vector<1x16xf32>,
        %swap3A_1296 = vector.shape_cast %swap3A_1295 : vector<1x16xf32> to vector<16xf32>
        %swap3A_1297 = vector.shape_cast %add3A_1292 : vector<16xf32> to vector<1x16xf32>
        tpu.vector_store %arg9[%swap3A_1293, %swap3A_1294], %swap3A_1297 {strides = array<i32>} : memref<64x128xf32, #tpu.memory_space<vmem>>, vector<1x16xf32>,
        %mul3A_1298 = arith.constant 128 : i32
        %mul3A_1299 = arith.muli %add3A_1198, %mul3A_1298 : i32
        %add3A_1300 = arith.constant 48 : i32
        %add3A_1301 = arith.addi %mul3A_1299, %add3A_1300 : i32
        %get3A_1302 = arith.index_cast %add3A_1301 : i32 to index
        %get3A_1303 = tpu.vector_load %arg6[%get3A_1302] {strides = array<i32>} : memref<8192xi32, #tpu.memory_space<vmem>>, vector<16xi32>,
        %get3A_1304 = vector.shape_cast %get3A_1303 : vector<16xi32> to vector<16xi32>
        %swap3A_1305 = arith.index_cast %add3A_1198 : i32 to index
        %swap3A_1306 = arith.constant 48 : index
        %swap3A_1307 = tpu.vector_load %arg8[%swap3A_1305, %swap3A_1306] {strides = array<i32>} : memref<64x128xi32, #tpu.memory_space<vmem>>, vector<1x16xi32>,
        %swap3A_1308 = vector.shape_cast %swap3A_1307 : vector<1x16xi32> to vector<16xi32>
        %swap3A_1309 = vector.shape_cast %get3A_1304 : vector<16xi32> to vector<1x16xi32>
        tpu.vector_store %arg8[%swap3A_1305, %swap3A_1306], %swap3A_1309 {strides = array<i32>} : memref<64x128xi32, #tpu.memory_space<vmem>>, vector<1x16xi32>,
        %mul3A_1310 = arith.constant 128 : i32
        %mul3A_1311 = arith.muli %add3A_1198, %mul3A_1310 : i32
        %add3A_1312 = arith.constant 64 : i32
        %add3A_1313 = arith.addi %mul3A_1311, %add3A_1312 : i32
        %get3A_1314 = arith.index_cast %add3A_1313 : i32 to index
        %get3A_1315 = tpu.vector_load %arg7[%get3A_1314] {strides = array<i32>} : memref<8192xf32, #tpu.memory_space<vmem>>, vector<16xf32>,
        %get3A_1316 = vector.shape_cast %get3A_1315 : vector<16xf32> to vector<16xf32>
        %mul3A_1317 = arith.mulf %get3A_2, %get3A_1316 : vector<16xf32>
        %add3A_1318 = arith.addf %mul3A_1317, %get3A_5 : vector<16xf32>
        %mul3A_1319 = arith.mulf %add3A_1318, %get3A_1316 : vector<16xf32>
        %add3A_1320 = arith.addf %mul3A_1319, %get3A_8 : vector<16xf32>
        %swap3A_1321 = arith.index_cast %add3A_1198 : i32 to index
        %swap3A_1322 = arith.constant 64 : index
        %swap3A_1323 = tpu.vector_load %arg9[%swap3A_1321, %swap3A_1322] {strides = array<i32>} : memref<64x128xf32, #tpu.memory_space<vmem>>, vector<1x16xf32>,
        %swap3A_1324 = vector.shape_cast %swap3A_1323 : vector<1x16xf32> to vector<16xf32>
        %swap3A_1325 = vector.shape_cast %add3A_1320 : vector<16xf32> to vector<1x16xf32>
        tpu.vector_store %arg9[%swap3A_1321, %swap3A_1322], %swap3A_1325 {strides = array<i32>} : memref<64x128xf32, #tpu.memory_space<vmem>>, vector<1x16xf32>,
        %mul3A_1326 = arith.constant 128 : i32
        %mul3A_1327 = arith.muli %add3A_1198, %mul3A_1326 : i32
        %add3A_1328 = arith.constant 64 : i32
        %add3A_1329 = arith.addi %mul3A_1327, %add3A_1328 : i32
        %get3A_1330 = arith.index_cast %add3A_1329 : i32 to index
        %get3A_1331 = tpu.vector_load %arg6[%get3A_1330] {strides = array<i32>} : memref<8192xi32, #tpu.memory_space<vmem>>, vector<16xi32>,
        %get3A_1332 = vector.shape_cast %get3A_1331 : vector<16xi32> to vector<16xi32>
        %swap3A_1333 = arith.index_cast %add3A_1198 : i32 to index
        %swap3A_1334 = arith.constant 64 : index
        %swap3A_1335 = tpu.vector_load %arg8[%swap3A_1333, %swap3A_1334] {strides = array<i32>} : memref<64x128xi32, #tpu.memory_space<vmem>>, vector<1x16xi32>,
        %swap3A_1336 = vector.shape_cast %swap3A_1335 : vector<1x16xi32> to vector<16xi32>
        %swap3A_1337 = vector.shape_cast %get3A_1332 : vector<16xi32> to vector<1x16xi32>
        tpu.vector_store %arg8[%swap3A_1333, %swap3A_1334], %swap3A_1337 {strides = array<i32>} : memref<64x128xi32, #tpu.memory_space<vmem>>, vector<1x16xi32>,
        %mul3A_1338 = arith.constant 128 : i32
        %mul3A_1339 = arith.muli %add3A_1198, %mul3A_1338 : i32
        %add3A_1340 = arith.constant 80 : i32
        %add3A_1341 = arith.addi %mul3A_1339, %add3A_1340 : i32
        %get3A_1342 = arith.index_cast %add3A_1341 : i32 to index
        %get3A_1343 = tpu.vector_load %arg7[%get3A_1342] {strides = array<i32>} : memref<8192xf32, #tpu.memory_space<vmem>>, vector<16xf32>,
        %get3A_1344 = vector.shape_cast %get3A_1343 : vector<16xf32> to vector<16xf32>
        %mul3A_1345 = arith.mulf %get3A_2, %get3A_1344 : vector<16xf32>
        %add3A_1346 = arith.addf %mul3A_1345, %get3A_5 : vector<16xf32>
        %mul3A_1347 = arith.mulf %add3A_1346, %get3A_1344 : vector<16xf32>
        %add3A_1348 = arith.addf %mul3A_1347, %get3A_8 : vector<16xf32>
        %swap3A_1349 = arith.index_cast %add3A_1198 : i32 to index
        %swap3A_1350 = arith.constant 80 : index
        %swap3A_1351 = tpu.vector_load %arg9[%swap3A_1349, %swap3A_1350] {strides = array<i32>} : memref<64x128xf32, #tpu.memory_space<vmem>>, vector<1x16xf32>,
        %swap3A_1352 = vector.shape_cast %swap3A_1351 : vector<1x16xf32> to vector<16xf32>
        %swap3A_1353 = vector.shape_cast %add3A_1348 : vector<16xf32> to vector<1x16xf32>
        tpu.vector_store %arg9[%swap3A_1349, %swap3A_1350], %swap3A_1353 {strides = array<i32>} : memref<64x128xf32, #tpu.memory_space<vmem>>, vector<1x16xf32>,
        %mul3A_1354 = arith.constant 128 : i32
        %mul3A_1355 = arith.muli %add3A_1198, %mul3A_1354 : i32
        %add3A_1356 = arith.constant 80 : i32
        %add3A_1357 = arith.addi %mul3A_1355, %add3A_1356 : i32
        %get3A_1358 = arith.index_cast %add3A_1357 : i32 to index
        %get3A_1359 = tpu.vector_load %arg6[%get3A_1358] {strides = array<i32>} : memref<8192xi32, #tpu.memory_space<vmem>>, vector<16xi32>,
        %get3A_1360 = vector.shape_cast %get3A_1359 : vector<16xi32> to vector<16xi32>
        %swap3A_1361 = arith.index_cast %add3A_1198 : i32 to index
        %swap3A_1362 = arith.constant 80 : index
        %swap3A_1363 = tpu.vector_load %arg8[%swap3A_1361, %swap3A_1362] {strides = array<i32>} : memref<64x128xi32, #tpu.memory_space<vmem>>, vector<1x16xi32>,
        %swap3A_1364 = vector.shape_cast %swap3A_1363 : vector<1x16xi32> to vector<16xi32>
        %swap3A_1365 = vector.shape_cast %get3A_1360 : vector<16xi32> to vector<1x16xi32>
        tpu.vector_store %arg8[%swap3A_1361, %swap3A_1362], %swap3A_1365 {strides = array<i32>} : memref<64x128xi32, #tpu.memory_space<vmem>>, vector<1x16xi32>,
        %mul3A_1366 = arith.constant 128 : i32
        %mul3A_1367 = arith.muli %add3A_1198, %mul3A_1366 : i32
        %add3A_1368 = arith.constant 96 : i32
        %add3A_1369 = arith.addi %mul3A_1367, %add3A_1368 : i32
        %get3A_1370 = arith.index_cast %add3A_1369 : i32 to index
        %get3A_1371 = tpu.vector_load %arg7[%get3A_1370] {strides = array<i32>} : memref<8192xf32, #tpu.memory_space<vmem>>, vector<16xf32>,
        %get3A_1372 = vector.shape_cast %get3A_1371 : vector<16xf32> to vector<16xf32>
        %mul3A_1373 = arith.mulf %get3A_2, %get3A_1372 : vector<16xf32>
        %add3A_1374 = arith.addf %mul3A_1373, %get3A_5 : vector<16xf32>
        %mul3A_1375 = arith.mulf %add3A_1374, %get3A_1372 : vector<16xf32>
        %add3A_1376 = arith.addf %mul3A_1375, %get3A_8 : vector<16xf32>
        %swap3A_1377 = arith.index_cast %add3A_1198 : i32 to index
        %swap3A_1378 = arith.constant 96 : index
        %swap3A_1379 = tpu.vector_load %arg9[%swap3A_1377, %swap3A_1378] {strides = array<i32>} : memref<64x128xf32, #tpu.memory_space<vmem>>, vector<1x16xf32>,
        %swap3A_1380 = vector.shape_cast %swap3A_1379 : vector<1x16xf32> to vector<16xf32>
        %swap3A_1381 = vector.shape_cast %add3A_1376 : vector<16xf32> to vector<1x16xf32>
        tpu.vector_store %arg9[%swap3A_1377, %swap3A_1378], %swap3A_1381 {strides = array<i32>} : memref<64x128xf32, #tpu.memory_space<vmem>>, vector<1x16xf32>,
        %mul3A_1382 = arith.constant 128 : i32
        %mul3A_1383 = arith.muli %add3A_1198, %mul3A_1382 : i32
        %add3A_1384 = arith.constant 96 : i32
        %add3A_1385 = arith.addi %mul3A_1383, %add3A_1384 : i32
        %get3A_1386 = arith.index_cast %add3A_1385 : i32 to index
        %get3A_1387 = tpu.vector_load %arg6[%get3A_1386] {strides = array<i32>} : memref<8192xi32, #tpu.memory_space<vmem>>, vector<16xi32>,
        %get3A_1388 = vector.shape_cast %get3A_1387 : vector<16xi32> to vector<16xi32>
        %swap3A_1389 = arith.index_cast %add3A_1198 : i32 to index
        %swap3A_1390 = arith.constant 96 : index
        %swap3A_1391 = tpu.vector_load %arg8[%swap3A_1389, %swap3A_1390] {strides = array<i32>} : memref<64x128xi32, #tpu.memory_space<vmem>>, vector<1x16xi32>,
        %swap3A_1392 = vector.shape_cast %swap3A_1391 : vector<1x16xi32> to vector<16xi32>
        %swap3A_1393 = vector.shape_cast %get3A_1388 : vector<16xi32> to vector<1x16xi32>
        tpu.vector_store %arg8[%swap3A_1389, %swap3A_1390], %swap3A_1393 {strides = array<i32>} : memref<64x128xi32, #tpu.memory_space<vmem>>, vector<1x16xi32>,
        %mul3A_1394 = arith.constant 128 : i32
        %mul3A_1395 = arith.muli %add3A_1198, %mul3A_1394 : i32
        %add3A_1396 = arith.constant 112 : i32
        %add3A_1397 = arith.addi %mul3A_1395, %add3A_1396 : i32
        %get3A_1398 = arith.index_cast %add3A_1397 : i32 to index
        %get3A_1399 = tpu.vector_load %arg7[%get3A_1398] {strides = array<i32>} : memref<8192xf32, #tpu.memory_space<vmem>>, vector<16xf32>,
        %get3A_1400 = vector.shape_cast %get3A_1399 : vector<16xf32> to vector<16xf32>
        %mul3A_1401 = arith.mulf %get3A_2, %get3A_1400 : vector<16xf32>
        %add3A_1402 = arith.addf %mul3A_1401, %get3A_5 : vector<16xf32>
        %mul3A_1403 = arith.mulf %add3A_1402, %get3A_1400 : vector<16xf32>
        %add3A_1404 = arith.addf %mul3A_1403, %get3A_8 : vector<16xf32>
        %swap3A_1405 = arith.index_cast %add3A_1198 : i32 to index
        %swap3A_1406 = arith.constant 112 : index
        %swap3A_1407 = tpu.vector_load %arg9[%swap3A_1405, %swap3A_1406] {strides = array<i32>} : memref<64x128xf32, #tpu.memory_space<vmem>>, vector<1x16xf32>,
        %swap3A_1408 = vector.shape_cast %swap3A_1407 : vector<1x16xf32> to vector<16xf32>
        %swap3A_1409 = vector.shape_cast %add3A_1404 : vector<16xf32> to vector<1x16xf32>
        tpu.vector_store %arg9[%swap3A_1405, %swap3A_1406], %swap3A_1409 {strides = array<i32>} : memref<64x128xf32, #tpu.memory_space<vmem>>, vector<1x16xf32>,
        %mul3A_1410 = arith.constant 128 : i32
        %mul3A_1411 = arith.muli %add3A_1198, %mul3A_1410 : i32
        %add3A_1412 = arith.constant 112 : i32
        %add3A_1413 = arith.addi %mul3A_1411, %add3A_1412 : i32
        %get3A_1414 = arith.index_cast %add3A_1413 : i32 to index
        %get3A_1415 = tpu.vector_load %arg6[%get3A_1414] {strides = array<i32>} : memref<8192xi32, #tpu.memory_space<vmem>>, vector<16xi32>,
        %get3A_1416 = vector.shape_cast %get3A_1415 : vector<16xi32> to vector<16xi32>
        %swap3A_1417 = arith.index_cast %add3A_1198 : i32 to index
        %swap3A_1418 = arith.constant 112 : index
        %swap3A_1419 = tpu.vector_load %arg8[%swap3A_1417, %swap3A_1418] {strides = array<i32>} : memref<64x128xi32, #tpu.memory_space<vmem>>, vector<1x16xi32>,
        %swap3A_1420 = vector.shape_cast %swap3A_1419 : vector<1x16xi32> to vector<16xi32>
        %swap3A_1421 = vector.shape_cast %get3A_1416 : vector<16xi32> to vector<1x16xi32>
        tpu.vector_store %arg8[%swap3A_1417, %swap3A_1418], %swap3A_1421 {strides = array<i32>} : memref<64x128xi32, #tpu.memory_space<vmem>>, vector<1x16xi32>,
      }
      %scan3A_226 = arith.constant 32 : i32
      %gt3A = arith.constant 0 : i32
      %gt3A_227 = arith.cmpi sgt, %add3A_218, %gt3A : i32
      %convert_element_type3A = arith.extui %gt3A_227 : i1 to i32
      %cond3A = arith.constant 0 : i32
      %cond3A_228 = arith.cmpi ne, %convert_element_type3A, %cond3A : i32
      scf.if %cond3A_228 {
        %dma_wait3A_1194 = arith.constant 0 : i32
        %dma_wait3A_1195 = tpu.memref_slice %arg7[%dma_wait3A_1194] : memref<8192xf32, #tpu.memory_space<vmem>> -> memref<4096xf32, #tpu.memory_space<vmem>>
        %dma_wait3A_1196 = arith.constant 0 : i32
        %dma_wait3A_1197 = tpu.memref_slice %arg3[%dma_wait3A_1196] : memref<4194304xf32, #tpu.memory_space<hbm>> -> memref<4096xf32, #tpu.memory_space<hbm>>
        %dma_wait3A_1198 = arith.constant 0 : i32
        %dma_wait3A_1199 = tpu.memref_slice %arg7[%dma_wait3A_1198] : memref<8192xf32, #tpu.memory_space<vmem>> -> memref<4096xf32, #tpu.memory_space<vmem>>
        %dma_wait3A_1200 = arith.constant 0 : i32
        %dma_wait3A_1201 = tpu.memref_slice %arg3[%dma_wait3A_1200] : memref<4194304xf32, #tpu.memory_space<hbm>> -> memref<4096xf32, #tpu.memory_space<hbm>>
        tpu.wait_dma2 semaphore(%arg13 : memref<!tpu.dma_semaphore, #tpu.memory_space<semaphore_mem>>) src(%dma_wait3A_1201 : memref<4096xf32, #tpu.memory_space<hbm>>) dst(%dma_wait3A_1199 : memref<4096xf32, #tpu.memory_space<vmem>>)
      } else {
      }
      %dma_start3A_229 = arith.constant 0 : i32
      %dma_start3A_230 = arith.constant 0 : i32
      %dma_start3A_231 = arith.constant 0 : i32
      %dma_start3A_232 = tpu.memref_slice %arg9[%dma_start3A_229, %dma_start3A_231] : memref<64x128xf32, #tpu.memory_space<vmem>> -> memref<1x128xf32, #tpu.memory_space<vmem>>
      %dma_start3A_233 = tpu.memref_squeeze %dma_start3A_232 : memref<1x128xf32, #tpu.memory_space<vmem>> -> memref<128xf32, #tpu.memory_space<vmem>>
      %dma_start3A_234 = arith.constant 0 : i32
      %dma_start3A_235 = tpu.memref_slice %arg8[%dma_start3A_230, %dma_start3A_234] : memref<64x128xi32, #tpu.memory_space<vmem>> -> memref<1x128xi32, #tpu.memory_space<vmem>>
      %dma_start3A_236 = tpu.memref_squeeze %dma_start3A_235 : memref<1x128xi32, #tpu.memory_space<vmem>> -> memref<128xi32, #tpu.memory_space<vmem>>
      %dma_start3A_237 = arith.constant 0 : i32
      %dma_start3A_238 = tpu.memref_slice %arg12[%dma_start3A_237] : memref<1048576xf32, #tpu.memory_space<vmem_shared>> -> memref<1048576xf32, #tpu.memory_space<vmem_shared>>
      tpu.enqueue_indirect_dma source(%dma_start3A_233 : memref<128xf32, #tpu.memory_space<vmem>>) target(%dma_start3A_238 : memref<1048576xf32, #tpu.memory_space<vmem_shared>>) offsets(%dma_start3A_236 : memref<128xi32, #tpu.memory_space<vmem>>) semaphore(%arg13 : memref<!tpu.dma_semaphore, #tpu.memory_space<semaphore_mem>>) {add = true}
      %dma_start3A_239 = arith.constant 1 : i32
      %dma_start3A_240 = arith.constant 1 : i32
      %dma_start3A_241 = arith.constant 0 : i32
      %dma_start3A_242 = tpu.memref_slice %arg9[%dma_start3A_239, %dma_start3A_241] : memref<64x128xf32, #tpu.memory_space<vmem>> -> memref<1x128xf32, #tpu.memory_space<vmem>>
      %dma_start3A_243 = tpu.memref_squeeze %dma_start3A_242 : memref<1x128xf32, #tpu.memory_space<vmem>> -> memref<128xf32, #tpu.memory_space<vmem>>
      %dma_start3A_244 = arith.constant 0 : i32
      %dma_start3A_245 = tpu.memref_slice %arg8[%dma_start3A_240, %dma_start3A_244] : memref<64x128xi32, #tpu.memory_space<vmem>> -> memref<1x128xi32, #tpu.memory_space<vmem>>
      %dma_start3A_246 = tpu.memref_squeeze %dma_start3A_245 : memref<1x128xi32, #tpu.memory_space<vmem>> -> memref<128xi32, #tpu.memory_space<vmem>>
      %dma_start3A_247 = arith.constant 0 : i32
      %dma_start3A_248 = tpu.memref_slice %arg12[%dma_start3A_247] : memref<1048576xf32, #tpu.memory_space<vmem_shared>> -> memref<1048576xf32, #tpu.memory_space<vmem_shared>>
      tpu.enqueue_indirect_dma source(%dma_start3A_243 : memref<128xf32, #tpu.memory_space<vmem>>) target(%dma_start3A_248 : memref<1048576xf32, #tpu.memory_space<vmem_shared>>) offsets(%dma_start3A_246 : memref<128xi32, #tpu.memory_space<vmem>>) semaphore(%arg13 : memref<!tpu.dma_semaphore, #tpu.memory_space<semaphore_mem>>) {add = true}
      %dma_start3A_249 = arith.constant 2 : i32
      %dma_start3A_250 = arith.constant 2 : i32
      %dma_start3A_251 = arith.constant 0 : i32
      %dma_start3A_252 = tpu.memref_slice %arg9[%dma_start3A_249, %dma_start3A_251] : memref<64x128xf32, #tpu.memory_space<vmem>> -> memref<1x128xf32, #tpu.memory_space<vmem>>
      %dma_start3A_253 = tpu.memref_squeeze %dma_start3A_252 : memref<1x128xf32, #tpu.memory_space<vmem>> -> memref<128xf32, #tpu.memory_space<vmem>>
      %dma_start3A_254 = arith.constant 0 : i32
      %dma_start3A_255 = tpu.memref_slice %arg8[%dma_start3A_250, %dma_start3A_254] : memref<64x128xi32, #tpu.memory_space<vmem>> -> memref<1x128xi32, #tpu.memory_space<vmem>>
      %dma_start3A_256 = tpu.memref_squeeze %dma_start3A_255 : memref<1x128xi32, #tpu.memory_space<vmem>> -> memref<128xi32, #tpu.memory_space<vmem>>
      %dma_start3A_257 = arith.constant 0 : i32
      %dma_start3A_258 = tpu.memref_slice %arg12[%dma_start3A_257] : memref<1048576xf32, #tpu.memory_space<vmem_shared>> -> memref<1048576xf32, #tpu.memory_space<vmem_shared>>
      tpu.enqueue_indirect_dma source(%dma_start3A_253 : memref<128xf32, #tpu.memory_space<vmem>>) target(%dma_start3A_258 : memref<1048576xf32, #tpu.memory_space<vmem_shared>>) offsets(%dma_start3A_256 : memref<128xi32, #tpu.memory_space<vmem>>) semaphore(%arg13 : memref<!tpu.dma_semaphore, #tpu.memory_space<semaphore_mem>>) {add = true}
      %dma_start3A_259 = arith.constant 3 : i32
      %dma_start3A_260 = arith.constant 3 : i32
      %dma_start3A_261 = arith.constant 0 : i32
      %dma_start3A_262 = tpu.memref_slice %arg9[%dma_start3A_259, %dma_start3A_261] : memref<64x128xf32, #tpu.memory_space<vmem>> -> memref<1x128xf32, #tpu.memory_space<vmem>>
      %dma_start3A_263 = tpu.memref_squeeze %dma_start3A_262 : memref<1x128xf32, #tpu.memory_space<vmem>> -> memref<128xf32, #tpu.memory_space<vmem>>
      %dma_start3A_264 = arith.constant 0 : i32
      %dma_start3A_265 = tpu.memref_slice %arg8[%dma_start3A_260, %dma_start3A_264] : memref<64x128xi32, #tpu.memory_space<vmem>> -> memref<1x128xi32, #tpu.memory_space<vmem>>
      %dma_start3A_266 = tpu.memref_squeeze %dma_start3A_265 : memref<1x128xi32, #tpu.memory_space<vmem>> -> memref<128xi32, #tpu.memory_space<vmem>>
      %dma_start3A_267 = arith.constant 0 : i32
      %dma_start3A_268 = tpu.memref_slice %arg12[%dma_start3A_267] : memref<1048576xf32, #tpu.memory_space<vmem_shared>> -> memref<1048576xf32, #tpu.memory_space<vmem_shared>>
      tpu.enqueue_indirect_dma source(%dma_start3A_263 : memref<128xf32, #tpu.memory_space<vmem>>) target(%dma_start3A_268 : memref<1048576xf32, #tpu.memory_space<vmem_shared>>) offsets(%dma_start3A_266 : memref<128xi32, #tpu.memory_space<vmem>>) semaphore(%arg13 : memref<!tpu.dma_semaphore, #tpu.memory_space<semaphore_mem>>) {add = true}
      %dma_start3A_269 = arith.constant 4 : i32
      %dma_start3A_270 = arith.constant 4 : i32
      %dma_start3A_271 = arith.constant 0 : i32
      %dma_start3A_272 = tpu.memref_slice %arg9[%dma_start3A_269, %dma_start3A_271] : memref<64x128xf32, #tpu.memory_space<vmem>> -> memref<1x128xf32, #tpu.memory_space<vmem>>
      %dma_start3A_273 = tpu.memref_squeeze %dma_start3A_272 : memref<1x128xf32, #tpu.memory_space<vmem>> -> memref<128xf32, #tpu.memory_space<vmem>>
      %dma_start3A_274 = arith.constant 0 : i32
      %dma_start3A_275 = tpu.memref_slice %arg8[%dma_start3A_270, %dma_start3A_274] : memref<64x128xi32, #tpu.memory_space<vmem>> -> memref<1x128xi32, #tpu.memory_space<vmem>>
      %dma_start3A_276 = tpu.memref_squeeze %dma_start3A_275 : memref<1x128xi32, #tpu.memory_space<vmem>> -> memref<128xi32, #tpu.memory_space<vmem>>
      %dma_start3A_277 = arith.constant 0 : i32
      %dma_start3A_278 = tpu.memref_slice %arg12[%dma_start3A_277] : memref<1048576xf32, #tpu.memory_space<vmem_shared>> -> memref<1048576xf32, #tpu.memory_space<vmem_shared>>
      tpu.enqueue_indirect_dma source(%dma_start3A_273 : memref<128xf32, #tpu.memory_space<vmem>>) target(%dma_start3A_278 : memref<1048576xf32, #tpu.memory_space<vmem_shared>>) offsets(%dma_start3A_276 : memref<128xi32, #tpu.memory_space<vmem>>) semaphore(%arg13 : memref<!tpu.dma_semaphore, #tpu.memory_space<semaphore_mem>>) {add = true}
      %dma_start3A_279 = arith.constant 5 : i32
      %dma_start3A_280 = arith.constant 5 : i32
      %dma_start3A_281 = arith.constant 0 : i32
      %dma_start3A_282 = tpu.memref_slice %arg9[%dma_start3A_279, %dma_start3A_281] : memref<64x128xf32, #tpu.memory_space<vmem>> -> memref<1x128xf32, #tpu.memory_space<vmem>>
      %dma_start3A_283 = tpu.memref_squeeze %dma_start3A_282 : memref<1x128xf32, #tpu.memory_space<vmem>> -> memref<128xf32, #tpu.memory_space<vmem>>
      %dma_start3A_284 = arith.constant 0 : i32
      %dma_start3A_285 = tpu.memref_slice %arg8[%dma_start3A_280, %dma_start3A_284] : memref<64x128xi32, #tpu.memory_space<vmem>> -> memref<1x128xi32, #tpu.memory_space<vmem>>
      %dma_start3A_286 = tpu.memref_squeeze %dma_start3A_285 : memref<1x128xi32, #tpu.memory_space<vmem>> -> memref<128xi32, #tpu.memory_space<vmem>>
      %dma_start3A_287 = arith.constant 0 : i32
      %dma_start3A_288 = tpu.memref_slice %arg12[%dma_start3A_287] : memref<1048576xf32, #tpu.memory_space<vmem_shared>> -> memref<1048576xf32, #tpu.memory_space<vmem_shared>>
      tpu.enqueue_indirect_dma source(%dma_start3A_283 : memref<128xf32, #tpu.memory_space<vmem>>) target(%dma_start3A_288 : memref<1048576xf32, #tpu.memory_space<vmem_shared>>) offsets(%dma_start3A_286 : memref<128xi32, #tpu.memory_space<vmem>>) semaphore(%arg13 : memref<!tpu.dma_semaphore, #tpu.memory_space<semaphore_mem>>) {add = true}
      %dma_start3A_289 = arith.constant 6 : i32
      %dma_start3A_290 = arith.constant 6 : i32
      %dma_start3A_291 = arith.constant 0 : i32
      %dma_start3A_292 = tpu.memref_slice %arg9[%dma_start3A_289, %dma_start3A_291] : memref<64x128xf32, #tpu.memory_space<vmem>> -> memref<1x128xf32, #tpu.memory_space<vmem>>
      %dma_start3A_293 = tpu.memref_squeeze %dma_start3A_292 : memref<1x128xf32, #tpu.memory_space<vmem>> -> memref<128xf32, #tpu.memory_space<vmem>>
      %dma_start3A_294 = arith.constant 0 : i32
      %dma_start3A_295 = tpu.memref_slice %arg8[%dma_start3A_290, %dma_start3A_294] : memref<64x128xi32, #tpu.memory_space<vmem>> -> memref<1x128xi32, #tpu.memory_space<vmem>>
      %dma_start3A_296 = tpu.memref_squeeze %dma_start3A_295 : memref<1x128xi32, #tpu.memory_space<vmem>> -> memref<128xi32, #tpu.memory_space<vmem>>
      %dma_start3A_297 = arith.constant 0 : i32
      %dma_start3A_298 = tpu.memref_slice %arg12[%dma_start3A_297] : memref<1048576xf32, #tpu.memory_space<vmem_shared>> -> memref<1048576xf32, #tpu.memory_space<vmem_shared>>
      tpu.enqueue_indirect_dma source(%dma_start3A_293 : memref<128xf32, #tpu.memory_space<vmem>>) target(%dma_start3A_298 : memref<1048576xf32, #tpu.memory_space<vmem_shared>>) offsets(%dma_start3A_296 : memref<128xi32, #tpu.memory_space<vmem>>) semaphore(%arg13 : memref<!tpu.dma_semaphore, #tpu.memory_space<semaphore_mem>>) {add = true}
      %dma_start3A_299 = arith.constant 7 : i32
      %dma_start3A_300 = arith.constant 7 : i32
      %dma_start3A_301 = arith.constant 0 : i32
      %dma_start3A_302 = tpu.memref_slice %arg9[%dma_start3A_299, %dma_start3A_301] : memref<64x128xf32, #tpu.memory_space<vmem>> -> memref<1x128xf32, #tpu.memory_space<vmem>>
      %dma_start3A_303 = tpu.memref_squeeze %dma_start3A_302 : memref<1x128xf32, #tpu.memory_space<vmem>> -> memref<128xf32, #tpu.memory_space<vmem>>
      %dma_start3A_304 = arith.constant 0 : i32
      %dma_start3A_305 = tpu.memref_slice %arg8[%dma_start3A_300, %dma_start3A_304] : memref<64x128xi32, #tpu.memory_space<vmem>> -> memref<1x128xi32, #tpu.memory_space<vmem>>
      %dma_start3A_306 = tpu.memref_squeeze %dma_start3A_305 : memref<1x128xi32, #tpu.memory_space<vmem>> -> memref<128xi32, #tpu.memory_space<vmem>>
      %dma_start3A_307 = arith.constant 0 : i32
      %dma_start3A_308 = tpu.memref_slice %arg12[%dma_start3A_307] : memref<1048576xf32, #tpu.memory_space<vmem_shared>> -> memref<1048576xf32, #tpu.memory_space<vmem_shared>>
      tpu.enqueue_indirect_dma source(%dma_start3A_303 : memref<128xf32, #tpu.memory_space<vmem>>) target(%dma_start3A_308 : memref<1048576xf32, #tpu.memory_space<vmem_shared>>) offsets(%dma_start3A_306 : memref<128xi32, #tpu.memory_space<vmem>>) semaphore(%arg13 : memref<!tpu.dma_semaphore, #tpu.memory_space<semaphore_mem>>) {add = true}
      %dma_start3A_309 = arith.constant 8 : i32
      %dma_start3A_310 = arith.constant 8 : i32
      %dma_start3A_311 = arith.constant 0 : i32
      %dma_start3A_312 = tpu.memref_slice %arg9[%dma_start3A_309, %dma_start3A_311] : memref<64x128xf32, #tpu.memory_space<vmem>> -> memref<1x128xf32, #tpu.memory_space<vmem>>
      %dma_start3A_313 = tpu.memref_squeeze %dma_start3A_312 : memref<1x128xf32, #tpu.memory_space<vmem>> -> memref<128xf32, #tpu.memory_space<vmem>>
      %dma_start3A_314 = arith.constant 0 : i32
      %dma_start3A_315 = tpu.memref_slice %arg8[%dma_start3A_310, %dma_start3A_314] : memref<64x128xi32, #tpu.memory_space<vmem>> -> memref<1x128xi32, #tpu.memory_space<vmem>>
      %dma_start3A_316 = tpu.memref_squeeze %dma_start3A_315 : memref<1x128xi32, #tpu.memory_space<vmem>> -> memref<128xi32, #tpu.memory_space<vmem>>
      %dma_start3A_317 = arith.constant 0 : i32
      %dma_start3A_318 = tpu.memref_slice %arg12[%dma_start3A_317] : memref<1048576xf32, #tpu.memory_space<vmem_shared>> -> memref<1048576xf32, #tpu.memory_space<vmem_shared>>
      tpu.enqueue_indirect_dma source(%dma_start3A_313 : memref<128xf32, #tpu.memory_space<vmem>>) target(%dma_start3A_318 : memref<1048576xf32, #tpu.memory_space<vmem_shared>>) offsets(%dma_start3A_316 : memref<128xi32, #tpu.memory_space<vmem>>) semaphore(%arg13 : memref<!tpu.dma_semaphore, #tpu.memory_space<semaphore_mem>>) {add = true}
      %dma_start3A_319 = arith.constant 9 : i32
      %dma_start3A_320 = arith.constant 9 : i32
      %dma_start3A_321 = arith.constant 0 : i32
      %dma_start3A_322 = tpu.memref_slice %arg9[%dma_start3A_319, %dma_start3A_321] : memref<64x128xf32, #tpu.memory_space<vmem>> -> memref<1x128xf32, #tpu.memory_space<vmem>>
      %dma_start3A_323 = tpu.memref_squeeze %dma_start3A_322 : memref<1x128xf32, #tpu.memory_space<vmem>> -> memref<128xf32, #tpu.memory_space<vmem>>
      %dma_start3A_324 = arith.constant 0 : i32
      %dma_start3A_325 = tpu.memref_slice %arg8[%dma_start3A_320, %dma_start3A_324] : memref<64x128xi32, #tpu.memory_space<vmem>> -> memref<1x128xi32, #tpu.memory_space<vmem>>
      %dma_start3A_326 = tpu.memref_squeeze %dma_start3A_325 : memref<1x128xi32, #tpu.memory_space<vmem>> -> memref<128xi32, #tpu.memory_space<vmem>>
      %dma_start3A_327 = arith.constant 0 : i32
      %dma_start3A_328 = tpu.memref_slice %arg12[%dma_start3A_327] : memref<1048576xf32, #tpu.memory_space<vmem_shared>> -> memref<1048576xf32, #tpu.memory_space<vmem_shared>>
      tpu.enqueue_indirect_dma source(%dma_start3A_323 : memref<128xf32, #tpu.memory_space<vmem>>) target(%dma_start3A_328 : memref<1048576xf32, #tpu.memory_space<vmem_shared>>) offsets(%dma_start3A_326 : memref<128xi32, #tpu.memory_space<vmem>>) semaphore(%arg13 : memref<!tpu.dma_semaphore, #tpu.memory_space<semaphore_mem>>) {add = true}
      %dma_start3A_329 = arith.constant 10 : i32
      %dma_start3A_330 = arith.constant 10 : i32
      %dma_start3A_331 = arith.constant 0 : i32
      %dma_start3A_332 = tpu.memref_slice %arg9[%dma_start3A_329, %dma_start3A_331] : memref<64x128xf32, #tpu.memory_space<vmem>> -> memref<1x128xf32, #tpu.memory_space<vmem>>
      %dma_start3A_333 = tpu.memref_squeeze %dma_start3A_332 : memref<1x128xf32, #tpu.memory_space<vmem>> -> memref<128xf32, #tpu.memory_space<vmem>>
      %dma_start3A_334 = arith.constant 0 : i32
      %dma_start3A_335 = tpu.memref_slice %arg8[%dma_start3A_330, %dma_start3A_334] : memref<64x128xi32, #tpu.memory_space<vmem>> -> memref<1x128xi32, #tpu.memory_space<vmem>>
      %dma_start3A_336 = tpu.memref_squeeze %dma_start3A_335 : memref<1x128xi32, #tpu.memory_space<vmem>> -> memref<128xi32, #tpu.memory_space<vmem>>
      %dma_start3A_337 = arith.constant 0 : i32
      %dma_start3A_338 = tpu.memref_slice %arg12[%dma_start3A_337] : memref<1048576xf32, #tpu.memory_space<vmem_shared>> -> memref<1048576xf32, #tpu.memory_space<vmem_shared>>
      tpu.enqueue_indirect_dma source(%dma_start3A_333 : memref<128xf32, #tpu.memory_space<vmem>>) target(%dma_start3A_338 : memref<1048576xf32, #tpu.memory_space<vmem_shared>>) offsets(%dma_start3A_336 : memref<128xi32, #tpu.memory_space<vmem>>) semaphore(%arg13 : memref<!tpu.dma_semaphore, #tpu.memory_space<semaphore_mem>>) {add = true}
      %dma_start3A_339 = arith.constant 11 : i32
      %dma_start3A_340 = arith.constant 11 : i32
      %dma_start3A_341 = arith.constant 0 : i32
      %dma_start3A_342 = tpu.memref_slice %arg9[%dma_start3A_339, %dma_start3A_341] : memref<64x128xf32, #tpu.memory_space<vmem>> -> memref<1x128xf32, #tpu.memory_space<vmem>>
      %dma_start3A_343 = tpu.memref_squeeze %dma_start3A_342 : memref<1x128xf32, #tpu.memory_space<vmem>> -> memref<128xf32, #tpu.memory_space<vmem>>
      %dma_start3A_344 = arith.constant 0 : i32
      %dma_start3A_345 = tpu.memref_slice %arg8[%dma_start3A_340, %dma_start3A_344] : memref<64x128xi32, #tpu.memory_space<vmem>> -> memref<1x128xi32, #tpu.memory_space<vmem>>
      %dma_start3A_346 = tpu.memref_squeeze %dma_start3A_345 : memref<1x128xi32, #tpu.memory_space<vmem>> -> memref<128xi32, #tpu.memory_space<vmem>>
      %dma_start3A_347 = arith.constant 0 : i32
      %dma_start3A_348 = tpu.memref_slice %arg12[%dma_start3A_347] : memref<1048576xf32, #tpu.memory_space<vmem_shared>> -> memref<1048576xf32, #tpu.memory_space<vmem_shared>>
      tpu.enqueue_indirect_dma source(%dma_start3A_343 : memref<128xf32, #tpu.memory_space<vmem>>) target(%dma_start3A_348 : memref<1048576xf32, #tpu.memory_space<vmem_shared>>) offsets(%dma_start3A_346 : memref<128xi32, #tpu.memory_space<vmem>>) semaphore(%arg13 : memref<!tpu.dma_semaphore, #tpu.memory_space<semaphore_mem>>) {add = true}
      %dma_start3A_349 = arith.constant 12 : i32
      %dma_start3A_350 = arith.constant 12 : i32
      %dma_start3A_351 = arith.constant 0 : i32
      %dma_start3A_352 = tpu.memref_slice %arg9[%dma_start3A_349, %dma_start3A_351] : memref<64x128xf32, #tpu.memory_space<vmem>> -> memref<1x128xf32, #tpu.memory_space<vmem>>
      %dma_start3A_353 = tpu.memref_squeeze %dma_start3A_352 : memref<1x128xf32, #tpu.memory_space<vmem>> -> memref<128xf32, #tpu.memory_space<vmem>>
      %dma_start3A_354 = arith.constant 0 : i32
      %dma_start3A_355 = tpu.memref_slice %arg8[%dma_start3A_350, %dma_start3A_354] : memref<64x128xi32, #tpu.memory_space<vmem>> -> memref<1x128xi32, #tpu.memory_space<vmem>>
      %dma_start3A_356 = tpu.memref_squeeze %dma_start3A_355 : memref<1x128xi32, #tpu.memory_space<vmem>> -> memref<128xi32, #tpu.memory_space<vmem>>
      %dma_start3A_357 = arith.constant 0 : i32
      %dma_start3A_358 = tpu.memref_slice %arg12[%dma_start3A_357] : memref<1048576xf32, #tpu.memory_space<vmem_shared>> -> memref<1048576xf32, #tpu.memory_space<vmem_shared>>
      tpu.enqueue_indirect_dma source(%dma_start3A_353 : memref<128xf32, #tpu.memory_space<vmem>>) target(%dma_start3A_358 : memref<1048576xf32, #tpu.memory_space<vmem_shared>>) offsets(%dma_start3A_356 : memref<128xi32, #tpu.memory_space<vmem>>) semaphore(%arg13 : memref<!tpu.dma_semaphore, #tpu.memory_space<semaphore_mem>>) {add = true}
      %dma_start3A_359 = arith.constant 13 : i32
      %dma_start3A_360 = arith.constant 13 : i32
      %dma_start3A_361 = arith.constant 0 : i32
      %dma_start3A_362 = tpu.memref_slice %arg9[%dma_start3A_359, %dma_start3A_361] : memref<64x128xf32, #tpu.memory_space<vmem>> -> memref<1x128xf32, #tpu.memory_space<vmem>>
      %dma_start3A_363 = tpu.memref_squeeze %dma_start3A_362 : memref<1x128xf32, #tpu.memory_space<vmem>> -> memref<128xf32, #tpu.memory_space<vmem>>
      %dma_start3A_364 = arith.constant 0 : i32
      %dma_start3A_365 = tpu.memref_slice %arg8[%dma_start3A_360, %dma_start3A_364] : memref<64x128xi32, #tpu.memory_space<vmem>> -> memref<1x128xi32, #tpu.memory_space<vmem>>
      %dma_start3A_366 = tpu.memref_squeeze %dma_start3A_365 : memref<1x128xi32, #tpu.memory_space<vmem>> -> memref<128xi32, #tpu.memory_space<vmem>>
      %dma_start3A_367 = arith.constant 0 : i32
      %dma_start3A_368 = tpu.memref_slice %arg12[%dma_start3A_367] : memref<1048576xf32, #tpu.memory_space<vmem_shared>> -> memref<1048576xf32, #tpu.memory_space<vmem_shared>>
      tpu.enqueue_indirect_dma source(%dma_start3A_363 : memref<128xf32, #tpu.memory_space<vmem>>) target(%dma_start3A_368 : memref<1048576xf32, #tpu.memory_space<vmem_shared>>) offsets(%dma_start3A_366 : memref<128xi32, #tpu.memory_space<vmem>>) semaphore(%arg13 : memref<!tpu.dma_semaphore, #tpu.memory_space<semaphore_mem>>) {add = true}
      %dma_start3A_369 = arith.constant 14 : i32
      %dma_start3A_370 = arith.constant 14 : i32
      %dma_start3A_371 = arith.constant 0 : i32
      %dma_start3A_372 = tpu.memref_slice %arg9[%dma_start3A_369, %dma_start3A_371] : memref<64x128xf32, #tpu.memory_space<vmem>> -> memref<1x128xf32, #tpu.memory_space<vmem>>
      %dma_start3A_373 = tpu.memref_squeeze %dma_start3A_372 : memref<1x128xf32, #tpu.memory_space<vmem>> -> memref<128xf32, #tpu.memory_space<vmem>>
      %dma_start3A_374 = arith.constant 0 : i32
      %dma_start3A_375 = tpu.memref_slice %arg8[%dma_start3A_370, %dma_start3A_374] : memref<64x128xi32, #tpu.memory_space<vmem>> -> memref<1x128xi32, #tpu.memory_space<vmem>>
      %dma_start3A_376 = tpu.memref_squeeze %dma_start3A_375 : memref<1x128xi32, #tpu.memory_space<vmem>> -> memref<128xi32, #tpu.memory_space<vmem>>
      %dma_start3A_377 = arith.constant 0 : i32
      %dma_start3A_378 = tpu.memref_slice %arg12[%dma_start3A_377] : memref<1048576xf32, #tpu.memory_space<vmem_shared>> -> memref<1048576xf32, #tpu.memory_space<vmem_shared>>
      tpu.enqueue_indirect_dma source(%dma_start3A_373 : memref<128xf32, #tpu.memory_space<vmem>>) target(%dma_start3A_378 : memref<1048576xf32, #tpu.memory_space<vmem_shared>>) offsets(%dma_start3A_376 : memref<128xi32, #tpu.memory_space<vmem>>) semaphore(%arg13 : memref<!tpu.dma_semaphore, #tpu.memory_space<semaphore_mem>>) {add = true}
      %dma_start3A_379 = arith.constant 15 : i32
      %dma_start3A_380 = arith.constant 15 : i32
      %dma_start3A_381 = arith.constant 0 : i32
      %dma_start3A_382 = tpu.memref_slice %arg9[%dma_start3A_379, %dma_start3A_381] : memref<64x128xf32, #tpu.memory_space<vmem>> -> memref<1x128xf32, #tpu.memory_space<vmem>>
      %dma_start3A_383 = tpu.memref_squeeze %dma_start3A_382 : memref<1x128xf32, #tpu.memory_space<vmem>> -> memref<128xf32, #tpu.memory_space<vmem>>
      %dma_start3A_384 = arith.constant 0 : i32
      %dma_start3A_385 = tpu.memref_slice %arg8[%dma_start3A_380, %dma_start3A_384] : memref<64x128xi32, #tpu.memory_space<vmem>> -> memref<1x128xi32, #tpu.memory_space<vmem>>
      %dma_start3A_386 = tpu.memref_squeeze %dma_start3A_385 : memref<1x128xi32, #tpu.memory_space<vmem>> -> memref<128xi32, #tpu.memory_space<vmem>>
      %dma_start3A_387 = arith.constant 0 : i32
      %dma_start3A_388 = tpu.memref_slice %arg12[%dma_start3A_387] : memref<1048576xf32, #tpu.memory_space<vmem_shared>> -> memref<1048576xf32, #tpu.memory_space<vmem_shared>>
      tpu.enqueue_indirect_dma source(%dma_start3A_383 : memref<128xf32, #tpu.memory_space<vmem>>) target(%dma_start3A_388 : memref<1048576xf32, #tpu.memory_space<vmem_shared>>) offsets(%dma_start3A_386 : memref<128xi32, #tpu.memory_space<vmem>>) semaphore(%arg13 : memref<!tpu.dma_semaphore, #tpu.memory_space<semaphore_mem>>) {add = true}
      %dma_start3A_389 = arith.constant 16 : i32
      %dma_start3A_390 = arith.constant 16 : i32
      %dma_start3A_391 = arith.constant 0 : i32
      %dma_start3A_392 = tpu.memref_slice %arg9[%dma_start3A_389, %dma_start3A_391] : memref<64x128xf32, #tpu.memory_space<vmem>> -> memref<1x128xf32, #tpu.memory_space<vmem>>
      %dma_start3A_393 = tpu.memref_squeeze %dma_start3A_392 : memref<1x128xf32, #tpu.memory_space<vmem>> -> memref<128xf32, #tpu.memory_space<vmem>>
      %dma_start3A_394 = arith.constant 0 : i32
      %dma_start3A_395 = tpu.memref_slice %arg8[%dma_start3A_390, %dma_start3A_394] : memref<64x128xi32, #tpu.memory_space<vmem>> -> memref<1x128xi32, #tpu.memory_space<vmem>>
      %dma_start3A_396 = tpu.memref_squeeze %dma_start3A_395 : memref<1x128xi32, #tpu.memory_space<vmem>> -> memref<128xi32, #tpu.memory_space<vmem>>
      %dma_start3A_397 = arith.constant 0 : i32
      %dma_start3A_398 = tpu.memref_slice %arg12[%dma_start3A_397] : memref<1048576xf32, #tpu.memory_space<vmem_shared>> -> memref<1048576xf32, #tpu.memory_space<vmem_shared>>
      tpu.enqueue_indirect_dma source(%dma_start3A_393 : memref<128xf32, #tpu.memory_space<vmem>>) target(%dma_start3A_398 : memref<1048576xf32, #tpu.memory_space<vmem_shared>>) offsets(%dma_start3A_396 : memref<128xi32, #tpu.memory_space<vmem>>) semaphore(%arg13 : memref<!tpu.dma_semaphore, #tpu.memory_space<semaphore_mem>>) {add = true}
      %dma_start3A_399 = arith.constant 17 : i32
      %dma_start3A_400 = arith.constant 17 : i32
      %dma_start3A_401 = arith.constant 0 : i32
      %dma_start3A_402 = tpu.memref_slice %arg9[%dma_start3A_399, %dma_start3A_401] : memref<64x128xf32, #tpu.memory_space<vmem>> -> memref<1x128xf32, #tpu.memory_space<vmem>>
      %dma_start3A_403 = tpu.memref_squeeze %dma_start3A_402 : memref<1x128xf32, #tpu.memory_space<vmem>> -> memref<128xf32, #tpu.memory_space<vmem>>
      %dma_start3A_404 = arith.constant 0 : i32
      %dma_start3A_405 = tpu.memref_slice %arg8[%dma_start3A_400, %dma_start3A_404] : memref<64x128xi32, #tpu.memory_space<vmem>> -> memref<1x128xi32, #tpu.memory_space<vmem>>
      %dma_start3A_406 = tpu.memref_squeeze %dma_start3A_405 : memref<1x128xi32, #tpu.memory_space<vmem>> -> memref<128xi32, #tpu.memory_space<vmem>>
      %dma_start3A_407 = arith.constant 0 : i32
      %dma_start3A_408 = tpu.memref_slice %arg12[%dma_start3A_407] : memref<1048576xf32, #tpu.memory_space<vmem_shared>> -> memref<1048576xf32, #tpu.memory_space<vmem_shared>>
      tpu.enqueue_indirect_dma source(%dma_start3A_403 : memref<128xf32, #tpu.memory_space<vmem>>) target(%dma_start3A_408 : memref<1048576xf32, #tpu.memory_space<vmem_shared>>) offsets(%dma_start3A_406 : memref<128xi32, #tpu.memory_space<vmem>>) semaphore(%arg13 : memref<!tpu.dma_semaphore, #tpu.memory_space<semaphore_mem>>) {add = true}
      %dma_start3A_409 = arith.constant 18 : i32
      %dma_start3A_410 = arith.constant 18 : i32
      %dma_start3A_411 = arith.constant 0 : i32
      %dma_start3A_412 = tpu.memref_slice %arg9[%dma_start3A_409, %dma_start3A_411] : memref<64x128xf32, #tpu.memory_space<vmem>> -> memref<1x128xf32, #tpu.memory_space<vmem>>
      %dma_start3A_413 = tpu.memref_squeeze %dma_start3A_412 : memref<1x128xf32, #tpu.memory_space<vmem>> -> memref<128xf32, #tpu.memory_space<vmem>>
      %dma_start3A_414 = arith.constant 0 : i32
      %dma_start3A_415 = tpu.memref_slice %arg8[%dma_start3A_410, %dma_start3A_414] : memref<64x128xi32, #tpu.memory_space<vmem>> -> memref<1x128xi32, #tpu.memory_space<vmem>>
      %dma_start3A_416 = tpu.memref_squeeze %dma_start3A_415 : memref<1x128xi32, #tpu.memory_space<vmem>> -> memref<128xi32, #tpu.memory_space<vmem>>
      %dma_start3A_417 = arith.constant 0 : i32
      %dma_start3A_418 = tpu.memref_slice %arg12[%dma_start3A_417] : memref<1048576xf32, #tpu.memory_space<vmem_shared>> -> memref<1048576xf32, #tpu.memory_space<vmem_shared>>
      tpu.enqueue_indirect_dma source(%dma_start3A_413 : memref<128xf32, #tpu.memory_space<vmem>>) target(%dma_start3A_418 : memref<1048576xf32, #tpu.memory_space<vmem_shared>>) offsets(%dma_start3A_416 : memref<128xi32, #tpu.memory_space<vmem>>) semaphore(%arg13 : memref<!tpu.dma_semaphore, #tpu.memory_space<semaphore_mem>>) {add = true}
      %dma_start3A_419 = arith.constant 19 : i32
      %dma_start3A_420 = arith.constant 19 : i32
      %dma_start3A_421 = arith.constant 0 : i32
      %dma_start3A_422 = tpu.memref_slice %arg9[%dma_start3A_419, %dma_start3A_421] : memref<64x128xf32, #tpu.memory_space<vmem>> -> memref<1x128xf32, #tpu.memory_space<vmem>>
      %dma_start3A_423 = tpu.memref_squeeze %dma_start3A_422 : memref<1x128xf32, #tpu.memory_space<vmem>> -> memref<128xf32, #tpu.memory_space<vmem>>
      %dma_start3A_424 = arith.constant 0 : i32
      %dma_start3A_425 = tpu.memref_slice %arg8[%dma_start3A_420, %dma_start3A_424] : memref<64x128xi32, #tpu.memory_space<vmem>> -> memref<1x128xi32, #tpu.memory_space<vmem>>
      %dma_start3A_426 = tpu.memref_squeeze %dma_start3A_425 : memref<1x128xi32, #tpu.memory_space<vmem>> -> memref<128xi32, #tpu.memory_space<vmem>>
      %dma_start3A_427 = arith.constant 0 : i32
      %dma_start3A_428 = tpu.memref_slice %arg12[%dma_start3A_427] : memref<1048576xf32, #tpu.memory_space<vmem_shared>> -> memref<1048576xf32, #tpu.memory_space<vmem_shared>>
      tpu.enqueue_indirect_dma source(%dma_start3A_423 : memref<128xf32, #tpu.memory_space<vmem>>) target(%dma_start3A_428 : memref<1048576xf32, #tpu.memory_space<vmem_shared>>) offsets(%dma_start3A_426 : memref<128xi32, #tpu.memory_space<vmem>>) semaphore(%arg13 : memref<!tpu.dma_semaphore, #tpu.memory_space<semaphore_mem>>) {add = true}
      %dma_start3A_429 = arith.constant 20 : i32
      %dma_start3A_430 = arith.constant 20 : i32
      %dma_start3A_431 = arith.constant 0 : i32
      %dma_start3A_432 = tpu.memref_slice %arg9[%dma_start3A_429, %dma_start3A_431] : memref<64x128xf32, #tpu.memory_space<vmem>> -> memref<1x128xf32, #tpu.memory_space<vmem>>
      %dma_start3A_433 = tpu.memref_squeeze %dma_start3A_432 : memref<1x128xf32, #tpu.memory_space<vmem>> -> memref<128xf32, #tpu.memory_space<vmem>>
      %dma_start3A_434 = arith.constant 0 : i32
      %dma_start3A_435 = tpu.memref_slice %arg8[%dma_start3A_430, %dma_start3A_434] : memref<64x128xi32, #tpu.memory_space<vmem>> -> memref<1x128xi32, #tpu.memory_space<vmem>>
      %dma_start3A_436 = tpu.memref_squeeze %dma_start3A_435 : memref<1x128xi32, #tpu.memory_space<vmem>> -> memref<128xi32, #tpu.memory_space<vmem>>
      %dma_start3A_437 = arith.constant 0 : i32
      %dma_start3A_438 = tpu.memref_slice %arg12[%dma_start3A_437] : memref<1048576xf32, #tpu.memory_space<vmem_shared>> -> memref<1048576xf32, #tpu.memory_space<vmem_shared>>
      tpu.enqueue_indirect_dma source(%dma_start3A_433 : memref<128xf32, #tpu.memory_space<vmem>>) target(%dma_start3A_438 : memref<1048576xf32, #tpu.memory_space<vmem_shared>>) offsets(%dma_start3A_436 : memref<128xi32, #tpu.memory_space<vmem>>) semaphore(%arg13 : memref<!tpu.dma_semaphore, #tpu.memory_space<semaphore_mem>>) {add = true}
      %dma_start3A_439 = arith.constant 21 : i32
      %dma_start3A_440 = arith.constant 21 : i32
      %dma_start3A_441 = arith.constant 0 : i32
      %dma_start3A_442 = tpu.memref_slice %arg9[%dma_start3A_439, %dma_start3A_441] : memref<64x128xf32, #tpu.memory_space<vmem>> -> memref<1x128xf32, #tpu.memory_space<vmem>>
      %dma_start3A_443 = tpu.memref_squeeze %dma_start3A_442 : memref<1x128xf32, #tpu.memory_space<vmem>> -> memref<128xf32, #tpu.memory_space<vmem>>
      %dma_start3A_444 = arith.constant 0 : i32
      %dma_start3A_445 = tpu.memref_slice %arg8[%dma_start3A_440, %dma_start3A_444] : memref<64x128xi32, #tpu.memory_space<vmem>> -> memref<1x128xi32, #tpu.memory_space<vmem>>
      %dma_start3A_446 = tpu.memref_squeeze %dma_start3A_445 : memref<1x128xi32, #tpu.memory_space<vmem>> -> memref<128xi32, #tpu.memory_space<vmem>>
      %dma_start3A_447 = arith.constant 0 : i32
      %dma_start3A_448 = tpu.memref_slice %arg12[%dma_start3A_447] : memref<1048576xf32, #tpu.memory_space<vmem_shared>> -> memref<1048576xf32, #tpu.memory_space<vmem_shared>>
      tpu.enqueue_indirect_dma source(%dma_start3A_443 : memref<128xf32, #tpu.memory_space<vmem>>) target(%dma_start3A_448 : memref<1048576xf32, #tpu.memory_space<vmem_shared>>) offsets(%dma_start3A_446 : memref<128xi32, #tpu.memory_space<vmem>>) semaphore(%arg13 : memref<!tpu.dma_semaphore, #tpu.memory_space<semaphore_mem>>) {add = true}
      %dma_start3A_449 = arith.constant 22 : i32
      %dma_start3A_450 = arith.constant 22 : i32
      %dma_start3A_451 = arith.constant 0 : i32
      %dma_start3A_452 = tpu.memref_slice %arg9[%dma_start3A_449, %dma_start3A_451] : memref<64x128xf32, #tpu.memory_space<vmem>> -> memref<1x128xf32, #tpu.memory_space<vmem>>
      %dma_start3A_453 = tpu.memref_squeeze %dma_start3A_452 : memref<1x128xf32, #tpu.memory_space<vmem>> -> memref<128xf32, #tpu.memory_space<vmem>>
      %dma_start3A_454 = arith.constant 0 : i32
      %dma_start3A_455 = tpu.memref_slice %arg8[%dma_start3A_450, %dma_start3A_454] : memref<64x128xi32, #tpu.memory_space<vmem>> -> memref<1x128xi32, #tpu.memory_space<vmem>>
      %dma_start3A_456 = tpu.memref_squeeze %dma_start3A_455 : memref<1x128xi32, #tpu.memory_space<vmem>> -> memref<128xi32, #tpu.memory_space<vmem>>
      %dma_start3A_457 = arith.constant 0 : i32
      %dma_start3A_458 = tpu.memref_slice %arg12[%dma_start3A_457] : memref<1048576xf32, #tpu.memory_space<vmem_shared>> -> memref<1048576xf32, #tpu.memory_space<vmem_shared>>
      tpu.enqueue_indirect_dma source(%dma_start3A_453 : memref<128xf32, #tpu.memory_space<vmem>>) target(%dma_start3A_458 : memref<1048576xf32, #tpu.memory_space<vmem_shared>>) offsets(%dma_start3A_456 : memref<128xi32, #tpu.memory_space<vmem>>) semaphore(%arg13 : memref<!tpu.dma_semaphore, #tpu.memory_space<semaphore_mem>>) {add = true}
      %dma_start3A_459 = arith.constant 23 : i32
      %dma_start3A_460 = arith.constant 23 : i32
      %dma_start3A_461 = arith.constant 0 : i32
      %dma_start3A_462 = tpu.memref_slice %arg9[%dma_start3A_459, %dma_start3A_461] : memref<64x128xf32, #tpu.memory_space<vmem>> -> memref<1x128xf32, #tpu.memory_space<vmem>>
      %dma_start3A_463 = tpu.memref_squeeze %dma_start3A_462 : memref<1x128xf32, #tpu.memory_space<vmem>> -> memref<128xf32, #tpu.memory_space<vmem>>
      %dma_start3A_464 = arith.constant 0 : i32
      %dma_start3A_465 = tpu.memref_slice %arg8[%dma_start3A_460, %dma_start3A_464] : memref<64x128xi32, #tpu.memory_space<vmem>> -> memref<1x128xi32, #tpu.memory_space<vmem>>
      %dma_start3A_466 = tpu.memref_squeeze %dma_start3A_465 : memref<1x128xi32, #tpu.memory_space<vmem>> -> memref<128xi32, #tpu.memory_space<vmem>>
      %dma_start3A_467 = arith.constant 0 : i32
      %dma_start3A_468 = tpu.memref_slice %arg12[%dma_start3A_467] : memref<1048576xf32, #tpu.memory_space<vmem_shared>> -> memref<1048576xf32, #tpu.memory_space<vmem_shared>>
      tpu.enqueue_indirect_dma source(%dma_start3A_463 : memref<128xf32, #tpu.memory_space<vmem>>) target(%dma_start3A_468 : memref<1048576xf32, #tpu.memory_space<vmem_shared>>) offsets(%dma_start3A_466 : memref<128xi32, #tpu.memory_space<vmem>>) semaphore(%arg13 : memref<!tpu.dma_semaphore, #tpu.memory_space<semaphore_mem>>) {add = true}
      %dma_start3A_469 = arith.constant 24 : i32
      %dma_start3A_470 = arith.constant 24 : i32
      %dma_start3A_471 = arith.constant 0 : i32
      %dma_start3A_472 = tpu.memref_slice %arg9[%dma_start3A_469, %dma_start3A_471] : memref<64x128xf32, #tpu.memory_space<vmem>> -> memref<1x128xf32, #tpu.memory_space<vmem>>
      %dma_start3A_473 = tpu.memref_squeeze %dma_start3A_472 : memref<1x128xf32, #tpu.memory_space<vmem>> -> memref<128xf32, #tpu.memory_space<vmem>>
      %dma_start3A_474 = arith.constant 0 : i32
      %dma_start3A_475 = tpu.memref_slice %arg8[%dma_start3A_470, %dma_start3A_474] : memref<64x128xi32, #tpu.memory_space<vmem>> -> memref<1x128xi32, #tpu.memory_space<vmem>>
      %dma_start3A_476 = tpu.memref_squeeze %dma_start3A_475 : memref<1x128xi32, #tpu.memory_space<vmem>> -> memref<128xi32, #tpu.memory_space<vmem>>
      %dma_start3A_477 = arith.constant 0 : i32
      %dma_start3A_478 = tpu.memref_slice %arg12[%dma_start3A_477] : memref<1048576xf32, #tpu.memory_space<vmem_shared>> -> memref<1048576xf32, #tpu.memory_space<vmem_shared>>
      tpu.enqueue_indirect_dma source(%dma_start3A_473 : memref<128xf32, #tpu.memory_space<vmem>>) target(%dma_start3A_478 : memref<1048576xf32, #tpu.memory_space<vmem_shared>>) offsets(%dma_start3A_476 : memref<128xi32, #tpu.memory_space<vmem>>) semaphore(%arg13 : memref<!tpu.dma_semaphore, #tpu.memory_space<semaphore_mem>>) {add = true}
      %dma_start3A_479 = arith.constant 25 : i32
      %dma_start3A_480 = arith.constant 25 : i32
      %dma_start3A_481 = arith.constant 0 : i32
      %dma_start3A_482 = tpu.memref_slice %arg9[%dma_start3A_479, %dma_start3A_481] : memref<64x128xf32, #tpu.memory_space<vmem>> -> memref<1x128xf32, #tpu.memory_space<vmem>>
      %dma_start3A_483 = tpu.memref_squeeze %dma_start3A_482 : memref<1x128xf32, #tpu.memory_space<vmem>> -> memref<128xf32, #tpu.memory_space<vmem>>
      %dma_start3A_484 = arith.constant 0 : i32
      %dma_start3A_485 = tpu.memref_slice %arg8[%dma_start3A_480, %dma_start3A_484] : memref<64x128xi32, #tpu.memory_space<vmem>> -> memref<1x128xi32, #tpu.memory_space<vmem>>
      %dma_start3A_486 = tpu.memref_squeeze %dma_start3A_485 : memref<1x128xi32, #tpu.memory_space<vmem>> -> memref<128xi32, #tpu.memory_space<vmem>>
      %dma_start3A_487 = arith.constant 0 : i32
      %dma_start3A_488 = tpu.memref_slice %arg12[%dma_start3A_487] : memref<1048576xf32, #tpu.memory_space<vmem_shared>> -> memref<1048576xf32, #tpu.memory_space<vmem_shared>>
      tpu.enqueue_indirect_dma source(%dma_start3A_483 : memref<128xf32, #tpu.memory_space<vmem>>) target(%dma_start3A_488 : memref<1048576xf32, #tpu.memory_space<vmem_shared>>) offsets(%dma_start3A_486 : memref<128xi32, #tpu.memory_space<vmem>>) semaphore(%arg13 : memref<!tpu.dma_semaphore, #tpu.memory_space<semaphore_mem>>) {add = true}
      %dma_start3A_489 = arith.constant 26 : i32
      %dma_start3A_490 = arith.constant 26 : i32
      %dma_start3A_491 = arith.constant 0 : i32
      %dma_start3A_492 = tpu.memref_slice %arg9[%dma_start3A_489, %dma_start3A_491] : memref<64x128xf32, #tpu.memory_space<vmem>> -> memref<1x128xf32, #tpu.memory_space<vmem>>
      %dma_start3A_493 = tpu.memref_squeeze %dma_start3A_492 : memref<1x128xf32, #tpu.memory_space<vmem>> -> memref<128xf32, #tpu.memory_space<vmem>>
      %dma_start3A_494 = arith.constant 0 : i32
      %dma_start3A_495 = tpu.memref_slice %arg8[%dma_start3A_490, %dma_start3A_494] : memref<64x128xi32, #tpu.memory_space<vmem>> -> memref<1x128xi32, #tpu.memory_space<vmem>>
      %dma_start3A_496 = tpu.memref_squeeze %dma_start3A_495 : memref<1x128xi32, #tpu.memory_space<vmem>> -> memref<128xi32, #tpu.memory_space<vmem>>
      %dma_start3A_497 = arith.constant 0 : i32
      %dma_start3A_498 = tpu.memref_slice %arg12[%dma_start3A_497] : memref<1048576xf32, #tpu.memory_space<vmem_shared>> -> memref<1048576xf32, #tpu.memory_space<vmem_shared>>
      tpu.enqueue_indirect_dma source(%dma_start3A_493 : memref<128xf32, #tpu.memory_space<vmem>>) target(%dma_start3A_498 : memref<1048576xf32, #tpu.memory_space<vmem_shared>>) offsets(%dma_start3A_496 : memref<128xi32, #tpu.memory_space<vmem>>) semaphore(%arg13 : memref<!tpu.dma_semaphore, #tpu.memory_space<semaphore_mem>>) {add = true}
      %dma_start3A_499 = arith.constant 27 : i32
      %dma_start3A_500 = arith.constant 27 : i32
      %dma_start3A_501 = arith.constant 0 : i32
      %dma_start3A_502 = tpu.memref_slice %arg9[%dma_start3A_499, %dma_start3A_501] : memref<64x128xf32, #tpu.memory_space<vmem>> -> memref<1x128xf32, #tpu.memory_space<vmem>>
      %dma_start3A_503 = tpu.memref_squeeze %dma_start3A_502 : memref<1x128xf32, #tpu.memory_space<vmem>> -> memref<128xf32, #tpu.memory_space<vmem>>
      %dma_start3A_504 = arith.constant 0 : i32
      %dma_start3A_505 = tpu.memref_slice %arg8[%dma_start3A_500, %dma_start3A_504] : memref<64x128xi32, #tpu.memory_space<vmem>> -> memref<1x128xi32, #tpu.memory_space<vmem>>
      %dma_start3A_506 = tpu.memref_squeeze %dma_start3A_505 : memref<1x128xi32, #tpu.memory_space<vmem>> -> memref<128xi32, #tpu.memory_space<vmem>>
      %dma_start3A_507 = arith.constant 0 : i32
      %dma_start3A_508 = tpu.memref_slice %arg12[%dma_start3A_507] : memref<1048576xf32, #tpu.memory_space<vmem_shared>> -> memref<1048576xf32, #tpu.memory_space<vmem_shared>>
      tpu.enqueue_indirect_dma source(%dma_start3A_503 : memref<128xf32, #tpu.memory_space<vmem>>) target(%dma_start3A_508 : memref<1048576xf32, #tpu.memory_space<vmem_shared>>) offsets(%dma_start3A_506 : memref<128xi32, #tpu.memory_space<vmem>>) semaphore(%arg13 : memref<!tpu.dma_semaphore, #tpu.memory_space<semaphore_mem>>) {add = true}
      %dma_start3A_509 = arith.constant 28 : i32
      %dma_start3A_510 = arith.constant 28 : i32
      %dma_start3A_511 = arith.constant 0 : i32
      %dma_start3A_512 = tpu.memref_slice %arg9[%dma_start3A_509, %dma_start3A_511] : memref<64x128xf32, #tpu.memory_space<vmem>> -> memref<1x128xf32, #tpu.memory_space<vmem>>
      %dma_start3A_513 = tpu.memref_squeeze %dma_start3A_512 : memref<1x128xf32, #tpu.memory_space<vmem>> -> memref<128xf32, #tpu.memory_space<vmem>>
      %dma_start3A_514 = arith.constant 0 : i32
      %dma_start3A_515 = tpu.memref_slice %arg8[%dma_start3A_510, %dma_start3A_514] : memref<64x128xi32, #tpu.memory_space<vmem>> -> memref<1x128xi32, #tpu.memory_space<vmem>>
      %dma_start3A_516 = tpu.memref_squeeze %dma_start3A_515 : memref<1x128xi32, #tpu.memory_space<vmem>> -> memref<128xi32, #tpu.memory_space<vmem>>
      %dma_start3A_517 = arith.constant 0 : i32
      %dma_start3A_518 = tpu.memref_slice %arg12[%dma_start3A_517] : memref<1048576xf32, #tpu.memory_space<vmem_shared>> -> memref<1048576xf32, #tpu.memory_space<vmem_shared>>
      tpu.enqueue_indirect_dma source(%dma_start3A_513 : memref<128xf32, #tpu.memory_space<vmem>>) target(%dma_start3A_518 : memref<1048576xf32, #tpu.memory_space<vmem_shared>>) offsets(%dma_start3A_516 : memref<128xi32, #tpu.memory_space<vmem>>) semaphore(%arg13 : memref<!tpu.dma_semaphore, #tpu.memory_space<semaphore_mem>>) {add = true}
      %dma_start3A_519 = arith.constant 29 : i32
      %dma_start3A_520 = arith.constant 29 : i32
      %dma_start3A_521 = arith.constant 0 : i32
      %dma_start3A_522 = tpu.memref_slice %arg9[%dma_start3A_519, %dma_start3A_521] : memref<64x128xf32, #tpu.memory_space<vmem>> -> memref<1x128xf32, #tpu.memory_space<vmem>>
      %dma_start3A_523 = tpu.memref_squeeze %dma_start3A_522 : memref<1x128xf32, #tpu.memory_space<vmem>> -> memref<128xf32, #tpu.memory_space<vmem>>
      %dma_start3A_524 = arith.constant 0 : i32
      %dma_start3A_525 = tpu.memref_slice %arg8[%dma_start3A_520, %dma_start3A_524] : memref<64x128xi32, #tpu.memory_space<vmem>> -> memref<1x128xi32, #tpu.memory_space<vmem>>
      %dma_start3A_526 = tpu.memref_squeeze %dma_start3A_525 : memref<1x128xi32, #tpu.memory_space<vmem>> -> memref<128xi32, #tpu.memory_space<vmem>>
      %dma_start3A_527 = arith.constant 0 : i32
      %dma_start3A_528 = tpu.memref_slice %arg12[%dma_start3A_527] : memref<1048576xf32, #tpu.memory_space<vmem_shared>> -> memref<1048576xf32, #tpu.memory_space<vmem_shared>>
      tpu.enqueue_indirect_dma source(%dma_start3A_523 : memref<128xf32, #tpu.memory_space<vmem>>) target(%dma_start3A_528 : memref<1048576xf32, #tpu.memory_space<vmem_shared>>) offsets(%dma_start3A_526 : memref<128xi32, #tpu.memory_space<vmem>>) semaphore(%arg13 : memref<!tpu.dma_semaphore, #tpu.memory_space<semaphore_mem>>) {add = true}
      %dma_start3A_529 = arith.constant 30 : i32
      %dma_start3A_530 = arith.constant 30 : i32
      %dma_start3A_531 = arith.constant 0 : i32
      %dma_start3A_532 = tpu.memref_slice %arg9[%dma_start3A_529, %dma_start3A_531] : memref<64x128xf32, #tpu.memory_space<vmem>> -> memref<1x128xf32, #tpu.memory_space<vmem>>
      %dma_start3A_533 = tpu.memref_squeeze %dma_start3A_532 : memref<1x128xf32, #tpu.memory_space<vmem>> -> memref<128xf32, #tpu.memory_space<vmem>>
      %dma_start3A_534 = arith.constant 0 : i32
      %dma_start3A_535 = tpu.memref_slice %arg8[%dma_start3A_530, %dma_start3A_534] : memref<64x128xi32, #tpu.memory_space<vmem>> -> memref<1x128xi32, #tpu.memory_space<vmem>>
      %dma_start3A_536 = tpu.memref_squeeze %dma_start3A_535 : memref<1x128xi32, #tpu.memory_space<vmem>> -> memref<128xi32, #tpu.memory_space<vmem>>
      %dma_start3A_537 = arith.constant 0 : i32
      %dma_start3A_538 = tpu.memref_slice %arg12[%dma_start3A_537] : memref<1048576xf32, #tpu.memory_space<vmem_shared>> -> memref<1048576xf32, #tpu.memory_space<vmem_shared>>
      tpu.enqueue_indirect_dma source(%dma_start3A_533 : memref<128xf32, #tpu.memory_space<vmem>>) target(%dma_start3A_538 : memref<1048576xf32, #tpu.memory_space<vmem_shared>>) offsets(%dma_start3A_536 : memref<128xi32, #tpu.memory_space<vmem>>) semaphore(%arg13 : memref<!tpu.dma_semaphore, #tpu.memory_space<semaphore_mem>>) {add = true}
      %dma_start3A_539 = arith.constant 31 : i32
      %dma_start3A_540 = arith.constant 31 : i32
      %dma_start3A_541 = arith.constant 0 : i32
      %dma_start3A_542 = tpu.memref_slice %arg9[%dma_start3A_539, %dma_start3A_541] : memref<64x128xf32, #tpu.memory_space<vmem>> -> memref<1x128xf32, #tpu.memory_space<vmem>>
      %dma_start3A_543 = tpu.memref_squeeze %dma_start3A_542 : memref<1x128xf32, #tpu.memory_space<vmem>> -> memref<128xf32, #tpu.memory_space<vmem>>
      %dma_start3A_544 = arith.constant 0 : i32
      %dma_start3A_545 = tpu.memref_slice %arg8[%dma_start3A_540, %dma_start3A_544] : memref<64x128xi32, #tpu.memory_space<vmem>> -> memref<1x128xi32, #tpu.memory_space<vmem>>
      %dma_start3A_546 = tpu.memref_squeeze %dma_start3A_545 : memref<1x128xi32, #tpu.memory_space<vmem>> -> memref<128xi32, #tpu.memory_space<vmem>>
      %dma_start3A_547 = arith.constant 0 : i32
      %dma_start3A_548 = tpu.memref_slice %arg12[%dma_start3A_547] : memref<1048576xf32, #tpu.memory_space<vmem_shared>> -> memref<1048576xf32, #tpu.memory_space<vmem_shared>>
      tpu.enqueue_indirect_dma source(%dma_start3A_543 : memref<128xf32, #tpu.memory_space<vmem>>) target(%dma_start3A_548 : memref<1048576xf32, #tpu.memory_space<vmem_shared>>) offsets(%dma_start3A_546 : memref<128xi32, #tpu.memory_space<vmem>>) semaphore(%arg13 : memref<!tpu.dma_semaphore, #tpu.memory_space<semaphore_mem>>) {add = true}
      %scan3A_549 = arith.constant 0 : i32
      %scan3A_550 = arith.constant 32 : i32
      %scan3A_551 = arith.addi %scan3A_549, %scan3A_550 : i32
      %scan3A_552 = arith.constant 1 : i32
      scf.for %scan3A_1194 = %scan3A_549 to %scan3A_551 step %scan3A_552  : i32 {
        %mul3A_1195 = arith.constant 1 : i32
        %mul3A_1196 = arith.muli %scan3A_1194, %mul3A_1195 : i32
        %add3A_1197 = arith.constant 32 : i32
        %add3A_1198 = arith.addi %add3A_1197, %mul3A_1196 : i32
        %mul3A_1199 = arith.constant 128 : i32
        %mul3A_1200 = arith.muli %add3A_1198, %mul3A_1199 : i32
        %add3A_1201 = arith.constant 0 : i32
        %add3A_1202 = arith.addi %mul3A_1200, %add3A_1201 : i32
        %get3A_1203 = arith.index_cast %add3A_1202 : i32 to index
        %get3A_1204 = tpu.vector_load %arg7[%get3A_1203] {strides = array<i32>} : memref<8192xf32, #tpu.memory_space<vmem>>, vector<16xf32>,
        %get3A_1205 = vector.shape_cast %get3A_1204 : vector<16xf32> to vector<16xf32>
        %mul3A_1206 = arith.mulf %get3A_2, %get3A_1205 : vector<16xf32>
        %add3A_1207 = arith.addf %mul3A_1206, %get3A_5 : vector<16xf32>
        %mul3A_1208 = arith.mulf %add3A_1207, %get3A_1205 : vector<16xf32>
        %add3A_1209 = arith.addf %mul3A_1208, %get3A_8 : vector<16xf32>
        %swap3A = arith.index_cast %add3A_1198 : i32 to index
        %swap3A_1210 = arith.constant 0 : index
        %swap3A_1211 = tpu.vector_load %arg9[%swap3A, %swap3A_1210] {strides = array<i32>} : memref<64x128xf32, #tpu.memory_space<vmem>>, vector<1x16xf32>,
        %swap3A_1212 = vector.shape_cast %swap3A_1211 : vector<1x16xf32> to vector<16xf32>
        %swap3A_1213 = vector.shape_cast %add3A_1209 : vector<16xf32> to vector<1x16xf32>
        tpu.vector_store %arg9[%swap3A, %swap3A_1210], %swap3A_1213 {strides = array<i32>} : memref<64x128xf32, #tpu.memory_space<vmem>>, vector<1x16xf32>,
        %mul3A_1214 = arith.constant 128 : i32
        %mul3A_1215 = arith.muli %add3A_1198, %mul3A_1214 : i32
        %add3A_1216 = arith.constant 0 : i32
        %add3A_1217 = arith.addi %mul3A_1215, %add3A_1216 : i32
        %get3A_1218 = arith.index_cast %add3A_1217 : i32 to index
        %get3A_1219 = tpu.vector_load %arg6[%get3A_1218] {strides = array<i32>} : memref<8192xi32, #tpu.memory_space<vmem>>, vector<16xi32>,
        %get3A_1220 = vector.shape_cast %get3A_1219 : vector<16xi32> to vector<16xi32>
        %swap3A_1221 = arith.index_cast %add3A_1198 : i32 to index
        %swap3A_1222 = arith.constant 0 : index
        %swap3A_1223 = tpu.vector_load %arg8[%swap3A_1221, %swap3A_1222] {strides = array<i32>} : memref<64x128xi32, #tpu.memory_space<vmem>>, vector<1x16xi32>,
        %swap3A_1224 = vector.shape_cast %swap3A_1223 : vector<1x16xi32> to vector<16xi32>
        %swap3A_1225 = vector.shape_cast %get3A_1220 : vector<16xi32> to vector<1x16xi32>
        tpu.vector_store %arg8[%swap3A_1221, %swap3A_1222], %swap3A_1225 {strides = array<i32>} : memref<64x128xi32, #tpu.memory_space<vmem>>, vector<1x16xi32>,
        %mul3A_1226 = arith.constant 128 : i32
        %mul3A_1227 = arith.muli %add3A_1198, %mul3A_1226 : i32
        %add3A_1228 = arith.constant 16 : i32
        %add3A_1229 = arith.addi %mul3A_1227, %add3A_1228 : i32
        %get3A_1230 = arith.index_cast %add3A_1229 : i32 to index
        %get3A_1231 = tpu.vector_load %arg7[%get3A_1230] {strides = array<i32>} : memref<8192xf32, #tpu.memory_space<vmem>>, vector<16xf32>,
        %get3A_1232 = vector.shape_cast %get3A_1231 : vector<16xf32> to vector<16xf32>
        %mul3A_1233 = arith.mulf %get3A_2, %get3A_1232 : vector<16xf32>
        %add3A_1234 = arith.addf %mul3A_1233, %get3A_5 : vector<16xf32>
        %mul3A_1235 = arith.mulf %add3A_1234, %get3A_1232 : vector<16xf32>
        %add3A_1236 = arith.addf %mul3A_1235, %get3A_8 : vector<16xf32>
        %swap3A_1237 = arith.index_cast %add3A_1198 : i32 to index
        %swap3A_1238 = arith.constant 16 : index
        %swap3A_1239 = tpu.vector_load %arg9[%swap3A_1237, %swap3A_1238] {strides = array<i32>} : memref<64x128xf32, #tpu.memory_space<vmem>>, vector<1x16xf32>,
        %swap3A_1240 = vector.shape_cast %swap3A_1239 : vector<1x16xf32> to vector<16xf32>
        %swap3A_1241 = vector.shape_cast %add3A_1236 : vector<16xf32> to vector<1x16xf32>
        tpu.vector_store %arg9[%swap3A_1237, %swap3A_1238], %swap3A_1241 {strides = array<i32>} : memref<64x128xf32, #tpu.memory_space<vmem>>, vector<1x16xf32>,
        %mul3A_1242 = arith.constant 128 : i32
        %mul3A_1243 = arith.muli %add3A_1198, %mul3A_1242 : i32
        %add3A_1244 = arith.constant 16 : i32
        %add3A_1245 = arith.addi %mul3A_1243, %add3A_1244 : i32
        %get3A_1246 = arith.index_cast %add3A_1245 : i32 to index
        %get3A_1247 = tpu.vector_load %arg6[%get3A_1246] {strides = array<i32>} : memref<8192xi32, #tpu.memory_space<vmem>>, vector<16xi32>,
        %get3A_1248 = vector.shape_cast %get3A_1247 : vector<16xi32> to vector<16xi32>
        %swap3A_1249 = arith.index_cast %add3A_1198 : i32 to index
        %swap3A_1250 = arith.constant 16 : index
        %swap3A_1251 = tpu.vector_load %arg8[%swap3A_1249, %swap3A_1250] {strides = array<i32>} : memref<64x128xi32, #tpu.memory_space<vmem>>, vector<1x16xi32>,
        %swap3A_1252 = vector.shape_cast %swap3A_1251 : vector<1x16xi32> to vector<16xi32>
        %swap3A_1253 = vector.shape_cast %get3A_1248 : vector<16xi32> to vector<1x16xi32>
        tpu.vector_store %arg8[%swap3A_1249, %swap3A_1250], %swap3A_1253 {strides = array<i32>} : memref<64x128xi32, #tpu.memory_space<vmem>>, vector<1x16xi32>,
        %mul3A_1254 = arith.constant 128 : i32
        %mul3A_1255 = arith.muli %add3A_1198, %mul3A_1254 : i32
        %add3A_1256 = arith.constant 32 : i32
        %add3A_1257 = arith.addi %mul3A_1255, %add3A_1256 : i32
        %get3A_1258 = arith.index_cast %add3A_1257 : i32 to index
        %get3A_1259 = tpu.vector_load %arg7[%get3A_1258] {strides = array<i32>} : memref<8192xf32, #tpu.memory_space<vmem>>, vector<16xf32>,
        %get3A_1260 = vector.shape_cast %get3A_1259 : vector<16xf32> to vector<16xf32>
        %mul3A_1261 = arith.mulf %get3A_2, %get3A_1260 : vector<16xf32>
        %add3A_1262 = arith.addf %mul3A_1261, %get3A_5 : vector<16xf32>
        %mul3A_1263 = arith.mulf %add3A_1262, %get3A_1260 : vector<16xf32>
        %add3A_1264 = arith.addf %mul3A_1263, %get3A_8 : vector<16xf32>
        %swap3A_1265 = arith.index_cast %add3A_1198 : i32 to index
        %swap3A_1266 = arith.constant 32 : index
        %swap3A_1267 = tpu.vector_load %arg9[%swap3A_1265, %swap3A_1266] {strides = array<i32>} : memref<64x128xf32, #tpu.memory_space<vmem>>, vector<1x16xf32>,
        %swap3A_1268 = vector.shape_cast %swap3A_1267 : vector<1x16xf32> to vector<16xf32>
        %swap3A_1269 = vector.shape_cast %add3A_1264 : vector<16xf32> to vector<1x16xf32>
        tpu.vector_store %arg9[%swap3A_1265, %swap3A_1266], %swap3A_1269 {strides = array<i32>} : memref<64x128xf32, #tpu.memory_space<vmem>>, vector<1x16xf32>,
        %mul3A_1270 = arith.constant 128 : i32
        %mul3A_1271 = arith.muli %add3A_1198, %mul3A_1270 : i32
        %add3A_1272 = arith.constant 32 : i32
        %add3A_1273 = arith.addi %mul3A_1271, %add3A_1272 : i32
        %get3A_1274 = arith.index_cast %add3A_1273 : i32 to index
        %get3A_1275 = tpu.vector_load %arg6[%get3A_1274] {strides = array<i32>} : memref<8192xi32, #tpu.memory_space<vmem>>, vector<16xi32>,
        %get3A_1276 = vector.shape_cast %get3A_1275 : vector<16xi32> to vector<16xi32>
        %swap3A_1277 = arith.index_cast %add3A_1198 : i32 to index
        %swap3A_1278 = arith.constant 32 : index
        %swap3A_1279 = tpu.vector_load %arg8[%swap3A_1277, %swap3A_1278] {strides = array<i32>} : memref<64x128xi32, #tpu.memory_space<vmem>>, vector<1x16xi32>,
        %swap3A_1280 = vector.shape_cast %swap3A_1279 : vector<1x16xi32> to vector<16xi32>
        %swap3A_1281 = vector.shape_cast %get3A_1276 : vector<16xi32> to vector<1x16xi32>
        tpu.vector_store %arg8[%swap3A_1277, %swap3A_1278], %swap3A_1281 {strides = array<i32>} : memref<64x128xi32, #tpu.memory_space<vmem>>, vector<1x16xi32>,
        %mul3A_1282 = arith.constant 128 : i32
        %mul3A_1283 = arith.muli %add3A_1198, %mul3A_1282 : i32
        %add3A_1284 = arith.constant 48 : i32
        %add3A_1285 = arith.addi %mul3A_1283, %add3A_1284 : i32
        %get3A_1286 = arith.index_cast %add3A_1285 : i32 to index
        %get3A_1287 = tpu.vector_load %arg7[%get3A_1286] {strides = array<i32>} : memref<8192xf32, #tpu.memory_space<vmem>>, vector<16xf32>,
        %get3A_1288 = vector.shape_cast %get3A_1287 : vector<16xf32> to vector<16xf32>
        %mul3A_1289 = arith.mulf %get3A_2, %get3A_1288 : vector<16xf32>
        %add3A_1290 = arith.addf %mul3A_1289, %get3A_5 : vector<16xf32>
        %mul3A_1291 = arith.mulf %add3A_1290, %get3A_1288 : vector<16xf32>
        %add3A_1292 = arith.addf %mul3A_1291, %get3A_8 : vector<16xf32>
        %swap3A_1293 = arith.index_cast %add3A_1198 : i32 to index
        %swap3A_1294 = arith.constant 48 : index
        %swap3A_1295 = tpu.vector_load %arg9[%swap3A_1293, %swap3A_1294] {strides = array<i32>} : memref<64x128xf32, #tpu.memory_space<vmem>>, vector<1x16xf32>,
        %swap3A_1296 = vector.shape_cast %swap3A_1295 : vector<1x16xf32> to vector<16xf32>
        %swap3A_1297 = vector.shape_cast %add3A_1292 : vector<16xf32> to vector<1x16xf32>
        tpu.vector_store %arg9[%swap3A_1293, %swap3A_1294], %swap3A_1297 {strides = array<i32>} : memref<64x128xf32, #tpu.memory_space<vmem>>, vector<1x16xf32>,
        %mul3A_1298 = arith.constant 128 : i32
        %mul3A_1299 = arith.muli %add3A_1198, %mul3A_1298 : i32
        %add3A_1300 = arith.constant 48 : i32
        %add3A_1301 = arith.addi %mul3A_1299, %add3A_1300 : i32
        %get3A_1302 = arith.index_cast %add3A_1301 : i32 to index
        %get3A_1303 = tpu.vector_load %arg6[%get3A_1302] {strides = array<i32>} : memref<8192xi32, #tpu.memory_space<vmem>>, vector<16xi32>,
        %get3A_1304 = vector.shape_cast %get3A_1303 : vector<16xi32> to vector<16xi32>
        %swap3A_1305 = arith.index_cast %add3A_1198 : i32 to index
        %swap3A_1306 = arith.constant 48 : index
        %swap3A_1307 = tpu.vector_load %arg8[%swap3A_1305, %swap3A_1306] {strides = array<i32>} : memref<64x128xi32, #tpu.memory_space<vmem>>, vector<1x16xi32>,
        %swap3A_1308 = vector.shape_cast %swap3A_1307 : vector<1x16xi32> to vector<16xi32>
        %swap3A_1309 = vector.shape_cast %get3A_1304 : vector<16xi32> to vector<1x16xi32>
        tpu.vector_store %arg8[%swap3A_1305, %swap3A_1306], %swap3A_1309 {strides = array<i32>} : memref<64x128xi32, #tpu.memory_space<vmem>>, vector<1x16xi32>,
        %mul3A_1310 = arith.constant 128 : i32
        %mul3A_1311 = arith.muli %add3A_1198, %mul3A_1310 : i32
        %add3A_1312 = arith.constant 64 : i32
        %add3A_1313 = arith.addi %mul3A_1311, %add3A_1312 : i32
        %get3A_1314 = arith.index_cast %add3A_1313 : i32 to index
        %get3A_1315 = tpu.vector_load %arg7[%get3A_1314] {strides = array<i32>} : memref<8192xf32, #tpu.memory_space<vmem>>, vector<16xf32>,
        %get3A_1316 = vector.shape_cast %get3A_1315 : vector<16xf32> to vector<16xf32>
        %mul3A_1317 = arith.mulf %get3A_2, %get3A_1316 : vector<16xf32>
        %add3A_1318 = arith.addf %mul3A_1317, %get3A_5 : vector<16xf32>
        %mul3A_1319 = arith.mulf %add3A_1318, %get3A_1316 : vector<16xf32>
        %add3A_1320 = arith.addf %mul3A_1319, %get3A_8 : vector<16xf32>
        %swap3A_1321 = arith.index_cast %add3A_1198 : i32 to index
        %swap3A_1322 = arith.constant 64 : index
        %swap3A_1323 = tpu.vector_load %arg9[%swap3A_1321, %swap3A_1322] {strides = array<i32>} : memref<64x128xf32, #tpu.memory_space<vmem>>, vector<1x16xf32>,
        %swap3A_1324 = vector.shape_cast %swap3A_1323 : vector<1x16xf32> to vector<16xf32>
        %swap3A_1325 = vector.shape_cast %add3A_1320 : vector<16xf32> to vector<1x16xf32>
        tpu.vector_store %arg9[%swap3A_1321, %swap3A_1322], %swap3A_1325 {strides = array<i32>} : memref<64x128xf32, #tpu.memory_space<vmem>>, vector<1x16xf32>,
        %mul3A_1326 = arith.constant 128 : i32
        %mul3A_1327 = arith.muli %add3A_1198, %mul3A_1326 : i32
        %add3A_1328 = arith.constant 64 : i32
        %add3A_1329 = arith.addi %mul3A_1327, %add3A_1328 : i32
        %get3A_1330 = arith.index_cast %add3A_1329 : i32 to index
        %get3A_1331 = tpu.vector_load %arg6[%get3A_1330] {strides = array<i32>} : memref<8192xi32, #tpu.memory_space<vmem>>, vector<16xi32>,
        %get3A_1332 = vector.shape_cast %get3A_1331 : vector<16xi32> to vector<16xi32>
        %swap3A_1333 = arith.index_cast %add3A_1198 : i32 to index
        %swap3A_1334 = arith.constant 64 : index
        %swap3A_1335 = tpu.vector_load %arg8[%swap3A_1333, %swap3A_1334] {strides = array<i32>} : memref<64x128xi32, #tpu.memory_space<vmem>>, vector<1x16xi32>,
        %swap3A_1336 = vector.shape_cast %swap3A_1335 : vector<1x16xi32> to vector<16xi32>
        %swap3A_1337 = vector.shape_cast %get3A_1332 : vector<16xi32> to vector<1x16xi32>
        tpu.vector_store %arg8[%swap3A_1333, %swap3A_1334], %swap3A_1337 {strides = array<i32>} : memref<64x128xi32, #tpu.memory_space<vmem>>, vector<1x16xi32>,
        %mul3A_1338 = arith.constant 128 : i32
        %mul3A_1339 = arith.muli %add3A_1198, %mul3A_1338 : i32
        %add3A_1340 = arith.constant 80 : i32
        %add3A_1341 = arith.addi %mul3A_1339, %add3A_1340 : i32
        %get3A_1342 = arith.index_cast %add3A_1341 : i32 to index
        %get3A_1343 = tpu.vector_load %arg7[%get3A_1342] {strides = array<i32>} : memref<8192xf32, #tpu.memory_space<vmem>>, vector<16xf32>,
        %get3A_1344 = vector.shape_cast %get3A_1343 : vector<16xf32> to vector<16xf32>
        %mul3A_1345 = arith.mulf %get3A_2, %get3A_1344 : vector<16xf32>
        %add3A_1346 = arith.addf %mul3A_1345, %get3A_5 : vector<16xf32>
        %mul3A_1347 = arith.mulf %add3A_1346, %get3A_1344 : vector<16xf32>
        %add3A_1348 = arith.addf %mul3A_1347, %get3A_8 : vector<16xf32>
        %swap3A_1349 = arith.index_cast %add3A_1198 : i32 to index
        %swap3A_1350 = arith.constant 80 : index
        %swap3A_1351 = tpu.vector_load %arg9[%swap3A_1349, %swap3A_1350] {strides = array<i32>} : memref<64x128xf32, #tpu.memory_space<vmem>>, vector<1x16xf32>,
        %swap3A_1352 = vector.shape_cast %swap3A_1351 : vector<1x16xf32> to vector<16xf32>
        %swap3A_1353 = vector.shape_cast %add3A_1348 : vector<16xf32> to vector<1x16xf32>
        tpu.vector_store %arg9[%swap3A_1349, %swap3A_1350], %swap3A_1353 {strides = array<i32>} : memref<64x128xf32, #tpu.memory_space<vmem>>, vector<1x16xf32>,
        %mul3A_1354 = arith.constant 128 : i32
        %mul3A_1355 = arith.muli %add3A_1198, %mul3A_1354 : i32
        %add3A_1356 = arith.constant 80 : i32
        %add3A_1357 = arith.addi %mul3A_1355, %add3A_1356 : i32
        %get3A_1358 = arith.index_cast %add3A_1357 : i32 to index
        %get3A_1359 = tpu.vector_load %arg6[%get3A_1358] {strides = array<i32>} : memref<8192xi32, #tpu.memory_space<vmem>>, vector<16xi32>,
        %get3A_1360 = vector.shape_cast %get3A_1359 : vector<16xi32> to vector<16xi32>
        %swap3A_1361 = arith.index_cast %add3A_1198 : i32 to index
        %swap3A_1362 = arith.constant 80 : index
        %swap3A_1363 = tpu.vector_load %arg8[%swap3A_1361, %swap3A_1362] {strides = array<i32>} : memref<64x128xi32, #tpu.memory_space<vmem>>, vector<1x16xi32>,
        %swap3A_1364 = vector.shape_cast %swap3A_1363 : vector<1x16xi32> to vector<16xi32>
        %swap3A_1365 = vector.shape_cast %get3A_1360 : vector<16xi32> to vector<1x16xi32>
        tpu.vector_store %arg8[%swap3A_1361, %swap3A_1362], %swap3A_1365 {strides = array<i32>} : memref<64x128xi32, #tpu.memory_space<vmem>>, vector<1x16xi32>,
        %mul3A_1366 = arith.constant 128 : i32
        %mul3A_1367 = arith.muli %add3A_1198, %mul3A_1366 : i32
        %add3A_1368 = arith.constant 96 : i32
        %add3A_1369 = arith.addi %mul3A_1367, %add3A_1368 : i32
        %get3A_1370 = arith.index_cast %add3A_1369 : i32 to index
        %get3A_1371 = tpu.vector_load %arg7[%get3A_1370] {strides = array<i32>} : memref<8192xf32, #tpu.memory_space<vmem>>, vector<16xf32>,
        %get3A_1372 = vector.shape_cast %get3A_1371 : vector<16xf32> to vector<16xf32>
        %mul3A_1373 = arith.mulf %get3A_2, %get3A_1372 : vector<16xf32>
        %add3A_1374 = arith.addf %mul3A_1373, %get3A_5 : vector<16xf32>
        %mul3A_1375 = arith.mulf %add3A_1374, %get3A_1372 : vector<16xf32>
        %add3A_1376 = arith.addf %mul3A_1375, %get3A_8 : vector<16xf32>
        %swap3A_1377 = arith.index_cast %add3A_1198 : i32 to index
        %swap3A_1378 = arith.constant 96 : index
        %swap3A_1379 = tpu.vector_load %arg9[%swap3A_1377, %swap3A_1378] {strides = array<i32>} : memref<64x128xf32, #tpu.memory_space<vmem>>, vector<1x16xf32>,
        %swap3A_1380 = vector.shape_cast %swap3A_1379 : vector<1x16xf32> to vector<16xf32>
        %swap3A_1381 = vector.shape_cast %add3A_1376 : vector<16xf32> to vector<1x16xf32>
        tpu.vector_store %arg9[%swap3A_1377, %swap3A_1378], %swap3A_1381 {strides = array<i32>} : memref<64x128xf32, #tpu.memory_space<vmem>>, vector<1x16xf32>,
        %mul3A_1382 = arith.constant 128 : i32
        %mul3A_1383 = arith.muli %add3A_1198, %mul3A_1382 : i32
        %add3A_1384 = arith.constant 96 : i32
        %add3A_1385 = arith.addi %mul3A_1383, %add3A_1384 : i32
        %get3A_1386 = arith.index_cast %add3A_1385 : i32 to index
        %get3A_1387 = tpu.vector_load %arg6[%get3A_1386] {strides = array<i32>} : memref<8192xi32, #tpu.memory_space<vmem>>, vector<16xi32>,
        %get3A_1388 = vector.shape_cast %get3A_1387 : vector<16xi32> to vector<16xi32>
        %swap3A_1389 = arith.index_cast %add3A_1198 : i32 to index
        %swap3A_1390 = arith.constant 96 : index
        %swap3A_1391 = tpu.vector_load %arg8[%swap3A_1389, %swap3A_1390] {strides = array<i32>} : memref<64x128xi32, #tpu.memory_space<vmem>>, vector<1x16xi32>,
        %swap3A_1392 = vector.shape_cast %swap3A_1391 : vector<1x16xi32> to vector<16xi32>
        %swap3A_1393 = vector.shape_cast %get3A_1388 : vector<16xi32> to vector<1x16xi32>
        tpu.vector_store %arg8[%swap3A_1389, %swap3A_1390], %swap3A_1393 {strides = array<i32>} : memref<64x128xi32, #tpu.memory_space<vmem>>, vector<1x16xi32>,
        %mul3A_1394 = arith.constant 128 : i32
        %mul3A_1395 = arith.muli %add3A_1198, %mul3A_1394 : i32
        %add3A_1396 = arith.constant 112 : i32
        %add3A_1397 = arith.addi %mul3A_1395, %add3A_1396 : i32
        %get3A_1398 = arith.index_cast %add3A_1397 : i32 to index
        %get3A_1399 = tpu.vector_load %arg7[%get3A_1398] {strides = array<i32>} : memref<8192xf32, #tpu.memory_space<vmem>>, vector<16xf32>,
        %get3A_1400 = vector.shape_cast %get3A_1399 : vector<16xf32> to vector<16xf32>
        %mul3A_1401 = arith.mulf %get3A_2, %get3A_1400 : vector<16xf32>
        %add3A_1402 = arith.addf %mul3A_1401, %get3A_5 : vector<16xf32>
        %mul3A_1403 = arith.mulf %add3A_1402, %get3A_1400 : vector<16xf32>
        %add3A_1404 = arith.addf %mul3A_1403, %get3A_8 : vector<16xf32>
        %swap3A_1405 = arith.index_cast %add3A_1198 : i32 to index
        %swap3A_1406 = arith.constant 112 : index
        %swap3A_1407 = tpu.vector_load %arg9[%swap3A_1405, %swap3A_1406] {strides = array<i32>} : memref<64x128xf32, #tpu.memory_space<vmem>>, vector<1x16xf32>,
        %swap3A_1408 = vector.shape_cast %swap3A_1407 : vector<1x16xf32> to vector<16xf32>
        %swap3A_1409 = vector.shape_cast %add3A_1404 : vector<16xf32> to vector<1x16xf32>
        tpu.vector_store %arg9[%swap3A_1405, %swap3A_1406], %swap3A_1409 {strides = array<i32>} : memref<64x128xf32, #tpu.memory_space<vmem>>, vector<1x16xf32>,
        %mul3A_1410 = arith.constant 128 : i32
        %mul3A_1411 = arith.muli %add3A_1198, %mul3A_1410 : i32
        %add3A_1412 = arith.constant 112 : i32
        %add3A_1413 = arith.addi %mul3A_1411, %add3A_1412 : i32
        %get3A_1414 = arith.index_cast %add3A_1413 : i32 to index
        %get3A_1415 = tpu.vector_load %arg6[%get3A_1414] {strides = array<i32>} : memref<8192xi32, #tpu.memory_space<vmem>>, vector<16xi32>,
        %get3A_1416 = vector.shape_cast %get3A_1415 : vector<16xi32> to vector<16xi32>
        %swap3A_1417 = arith.index_cast %add3A_1198 : i32 to index
        %swap3A_1418 = arith.constant 112 : index
        %swap3A_1419 = tpu.vector_load %arg8[%swap3A_1417, %swap3A_1418] {strides = array<i32>} : memref<64x128xi32, #tpu.memory_space<vmem>>, vector<1x16xi32>,
        %swap3A_1420 = vector.shape_cast %swap3A_1419 : vector<1x16xi32> to vector<16xi32>
        %swap3A_1421 = vector.shape_cast %get3A_1416 : vector<16xi32> to vector<1x16xi32>
        tpu.vector_store %arg8[%swap3A_1417, %swap3A_1418], %swap3A_1421 {strides = array<i32>} : memref<64x128xi32, #tpu.memory_space<vmem>>, vector<1x16xi32>,
      }
      %scan3A_553 = arith.constant 32 : i32
      %dma_wait3A_554 = arith.constant 0 : i32
      %dma_wait3A_555 = arith.constant 0 : i32
      %dma_wait3A_556 = arith.constant 0 : i32
      %dma_wait3A_557 = tpu.memref_slice %arg9[%dma_wait3A_554, %dma_wait3A_556] : memref<64x128xf32, #tpu.memory_space<vmem>> -> memref<1x128xf32, #tpu.memory_space<vmem>>
      %dma_wait3A_558 = tpu.memref_squeeze %dma_wait3A_557 : memref<1x128xf32, #tpu.memory_space<vmem>> -> memref<128xf32, #tpu.memory_space<vmem>>
      %dma_wait3A_559 = arith.constant 0 : i32
      %dma_wait3A_560 = tpu.memref_slice %arg8[%dma_wait3A_555, %dma_wait3A_559] : memref<64x128xi32, #tpu.memory_space<vmem>> -> memref<1x128xi32, #tpu.memory_space<vmem>>
      %dma_wait3A_561 = tpu.memref_squeeze %dma_wait3A_560 : memref<1x128xi32, #tpu.memory_space<vmem>> -> memref<128xi32, #tpu.memory_space<vmem>>
      %dma_wait3A_562 = arith.constant 0 : i32
      %dma_wait3A_563 = tpu.memref_slice %arg12[%dma_wait3A_562] : memref<1048576xf32, #tpu.memory_space<vmem_shared>> -> memref<1048576xf32, #tpu.memory_space<vmem_shared>>
      tpu.wait_indirect_dma semaphore(%arg13 : memref<!tpu.dma_semaphore, #tpu.memory_space<semaphore_mem>>) src(%dma_wait3A_558 : memref<128xf32, #tpu.memory_space<vmem>>) dst(%dma_wait3A_563 : memref<1048576xf32, #tpu.memory_space<vmem_shared>>)
      %dma_wait3A_564 = arith.constant 1 : i32
      %dma_wait3A_565 = arith.constant 1 : i32
      %dma_wait3A_566 = arith.constant 0 : i32
      %dma_wait3A_567 = tpu.memref_slice %arg9[%dma_wait3A_564, %dma_wait3A_566] : memref<64x128xf32, #tpu.memory_space<vmem>> -> memref<1x128xf32, #tpu.memory_space<vmem>>
      %dma_wait3A_568 = tpu.memref_squeeze %dma_wait3A_567 : memref<1x128xf32, #tpu.memory_space<vmem>> -> memref<128xf32, #tpu.memory_space<vmem>>
      %dma_wait3A_569 = arith.constant 0 : i32
      %dma_wait3A_570 = tpu.memref_slice %arg8[%dma_wait3A_565, %dma_wait3A_569] : memref<64x128xi32, #tpu.memory_space<vmem>> -> memref<1x128xi32, #tpu.memory_space<vmem>>
      %dma_wait3A_571 = tpu.memref_squeeze %dma_wait3A_570 : memref<1x128xi32, #tpu.memory_space<vmem>> -> memref<128xi32, #tpu.memory_space<vmem>>
      %dma_wait3A_572 = arith.constant 0 : i32
      %dma_wait3A_573 = tpu.memref_slice %arg12[%dma_wait3A_572] : memref<1048576xf32, #tpu.memory_space<vmem_shared>> -> memref<1048576xf32, #tpu.memory_space<vmem_shared>>
      tpu.wait_indirect_dma semaphore(%arg13 : memref<!tpu.dma_semaphore, #tpu.memory_space<semaphore_mem>>) src(%dma_wait3A_568 : memref<128xf32, #tpu.memory_space<vmem>>) dst(%dma_wait3A_573 : memref<1048576xf32, #tpu.memory_space<vmem_shared>>)
      %dma_wait3A_574 = arith.constant 2 : i32
      %dma_wait3A_575 = arith.constant 2 : i32
      %dma_wait3A_576 = arith.constant 0 : i32
      %dma_wait3A_577 = tpu.memref_slice %arg9[%dma_wait3A_574, %dma_wait3A_576] : memref<64x128xf32, #tpu.memory_space<vmem>> -> memref<1x128xf32, #tpu.memory_space<vmem>>
      %dma_wait3A_578 = tpu.memref_squeeze %dma_wait3A_577 : memref<1x128xf32, #tpu.memory_space<vmem>> -> memref<128xf32, #tpu.memory_space<vmem>>
      %dma_wait3A_579 = arith.constant 0 : i32
      %dma_wait3A_580 = tpu.memref_slice %arg8[%dma_wait3A_575, %dma_wait3A_579] : memref<64x128xi32, #tpu.memory_space<vmem>> -> memref<1x128xi32, #tpu.memory_space<vmem>>
      %dma_wait3A_581 = tpu.memref_squeeze %dma_wait3A_580 : memref<1x128xi32, #tpu.memory_space<vmem>> -> memref<128xi32, #tpu.memory_space<vmem>>
      %dma_wait3A_582 = arith.constant 0 : i32
      %dma_wait3A_583 = tpu.memref_slice %arg12[%dma_wait3A_582] : memref<1048576xf32, #tpu.memory_space<vmem_shared>> -> memref<1048576xf32, #tpu.memory_space<vmem_shared>>
      tpu.wait_indirect_dma semaphore(%arg13 : memref<!tpu.dma_semaphore, #tpu.memory_space<semaphore_mem>>) src(%dma_wait3A_578 : memref<128xf32, #tpu.memory_space<vmem>>) dst(%dma_wait3A_583 : memref<1048576xf32, #tpu.memory_space<vmem_shared>>)
      %dma_wait3A_584 = arith.constant 3 : i32
      %dma_wait3A_585 = arith.constant 3 : i32
      %dma_wait3A_586 = arith.constant 0 : i32
      %dma_wait3A_587 = tpu.memref_slice %arg9[%dma_wait3A_584, %dma_wait3A_586] : memref<64x128xf32, #tpu.memory_space<vmem>> -> memref<1x128xf32, #tpu.memory_space<vmem>>
      %dma_wait3A_588 = tpu.memref_squeeze %dma_wait3A_587 : memref<1x128xf32, #tpu.memory_space<vmem>> -> memref<128xf32, #tpu.memory_space<vmem>>
      %dma_wait3A_589 = arith.constant 0 : i32
      %dma_wait3A_590 = tpu.memref_slice %arg8[%dma_wait3A_585, %dma_wait3A_589] : memref<64x128xi32, #tpu.memory_space<vmem>> -> memref<1x128xi32, #tpu.memory_space<vmem>>
      %dma_wait3A_591 = tpu.memref_squeeze %dma_wait3A_590 : memref<1x128xi32, #tpu.memory_space<vmem>> -> memref<128xi32, #tpu.memory_space<vmem>>
      %dma_wait3A_592 = arith.constant 0 : i32
      %dma_wait3A_593 = tpu.memref_slice %arg12[%dma_wait3A_592] : memref<1048576xf32, #tpu.memory_space<vmem_shared>> -> memref<1048576xf32, #tpu.memory_space<vmem_shared>>
      tpu.wait_indirect_dma semaphore(%arg13 : memref<!tpu.dma_semaphore, #tpu.memory_space<semaphore_mem>>) src(%dma_wait3A_588 : memref<128xf32, #tpu.memory_space<vmem>>) dst(%dma_wait3A_593 : memref<1048576xf32, #tpu.memory_space<vmem_shared>>)
      %dma_wait3A_594 = arith.constant 4 : i32
      %dma_wait3A_595 = arith.constant 4 : i32
      %dma_wait3A_596 = arith.constant 0 : i32
      %dma_wait3A_597 = tpu.memref_slice %arg9[%dma_wait3A_594, %dma_wait3A_596] : memref<64x128xf32, #tpu.memory_space<vmem>> -> memref<1x128xf32, #tpu.memory_space<vmem>>
      %dma_wait3A_598 = tpu.memref_squeeze %dma_wait3A_597 : memref<1x128xf32, #tpu.memory_space<vmem>> -> memref<128xf32, #tpu.memory_space<vmem>>
      %dma_wait3A_599 = arith.constant 0 : i32
      %dma_wait3A_600 = tpu.memref_slice %arg8[%dma_wait3A_595, %dma_wait3A_599] : memref<64x128xi32, #tpu.memory_space<vmem>> -> memref<1x128xi32, #tpu.memory_space<vmem>>
      %dma_wait3A_601 = tpu.memref_squeeze %dma_wait3A_600 : memref<1x128xi32, #tpu.memory_space<vmem>> -> memref<128xi32, #tpu.memory_space<vmem>>
      %dma_wait3A_602 = arith.constant 0 : i32
      %dma_wait3A_603 = tpu.memref_slice %arg12[%dma_wait3A_602] : memref<1048576xf32, #tpu.memory_space<vmem_shared>> -> memref<1048576xf32, #tpu.memory_space<vmem_shared>>
      tpu.wait_indirect_dma semaphore(%arg13 : memref<!tpu.dma_semaphore, #tpu.memory_space<semaphore_mem>>) src(%dma_wait3A_598 : memref<128xf32, #tpu.memory_space<vmem>>) dst(%dma_wait3A_603 : memref<1048576xf32, #tpu.memory_space<vmem_shared>>)
      %dma_wait3A_604 = arith.constant 5 : i32
      %dma_wait3A_605 = arith.constant 5 : i32
      %dma_wait3A_606 = arith.constant 0 : i32
      %dma_wait3A_607 = tpu.memref_slice %arg9[%dma_wait3A_604, %dma_wait3A_606] : memref<64x128xf32, #tpu.memory_space<vmem>> -> memref<1x128xf32, #tpu.memory_space<vmem>>
      %dma_wait3A_608 = tpu.memref_squeeze %dma_wait3A_607 : memref<1x128xf32, #tpu.memory_space<vmem>> -> memref<128xf32, #tpu.memory_space<vmem>>
      %dma_wait3A_609 = arith.constant 0 : i32
      %dma_wait3A_610 = tpu.memref_slice %arg8[%dma_wait3A_605, %dma_wait3A_609] : memref<64x128xi32, #tpu.memory_space<vmem>> -> memref<1x128xi32, #tpu.memory_space<vmem>>
      %dma_wait3A_611 = tpu.memref_squeeze %dma_wait3A_610 : memref<1x128xi32, #tpu.memory_space<vmem>> -> memref<128xi32, #tpu.memory_space<vmem>>
      %dma_wait3A_612 = arith.constant 0 : i32
      %dma_wait3A_613 = tpu.memref_slice %arg12[%dma_wait3A_612] : memref<1048576xf32, #tpu.memory_space<vmem_shared>> -> memref<1048576xf32, #tpu.memory_space<vmem_shared>>
      tpu.wait_indirect_dma semaphore(%arg13 : memref<!tpu.dma_semaphore, #tpu.memory_space<semaphore_mem>>) src(%dma_wait3A_608 : memref<128xf32, #tpu.memory_space<vmem>>) dst(%dma_wait3A_613 : memref<1048576xf32, #tpu.memory_space<vmem_shared>>)
      %dma_wait3A_614 = arith.constant 6 : i32
      %dma_wait3A_615 = arith.constant 6 : i32
      %dma_wait3A_616 = arith.constant 0 : i32
      %dma_wait3A_617 = tpu.memref_slice %arg9[%dma_wait3A_614, %dma_wait3A_616] : memref<64x128xf32, #tpu.memory_space<vmem>> -> memref<1x128xf32, #tpu.memory_space<vmem>>
      %dma_wait3A_618 = tpu.memref_squeeze %dma_wait3A_617 : memref<1x128xf32, #tpu.memory_space<vmem>> -> memref<128xf32, #tpu.memory_space<vmem>>
      %dma_wait3A_619 = arith.constant 0 : i32
      %dma_wait3A_620 = tpu.memref_slice %arg8[%dma_wait3A_615, %dma_wait3A_619] : memref<64x128xi32, #tpu.memory_space<vmem>> -> memref<1x128xi32, #tpu.memory_space<vmem>>
      %dma_wait3A_621 = tpu.memref_squeeze %dma_wait3A_620 : memref<1x128xi32, #tpu.memory_space<vmem>> -> memref<128xi32, #tpu.memory_space<vmem>>
      %dma_wait3A_622 = arith.constant 0 : i32
      %dma_wait3A_623 = tpu.memref_slice %arg12[%dma_wait3A_622] : memref<1048576xf32, #tpu.memory_space<vmem_shared>> -> memref<1048576xf32, #tpu.memory_space<vmem_shared>>
      tpu.wait_indirect_dma semaphore(%arg13 : memref<!tpu.dma_semaphore, #tpu.memory_space<semaphore_mem>>) src(%dma_wait3A_618 : memref<128xf32, #tpu.memory_space<vmem>>) dst(%dma_wait3A_623 : memref<1048576xf32, #tpu.memory_space<vmem_shared>>)
      %dma_wait3A_624 = arith.constant 7 : i32
      %dma_wait3A_625 = arith.constant 7 : i32
      %dma_wait3A_626 = arith.constant 0 : i32
      %dma_wait3A_627 = tpu.memref_slice %arg9[%dma_wait3A_624, %dma_wait3A_626] : memref<64x128xf32, #tpu.memory_space<vmem>> -> memref<1x128xf32, #tpu.memory_space<vmem>>
      %dma_wait3A_628 = tpu.memref_squeeze %dma_wait3A_627 : memref<1x128xf32, #tpu.memory_space<vmem>> -> memref<128xf32, #tpu.memory_space<vmem>>
      %dma_wait3A_629 = arith.constant 0 : i32
      %dma_wait3A_630 = tpu.memref_slice %arg8[%dma_wait3A_625, %dma_wait3A_629] : memref<64x128xi32, #tpu.memory_space<vmem>> -> memref<1x128xi32, #tpu.memory_space<vmem>>
      %dma_wait3A_631 = tpu.memref_squeeze %dma_wait3A_630 : memref<1x128xi32, #tpu.memory_space<vmem>> -> memref<128xi32, #tpu.memory_space<vmem>>
      %dma_wait3A_632 = arith.constant 0 : i32
      %dma_wait3A_633 = tpu.memref_slice %arg12[%dma_wait3A_632] : memref<1048576xf32, #tpu.memory_space<vmem_shared>> -> memref<1048576xf32, #tpu.memory_space<vmem_shared>>
      tpu.wait_indirect_dma semaphore(%arg13 : memref<!tpu.dma_semaphore, #tpu.memory_space<semaphore_mem>>) src(%dma_wait3A_628 : memref<128xf32, #tpu.memory_space<vmem>>) dst(%dma_wait3A_633 : memref<1048576xf32, #tpu.memory_space<vmem_shared>>)
      %dma_wait3A_634 = arith.constant 8 : i32
      %dma_wait3A_635 = arith.constant 8 : i32
      %dma_wait3A_636 = arith.constant 0 : i32
      %dma_wait3A_637 = tpu.memref_slice %arg9[%dma_wait3A_634, %dma_wait3A_636] : memref<64x128xf32, #tpu.memory_space<vmem>> -> memref<1x128xf32, #tpu.memory_space<vmem>>
      %dma_wait3A_638 = tpu.memref_squeeze %dma_wait3A_637 : memref<1x128xf32, #tpu.memory_space<vmem>> -> memref<128xf32, #tpu.memory_space<vmem>>
      %dma_wait3A_639 = arith.constant 0 : i32
      %dma_wait3A_640 = tpu.memref_slice %arg8[%dma_wait3A_635, %dma_wait3A_639] : memref<64x128xi32, #tpu.memory_space<vmem>> -> memref<1x128xi32, #tpu.memory_space<vmem>>
      %dma_wait3A_641 = tpu.memref_squeeze %dma_wait3A_640 : memref<1x128xi32, #tpu.memory_space<vmem>> -> memref<128xi32, #tpu.memory_space<vmem>>
      %dma_wait3A_642 = arith.constant 0 : i32
      %dma_wait3A_643 = tpu.memref_slice %arg12[%dma_wait3A_642] : memref<1048576xf32, #tpu.memory_space<vmem_shared>> -> memref<1048576xf32, #tpu.memory_space<vmem_shared>>
      tpu.wait_indirect_dma semaphore(%arg13 : memref<!tpu.dma_semaphore, #tpu.memory_space<semaphore_mem>>) src(%dma_wait3A_638 : memref<128xf32, #tpu.memory_space<vmem>>) dst(%dma_wait3A_643 : memref<1048576xf32, #tpu.memory_space<vmem_shared>>)
      %dma_wait3A_644 = arith.constant 9 : i32
      %dma_wait3A_645 = arith.constant 9 : i32
      %dma_wait3A_646 = arith.constant 0 : i32
      %dma_wait3A_647 = tpu.memref_slice %arg9[%dma_wait3A_644, %dma_wait3A_646] : memref<64x128xf32, #tpu.memory_space<vmem>> -> memref<1x128xf32, #tpu.memory_space<vmem>>
      %dma_wait3A_648 = tpu.memref_squeeze %dma_wait3A_647 : memref<1x128xf32, #tpu.memory_space<vmem>> -> memref<128xf32, #tpu.memory_space<vmem>>
      %dma_wait3A_649 = arith.constant 0 : i32
      %dma_wait3A_650 = tpu.memref_slice %arg8[%dma_wait3A_645, %dma_wait3A_649] : memref<64x128xi32, #tpu.memory_space<vmem>> -> memref<1x128xi32, #tpu.memory_space<vmem>>
      %dma_wait3A_651 = tpu.memref_squeeze %dma_wait3A_650 : memref<1x128xi32, #tpu.memory_space<vmem>> -> memref<128xi32, #tpu.memory_space<vmem>>
      %dma_wait3A_652 = arith.constant 0 : i32
      %dma_wait3A_653 = tpu.memref_slice %arg12[%dma_wait3A_652] : memref<1048576xf32, #tpu.memory_space<vmem_shared>> -> memref<1048576xf32, #tpu.memory_space<vmem_shared>>
      tpu.wait_indirect_dma semaphore(%arg13 : memref<!tpu.dma_semaphore, #tpu.memory_space<semaphore_mem>>) src(%dma_wait3A_648 : memref<128xf32, #tpu.memory_space<vmem>>) dst(%dma_wait3A_653 : memref<1048576xf32, #tpu.memory_space<vmem_shared>>)
      %dma_wait3A_654 = arith.constant 10 : i32
      %dma_wait3A_655 = arith.constant 10 : i32
      %dma_wait3A_656 = arith.constant 0 : i32
      %dma_wait3A_657 = tpu.memref_slice %arg9[%dma_wait3A_654, %dma_wait3A_656] : memref<64x128xf32, #tpu.memory_space<vmem>> -> memref<1x128xf32, #tpu.memory_space<vmem>>
      %dma_wait3A_658 = tpu.memref_squeeze %dma_wait3A_657 : memref<1x128xf32, #tpu.memory_space<vmem>> -> memref<128xf32, #tpu.memory_space<vmem>>
      %dma_wait3A_659 = arith.constant 0 : i32
      %dma_wait3A_660 = tpu.memref_slice %arg8[%dma_wait3A_655, %dma_wait3A_659] : memref<64x128xi32, #tpu.memory_space<vmem>> -> memref<1x128xi32, #tpu.memory_space<vmem>>
      %dma_wait3A_661 = tpu.memref_squeeze %dma_wait3A_660 : memref<1x128xi32, #tpu.memory_space<vmem>> -> memref<128xi32, #tpu.memory_space<vmem>>
      %dma_wait3A_662 = arith.constant 0 : i32
      %dma_wait3A_663 = tpu.memref_slice %arg12[%dma_wait3A_662] : memref<1048576xf32, #tpu.memory_space<vmem_shared>> -> memref<1048576xf32, #tpu.memory_space<vmem_shared>>
      tpu.wait_indirect_dma semaphore(%arg13 : memref<!tpu.dma_semaphore, #tpu.memory_space<semaphore_mem>>) src(%dma_wait3A_658 : memref<128xf32, #tpu.memory_space<vmem>>) dst(%dma_wait3A_663 : memref<1048576xf32, #tpu.memory_space<vmem_shared>>)
      %dma_wait3A_664 = arith.constant 11 : i32
      %dma_wait3A_665 = arith.constant 11 : i32
      %dma_wait3A_666 = arith.constant 0 : i32
      %dma_wait3A_667 = tpu.memref_slice %arg9[%dma_wait3A_664, %dma_wait3A_666] : memref<64x128xf32, #tpu.memory_space<vmem>> -> memref<1x128xf32, #tpu.memory_space<vmem>>
      %dma_wait3A_668 = tpu.memref_squeeze %dma_wait3A_667 : memref<1x128xf32, #tpu.memory_space<vmem>> -> memref<128xf32, #tpu.memory_space<vmem>>
      %dma_wait3A_669 = arith.constant 0 : i32
      %dma_wait3A_670 = tpu.memref_slice %arg8[%dma_wait3A_665, %dma_wait3A_669] : memref<64x128xi32, #tpu.memory_space<vmem>> -> memref<1x128xi32, #tpu.memory_space<vmem>>
      %dma_wait3A_671 = tpu.memref_squeeze %dma_wait3A_670 : memref<1x128xi32, #tpu.memory_space<vmem>> -> memref<128xi32, #tpu.memory_space<vmem>>
      %dma_wait3A_672 = arith.constant 0 : i32
      %dma_wait3A_673 = tpu.memref_slice %arg12[%dma_wait3A_672] : memref<1048576xf32, #tpu.memory_space<vmem_shared>> -> memref<1048576xf32, #tpu.memory_space<vmem_shared>>
      tpu.wait_indirect_dma semaphore(%arg13 : memref<!tpu.dma_semaphore, #tpu.memory_space<semaphore_mem>>) src(%dma_wait3A_668 : memref<128xf32, #tpu.memory_space<vmem>>) dst(%dma_wait3A_673 : memref<1048576xf32, #tpu.memory_space<vmem_shared>>)
      %dma_wait3A_674 = arith.constant 12 : i32
      %dma_wait3A_675 = arith.constant 12 : i32
      %dma_wait3A_676 = arith.constant 0 : i32
      %dma_wait3A_677 = tpu.memref_slice %arg9[%dma_wait3A_674, %dma_wait3A_676] : memref<64x128xf32, #tpu.memory_space<vmem>> -> memref<1x128xf32, #tpu.memory_space<vmem>>
      %dma_wait3A_678 = tpu.memref_squeeze %dma_wait3A_677 : memref<1x128xf32, #tpu.memory_space<vmem>> -> memref<128xf32, #tpu.memory_space<vmem>>
      %dma_wait3A_679 = arith.constant 0 : i32
      %dma_wait3A_680 = tpu.memref_slice %arg8[%dma_wait3A_675, %dma_wait3A_679] : memref<64x128xi32, #tpu.memory_space<vmem>> -> memref<1x128xi32, #tpu.memory_space<vmem>>
      %dma_wait3A_681 = tpu.memref_squeeze %dma_wait3A_680 : memref<1x128xi32, #tpu.memory_space<vmem>> -> memref<128xi32, #tpu.memory_space<vmem>>
      %dma_wait3A_682 = arith.constant 0 : i32
      %dma_wait3A_683 = tpu.memref_slice %arg12[%dma_wait3A_682] : memref<1048576xf32, #tpu.memory_space<vmem_shared>> -> memref<1048576xf32, #tpu.memory_space<vmem_shared>>
      tpu.wait_indirect_dma semaphore(%arg13 : memref<!tpu.dma_semaphore, #tpu.memory_space<semaphore_mem>>) src(%dma_wait3A_678 : memref<128xf32, #tpu.memory_space<vmem>>) dst(%dma_wait3A_683 : memref<1048576xf32, #tpu.memory_space<vmem_shared>>)
      %dma_wait3A_684 = arith.constant 13 : i32
      %dma_wait3A_685 = arith.constant 13 : i32
      %dma_wait3A_686 = arith.constant 0 : i32
      %dma_wait3A_687 = tpu.memref_slice %arg9[%dma_wait3A_684, %dma_wait3A_686] : memref<64x128xf32, #tpu.memory_space<vmem>> -> memref<1x128xf32, #tpu.memory_space<vmem>>
      %dma_wait3A_688 = tpu.memref_squeeze %dma_wait3A_687 : memref<1x128xf32, #tpu.memory_space<vmem>> -> memref<128xf32, #tpu.memory_space<vmem>>
      %dma_wait3A_689 = arith.constant 0 : i32
      %dma_wait3A_690 = tpu.memref_slice %arg8[%dma_wait3A_685, %dma_wait3A_689] : memref<64x128xi32, #tpu.memory_space<vmem>> -> memref<1x128xi32, #tpu.memory_space<vmem>>
      %dma_wait3A_691 = tpu.memref_squeeze %dma_wait3A_690 : memref<1x128xi32, #tpu.memory_space<vmem>> -> memref<128xi32, #tpu.memory_space<vmem>>
      %dma_wait3A_692 = arith.constant 0 : i32
      %dma_wait3A_693 = tpu.memref_slice %arg12[%dma_wait3A_692] : memref<1048576xf32, #tpu.memory_space<vmem_shared>> -> memref<1048576xf32, #tpu.memory_space<vmem_shared>>
      tpu.wait_indirect_dma semaphore(%arg13 : memref<!tpu.dma_semaphore, #tpu.memory_space<semaphore_mem>>) src(%dma_wait3A_688 : memref<128xf32, #tpu.memory_space<vmem>>) dst(%dma_wait3A_693 : memref<1048576xf32, #tpu.memory_space<vmem_shared>>)
      %dma_wait3A_694 = arith.constant 14 : i32
      %dma_wait3A_695 = arith.constant 14 : i32
      %dma_wait3A_696 = arith.constant 0 : i32
      %dma_wait3A_697 = tpu.memref_slice %arg9[%dma_wait3A_694, %dma_wait3A_696] : memref<64x128xf32, #tpu.memory_space<vmem>> -> memref<1x128xf32, #tpu.memory_space<vmem>>
      %dma_wait3A_698 = tpu.memref_squeeze %dma_wait3A_697 : memref<1x128xf32, #tpu.memory_space<vmem>> -> memref<128xf32, #tpu.memory_space<vmem>>
      %dma_wait3A_699 = arith.constant 0 : i32
      %dma_wait3A_700 = tpu.memref_slice %arg8[%dma_wait3A_695, %dma_wait3A_699] : memref<64x128xi32, #tpu.memory_space<vmem>> -> memref<1x128xi32, #tpu.memory_space<vmem>>
      %dma_wait3A_701 = tpu.memref_squeeze %dma_wait3A_700 : memref<1x128xi32, #tpu.memory_space<vmem>> -> memref<128xi32, #tpu.memory_space<vmem>>
      %dma_wait3A_702 = arith.constant 0 : i32
      %dma_wait3A_703 = tpu.memref_slice %arg12[%dma_wait3A_702] : memref<1048576xf32, #tpu.memory_space<vmem_shared>> -> memref<1048576xf32, #tpu.memory_space<vmem_shared>>
      tpu.wait_indirect_dma semaphore(%arg13 : memref<!tpu.dma_semaphore, #tpu.memory_space<semaphore_mem>>) src(%dma_wait3A_698 : memref<128xf32, #tpu.memory_space<vmem>>) dst(%dma_wait3A_703 : memref<1048576xf32, #tpu.memory_space<vmem_shared>>)
      %dma_wait3A_704 = arith.constant 15 : i32
      %dma_wait3A_705 = arith.constant 15 : i32
      %dma_wait3A_706 = arith.constant 0 : i32
      %dma_wait3A_707 = tpu.memref_slice %arg9[%dma_wait3A_704, %dma_wait3A_706] : memref<64x128xf32, #tpu.memory_space<vmem>> -> memref<1x128xf32, #tpu.memory_space<vmem>>
      %dma_wait3A_708 = tpu.memref_squeeze %dma_wait3A_707 : memref<1x128xf32, #tpu.memory_space<vmem>> -> memref<128xf32, #tpu.memory_space<vmem>>
      %dma_wait3A_709 = arith.constant 0 : i32
      %dma_wait3A_710 = tpu.memref_slice %arg8[%dma_wait3A_705, %dma_wait3A_709] : memref<64x128xi32, #tpu.memory_space<vmem>> -> memref<1x128xi32, #tpu.memory_space<vmem>>
      %dma_wait3A_711 = tpu.memref_squeeze %dma_wait3A_710 : memref<1x128xi32, #tpu.memory_space<vmem>> -> memref<128xi32, #tpu.memory_space<vmem>>
      %dma_wait3A_712 = arith.constant 0 : i32
      %dma_wait3A_713 = tpu.memref_slice %arg12[%dma_wait3A_712] : memref<1048576xf32, #tpu.memory_space<vmem_shared>> -> memref<1048576xf32, #tpu.memory_space<vmem_shared>>
      tpu.wait_indirect_dma semaphore(%arg13 : memref<!tpu.dma_semaphore, #tpu.memory_space<semaphore_mem>>) src(%dma_wait3A_708 : memref<128xf32, #tpu.memory_space<vmem>>) dst(%dma_wait3A_713 : memref<1048576xf32, #tpu.memory_space<vmem_shared>>)
      %dma_wait3A_714 = arith.constant 16 : i32
      %dma_wait3A_715 = arith.constant 16 : i32
      %dma_wait3A_716 = arith.constant 0 : i32
      %dma_wait3A_717 = tpu.memref_slice %arg9[%dma_wait3A_714, %dma_wait3A_716] : memref<64x128xf32, #tpu.memory_space<vmem>> -> memref<1x128xf32, #tpu.memory_space<vmem>>
      %dma_wait3A_718 = tpu.memref_squeeze %dma_wait3A_717 : memref<1x128xf32, #tpu.memory_space<vmem>> -> memref<128xf32, #tpu.memory_space<vmem>>
      %dma_wait3A_719 = arith.constant 0 : i32
      %dma_wait3A_720 = tpu.memref_slice %arg8[%dma_wait3A_715, %dma_wait3A_719] : memref<64x128xi32, #tpu.memory_space<vmem>> -> memref<1x128xi32, #tpu.memory_space<vmem>>
      %dma_wait3A_721 = tpu.memref_squeeze %dma_wait3A_720 : memref<1x128xi32, #tpu.memory_space<vmem>> -> memref<128xi32, #tpu.memory_space<vmem>>
      %dma_wait3A_722 = arith.constant 0 : i32
      %dma_wait3A_723 = tpu.memref_slice %arg12[%dma_wait3A_722] : memref<1048576xf32, #tpu.memory_space<vmem_shared>> -> memref<1048576xf32, #tpu.memory_space<vmem_shared>>
      tpu.wait_indirect_dma semaphore(%arg13 : memref<!tpu.dma_semaphore, #tpu.memory_space<semaphore_mem>>) src(%dma_wait3A_718 : memref<128xf32, #tpu.memory_space<vmem>>) dst(%dma_wait3A_723 : memref<1048576xf32, #tpu.memory_space<vmem_shared>>)
      %dma_wait3A_724 = arith.constant 17 : i32
      %dma_wait3A_725 = arith.constant 17 : i32
      %dma_wait3A_726 = arith.constant 0 : i32
      %dma_wait3A_727 = tpu.memref_slice %arg9[%dma_wait3A_724, %dma_wait3A_726] : memref<64x128xf32, #tpu.memory_space<vmem>> -> memref<1x128xf32, #tpu.memory_space<vmem>>
      %dma_wait3A_728 = tpu.memref_squeeze %dma_wait3A_727 : memref<1x128xf32, #tpu.memory_space<vmem>> -> memref<128xf32, #tpu.memory_space<vmem>>
      %dma_wait3A_729 = arith.constant 0 : i32
      %dma_wait3A_730 = tpu.memref_slice %arg8[%dma_wait3A_725, %dma_wait3A_729] : memref<64x128xi32, #tpu.memory_space<vmem>> -> memref<1x128xi32, #tpu.memory_space<vmem>>
      %dma_wait3A_731 = tpu.memref_squeeze %dma_wait3A_730 : memref<1x128xi32, #tpu.memory_space<vmem>> -> memref<128xi32, #tpu.memory_space<vmem>>
      %dma_wait3A_732 = arith.constant 0 : i32
      %dma_wait3A_733 = tpu.memref_slice %arg12[%dma_wait3A_732] : memref<1048576xf32, #tpu.memory_space<vmem_shared>> -> memref<1048576xf32, #tpu.memory_space<vmem_shared>>
      tpu.wait_indirect_dma semaphore(%arg13 : memref<!tpu.dma_semaphore, #tpu.memory_space<semaphore_mem>>) src(%dma_wait3A_728 : memref<128xf32, #tpu.memory_space<vmem>>) dst(%dma_wait3A_733 : memref<1048576xf32, #tpu.memory_space<vmem_shared>>)
      %dma_wait3A_734 = arith.constant 18 : i32
      %dma_wait3A_735 = arith.constant 18 : i32
      %dma_wait3A_736 = arith.constant 0 : i32
      %dma_wait3A_737 = tpu.memref_slice %arg9[%dma_wait3A_734, %dma_wait3A_736] : memref<64x128xf32, #tpu.memory_space<vmem>> -> memref<1x128xf32, #tpu.memory_space<vmem>>
      %dma_wait3A_738 = tpu.memref_squeeze %dma_wait3A_737 : memref<1x128xf32, #tpu.memory_space<vmem>> -> memref<128xf32, #tpu.memory_space<vmem>>
      %dma_wait3A_739 = arith.constant 0 : i32
      %dma_wait3A_740 = tpu.memref_slice %arg8[%dma_wait3A_735, %dma_wait3A_739] : memref<64x128xi32, #tpu.memory_space<vmem>> -> memref<1x128xi32, #tpu.memory_space<vmem>>
      %dma_wait3A_741 = tpu.memref_squeeze %dma_wait3A_740 : memref<1x128xi32, #tpu.memory_space<vmem>> -> memref<128xi32, #tpu.memory_space<vmem>>
      %dma_wait3A_742 = arith.constant 0 : i32
      %dma_wait3A_743 = tpu.memref_slice %arg12[%dma_wait3A_742] : memref<1048576xf32, #tpu.memory_space<vmem_shared>> -> memref<1048576xf32, #tpu.memory_space<vmem_shared>>
      tpu.wait_indirect_dma semaphore(%arg13 : memref<!tpu.dma_semaphore, #tpu.memory_space<semaphore_mem>>) src(%dma_wait3A_738 : memref<128xf32, #tpu.memory_space<vmem>>) dst(%dma_wait3A_743 : memref<1048576xf32, #tpu.memory_space<vmem_shared>>)
      %dma_wait3A_744 = arith.constant 19 : i32
      %dma_wait3A_745 = arith.constant 19 : i32
      %dma_wait3A_746 = arith.constant 0 : i32
      %dma_wait3A_747 = tpu.memref_slice %arg9[%dma_wait3A_744, %dma_wait3A_746] : memref<64x128xf32, #tpu.memory_space<vmem>> -> memref<1x128xf32, #tpu.memory_space<vmem>>
      %dma_wait3A_748 = tpu.memref_squeeze %dma_wait3A_747 : memref<1x128xf32, #tpu.memory_space<vmem>> -> memref<128xf32, #tpu.memory_space<vmem>>
      %dma_wait3A_749 = arith.constant 0 : i32
      %dma_wait3A_750 = tpu.memref_slice %arg8[%dma_wait3A_745, %dma_wait3A_749] : memref<64x128xi32, #tpu.memory_space<vmem>> -> memref<1x128xi32, #tpu.memory_space<vmem>>
      %dma_wait3A_751 = tpu.memref_squeeze %dma_wait3A_750 : memref<1x128xi32, #tpu.memory_space<vmem>> -> memref<128xi32, #tpu.memory_space<vmem>>
      %dma_wait3A_752 = arith.constant 0 : i32
      %dma_wait3A_753 = tpu.memref_slice %arg12[%dma_wait3A_752] : memref<1048576xf32, #tpu.memory_space<vmem_shared>> -> memref<1048576xf32, #tpu.memory_space<vmem_shared>>
      tpu.wait_indirect_dma semaphore(%arg13 : memref<!tpu.dma_semaphore, #tpu.memory_space<semaphore_mem>>) src(%dma_wait3A_748 : memref<128xf32, #tpu.memory_space<vmem>>) dst(%dma_wait3A_753 : memref<1048576xf32, #tpu.memory_space<vmem_shared>>)
      %dma_wait3A_754 = arith.constant 20 : i32
      %dma_wait3A_755 = arith.constant 20 : i32
      %dma_wait3A_756 = arith.constant 0 : i32
      %dma_wait3A_757 = tpu.memref_slice %arg9[%dma_wait3A_754, %dma_wait3A_756] : memref<64x128xf32, #tpu.memory_space<vmem>> -> memref<1x128xf32, #tpu.memory_space<vmem>>
      %dma_wait3A_758 = tpu.memref_squeeze %dma_wait3A_757 : memref<1x128xf32, #tpu.memory_space<vmem>> -> memref<128xf32, #tpu.memory_space<vmem>>
      %dma_wait3A_759 = arith.constant 0 : i32
      %dma_wait3A_760 = tpu.memref_slice %arg8[%dma_wait3A_755, %dma_wait3A_759] : memref<64x128xi32, #tpu.memory_space<vmem>> -> memref<1x128xi32, #tpu.memory_space<vmem>>
      %dma_wait3A_761 = tpu.memref_squeeze %dma_wait3A_760 : memref<1x128xi32, #tpu.memory_space<vmem>> -> memref<128xi32, #tpu.memory_space<vmem>>
      %dma_wait3A_762 = arith.constant 0 : i32
      %dma_wait3A_763 = tpu.memref_slice %arg12[%dma_wait3A_762] : memref<1048576xf32, #tpu.memory_space<vmem_shared>> -> memref<1048576xf32, #tpu.memory_space<vmem_shared>>
      tpu.wait_indirect_dma semaphore(%arg13 : memref<!tpu.dma_semaphore, #tpu.memory_space<semaphore_mem>>) src(%dma_wait3A_758 : memref<128xf32, #tpu.memory_space<vmem>>) dst(%dma_wait3A_763 : memref<1048576xf32, #tpu.memory_space<vmem_shared>>)
      %dma_wait3A_764 = arith.constant 21 : i32
      %dma_wait3A_765 = arith.constant 21 : i32
      %dma_wait3A_766 = arith.constant 0 : i32
      %dma_wait3A_767 = tpu.memref_slice %arg9[%dma_wait3A_764, %dma_wait3A_766] : memref<64x128xf32, #tpu.memory_space<vmem>> -> memref<1x128xf32, #tpu.memory_space<vmem>>
      %dma_wait3A_768 = tpu.memref_squeeze %dma_wait3A_767 : memref<1x128xf32, #tpu.memory_space<vmem>> -> memref<128xf32, #tpu.memory_space<vmem>>
      %dma_wait3A_769 = arith.constant 0 : i32
      %dma_wait3A_770 = tpu.memref_slice %arg8[%dma_wait3A_765, %dma_wait3A_769] : memref<64x128xi32, #tpu.memory_space<vmem>> -> memref<1x128xi32, #tpu.memory_space<vmem>>
      %dma_wait3A_771 = tpu.memref_squeeze %dma_wait3A_770 : memref<1x128xi32, #tpu.memory_space<vmem>> -> memref<128xi32, #tpu.memory_space<vmem>>
      %dma_wait3A_772 = arith.constant 0 : i32
      %dma_wait3A_773 = tpu.memref_slice %arg12[%dma_wait3A_772] : memref<1048576xf32, #tpu.memory_space<vmem_shared>> -> memref<1048576xf32, #tpu.memory_space<vmem_shared>>
      tpu.wait_indirect_dma semaphore(%arg13 : memref<!tpu.dma_semaphore, #tpu.memory_space<semaphore_mem>>) src(%dma_wait3A_768 : memref<128xf32, #tpu.memory_space<vmem>>) dst(%dma_wait3A_773 : memref<1048576xf32, #tpu.memory_space<vmem_shared>>)
      %dma_wait3A_774 = arith.constant 22 : i32
      %dma_wait3A_775 = arith.constant 22 : i32
      %dma_wait3A_776 = arith.constant 0 : i32
      %dma_wait3A_777 = tpu.memref_slice %arg9[%dma_wait3A_774, %dma_wait3A_776] : memref<64x128xf32, #tpu.memory_space<vmem>> -> memref<1x128xf32, #tpu.memory_space<vmem>>
      %dma_wait3A_778 = tpu.memref_squeeze %dma_wait3A_777 : memref<1x128xf32, #tpu.memory_space<vmem>> -> memref<128xf32, #tpu.memory_space<vmem>>
      %dma_wait3A_779 = arith.constant 0 : i32
      %dma_wait3A_780 = tpu.memref_slice %arg8[%dma_wait3A_775, %dma_wait3A_779] : memref<64x128xi32, #tpu.memory_space<vmem>> -> memref<1x128xi32, #tpu.memory_space<vmem>>
      %dma_wait3A_781 = tpu.memref_squeeze %dma_wait3A_780 : memref<1x128xi32, #tpu.memory_space<vmem>> -> memref<128xi32, #tpu.memory_space<vmem>>
      %dma_wait3A_782 = arith.constant 0 : i32
      %dma_wait3A_783 = tpu.memref_slice %arg12[%dma_wait3A_782] : memref<1048576xf32, #tpu.memory_space<vmem_shared>> -> memref<1048576xf32, #tpu.memory_space<vmem_shared>>
      tpu.wait_indirect_dma semaphore(%arg13 : memref<!tpu.dma_semaphore, #tpu.memory_space<semaphore_mem>>) src(%dma_wait3A_778 : memref<128xf32, #tpu.memory_space<vmem>>) dst(%dma_wait3A_783 : memref<1048576xf32, #tpu.memory_space<vmem_shared>>)
      %dma_wait3A_784 = arith.constant 23 : i32
      %dma_wait3A_785 = arith.constant 23 : i32
      %dma_wait3A_786 = arith.constant 0 : i32
      %dma_wait3A_787 = tpu.memref_slice %arg9[%dma_wait3A_784, %dma_wait3A_786] : memref<64x128xf32, #tpu.memory_space<vmem>> -> memref<1x128xf32, #tpu.memory_space<vmem>>
      %dma_wait3A_788 = tpu.memref_squeeze %dma_wait3A_787 : memref<1x128xf32, #tpu.memory_space<vmem>> -> memref<128xf32, #tpu.memory_space<vmem>>
      %dma_wait3A_789 = arith.constant 0 : i32
      %dma_wait3A_790 = tpu.memref_slice %arg8[%dma_wait3A_785, %dma_wait3A_789] : memref<64x128xi32, #tpu.memory_space<vmem>> -> memref<1x128xi32, #tpu.memory_space<vmem>>
      %dma_wait3A_791 = tpu.memref_squeeze %dma_wait3A_790 : memref<1x128xi32, #tpu.memory_space<vmem>> -> memref<128xi32, #tpu.memory_space<vmem>>
      %dma_wait3A_792 = arith.constant 0 : i32
      %dma_wait3A_793 = tpu.memref_slice %arg12[%dma_wait3A_792] : memref<1048576xf32, #tpu.memory_space<vmem_shared>> -> memref<1048576xf32, #tpu.memory_space<vmem_shared>>
      tpu.wait_indirect_dma semaphore(%arg13 : memref<!tpu.dma_semaphore, #tpu.memory_space<semaphore_mem>>) src(%dma_wait3A_788 : memref<128xf32, #tpu.memory_space<vmem>>) dst(%dma_wait3A_793 : memref<1048576xf32, #tpu.memory_space<vmem_shared>>)
      %dma_wait3A_794 = arith.constant 24 : i32
      %dma_wait3A_795 = arith.constant 24 : i32
      %dma_wait3A_796 = arith.constant 0 : i32
      %dma_wait3A_797 = tpu.memref_slice %arg9[%dma_wait3A_794, %dma_wait3A_796] : memref<64x128xf32, #tpu.memory_space<vmem>> -> memref<1x128xf32, #tpu.memory_space<vmem>>
      %dma_wait3A_798 = tpu.memref_squeeze %dma_wait3A_797 : memref<1x128xf32, #tpu.memory_space<vmem>> -> memref<128xf32, #tpu.memory_space<vmem>>
      %dma_wait3A_799 = arith.constant 0 : i32
      %dma_wait3A_800 = tpu.memref_slice %arg8[%dma_wait3A_795, %dma_wait3A_799] : memref<64x128xi32, #tpu.memory_space<vmem>> -> memref<1x128xi32, #tpu.memory_space<vmem>>
      %dma_wait3A_801 = tpu.memref_squeeze %dma_wait3A_800 : memref<1x128xi32, #tpu.memory_space<vmem>> -> memref<128xi32, #tpu.memory_space<vmem>>
      %dma_wait3A_802 = arith.constant 0 : i32
      %dma_wait3A_803 = tpu.memref_slice %arg12[%dma_wait3A_802] : memref<1048576xf32, #tpu.memory_space<vmem_shared>> -> memref<1048576xf32, #tpu.memory_space<vmem_shared>>
      tpu.wait_indirect_dma semaphore(%arg13 : memref<!tpu.dma_semaphore, #tpu.memory_space<semaphore_mem>>) src(%dma_wait3A_798 : memref<128xf32, #tpu.memory_space<vmem>>) dst(%dma_wait3A_803 : memref<1048576xf32, #tpu.memory_space<vmem_shared>>)
      %dma_wait3A_804 = arith.constant 25 : i32
      %dma_wait3A_805 = arith.constant 25 : i32
      %dma_wait3A_806 = arith.constant 0 : i32
      %dma_wait3A_807 = tpu.memref_slice %arg9[%dma_wait3A_804, %dma_wait3A_806] : memref<64x128xf32, #tpu.memory_space<vmem>> -> memref<1x128xf32, #tpu.memory_space<vmem>>
      %dma_wait3A_808 = tpu.memref_squeeze %dma_wait3A_807 : memref<1x128xf32, #tpu.memory_space<vmem>> -> memref<128xf32, #tpu.memory_space<vmem>>
      %dma_wait3A_809 = arith.constant 0 : i32
      %dma_wait3A_810 = tpu.memref_slice %arg8[%dma_wait3A_805, %dma_wait3A_809] : memref<64x128xi32, #tpu.memory_space<vmem>> -> memref<1x128xi32, #tpu.memory_space<vmem>>
      %dma_wait3A_811 = tpu.memref_squeeze %dma_wait3A_810 : memref<1x128xi32, #tpu.memory_space<vmem>> -> memref<128xi32, #tpu.memory_space<vmem>>
      %dma_wait3A_812 = arith.constant 0 : i32
      %dma_wait3A_813 = tpu.memref_slice %arg12[%dma_wait3A_812] : memref<1048576xf32, #tpu.memory_space<vmem_shared>> -> memref<1048576xf32, #tpu.memory_space<vmem_shared>>
      tpu.wait_indirect_dma semaphore(%arg13 : memref<!tpu.dma_semaphore, #tpu.memory_space<semaphore_mem>>) src(%dma_wait3A_808 : memref<128xf32, #tpu.memory_space<vmem>>) dst(%dma_wait3A_813 : memref<1048576xf32, #tpu.memory_space<vmem_shared>>)
      %dma_wait3A_814 = arith.constant 26 : i32
      %dma_wait3A_815 = arith.constant 26 : i32
      %dma_wait3A_816 = arith.constant 0 : i32
      %dma_wait3A_817 = tpu.memref_slice %arg9[%dma_wait3A_814, %dma_wait3A_816] : memref<64x128xf32, #tpu.memory_space<vmem>> -> memref<1x128xf32, #tpu.memory_space<vmem>>
      %dma_wait3A_818 = tpu.memref_squeeze %dma_wait3A_817 : memref<1x128xf32, #tpu.memory_space<vmem>> -> memref<128xf32, #tpu.memory_space<vmem>>
      %dma_wait3A_819 = arith.constant 0 : i32
      %dma_wait3A_820 = tpu.memref_slice %arg8[%dma_wait3A_815, %dma_wait3A_819] : memref<64x128xi32, #tpu.memory_space<vmem>> -> memref<1x128xi32, #tpu.memory_space<vmem>>
      %dma_wait3A_821 = tpu.memref_squeeze %dma_wait3A_820 : memref<1x128xi32, #tpu.memory_space<vmem>> -> memref<128xi32, #tpu.memory_space<vmem>>
      %dma_wait3A_822 = arith.constant 0 : i32
      %dma_wait3A_823 = tpu.memref_slice %arg12[%dma_wait3A_822] : memref<1048576xf32, #tpu.memory_space<vmem_shared>> -> memref<1048576xf32, #tpu.memory_space<vmem_shared>>
      tpu.wait_indirect_dma semaphore(%arg13 : memref<!tpu.dma_semaphore, #tpu.memory_space<semaphore_mem>>) src(%dma_wait3A_818 : memref<128xf32, #tpu.memory_space<vmem>>) dst(%dma_wait3A_823 : memref<1048576xf32, #tpu.memory_space<vmem_shared>>)
      %dma_wait3A_824 = arith.constant 27 : i32
      %dma_wait3A_825 = arith.constant 27 : i32
      %dma_wait3A_826 = arith.constant 0 : i32
      %dma_wait3A_827 = tpu.memref_slice %arg9[%dma_wait3A_824, %dma_wait3A_826] : memref<64x128xf32, #tpu.memory_space<vmem>> -> memref<1x128xf32, #tpu.memory_space<vmem>>
      %dma_wait3A_828 = tpu.memref_squeeze %dma_wait3A_827 : memref<1x128xf32, #tpu.memory_space<vmem>> -> memref<128xf32, #tpu.memory_space<vmem>>
      %dma_wait3A_829 = arith.constant 0 : i32
      %dma_wait3A_830 = tpu.memref_slice %arg8[%dma_wait3A_825, %dma_wait3A_829] : memref<64x128xi32, #tpu.memory_space<vmem>> -> memref<1x128xi32, #tpu.memory_space<vmem>>
      %dma_wait3A_831 = tpu.memref_squeeze %dma_wait3A_830 : memref<1x128xi32, #tpu.memory_space<vmem>> -> memref<128xi32, #tpu.memory_space<vmem>>
      %dma_wait3A_832 = arith.constant 0 : i32
      %dma_wait3A_833 = tpu.memref_slice %arg12[%dma_wait3A_832] : memref<1048576xf32, #tpu.memory_space<vmem_shared>> -> memref<1048576xf32, #tpu.memory_space<vmem_shared>>
      tpu.wait_indirect_dma semaphore(%arg13 : memref<!tpu.dma_semaphore, #tpu.memory_space<semaphore_mem>>) src(%dma_wait3A_828 : memref<128xf32, #tpu.memory_space<vmem>>) dst(%dma_wait3A_833 : memref<1048576xf32, #tpu.memory_space<vmem_shared>>)
      %dma_wait3A_834 = arith.constant 28 : i32
      %dma_wait3A_835 = arith.constant 28 : i32
      %dma_wait3A_836 = arith.constant 0 : i32
      %dma_wait3A_837 = tpu.memref_slice %arg9[%dma_wait3A_834, %dma_wait3A_836] : memref<64x128xf32, #tpu.memory_space<vmem>> -> memref<1x128xf32, #tpu.memory_space<vmem>>
      %dma_wait3A_838 = tpu.memref_squeeze %dma_wait3A_837 : memref<1x128xf32, #tpu.memory_space<vmem>> -> memref<128xf32, #tpu.memory_space<vmem>>
      %dma_wait3A_839 = arith.constant 0 : i32
      %dma_wait3A_840 = tpu.memref_slice %arg8[%dma_wait3A_835, %dma_wait3A_839] : memref<64x128xi32, #tpu.memory_space<vmem>> -> memref<1x128xi32, #tpu.memory_space<vmem>>
      %dma_wait3A_841 = tpu.memref_squeeze %dma_wait3A_840 : memref<1x128xi32, #tpu.memory_space<vmem>> -> memref<128xi32, #tpu.memory_space<vmem>>
      %dma_wait3A_842 = arith.constant 0 : i32
      %dma_wait3A_843 = tpu.memref_slice %arg12[%dma_wait3A_842] : memref<1048576xf32, #tpu.memory_space<vmem_shared>> -> memref<1048576xf32, #tpu.memory_space<vmem_shared>>
      tpu.wait_indirect_dma semaphore(%arg13 : memref<!tpu.dma_semaphore, #tpu.memory_space<semaphore_mem>>) src(%dma_wait3A_838 : memref<128xf32, #tpu.memory_space<vmem>>) dst(%dma_wait3A_843 : memref<1048576xf32, #tpu.memory_space<vmem_shared>>)
      %dma_wait3A_844 = arith.constant 29 : i32
      %dma_wait3A_845 = arith.constant 29 : i32
      %dma_wait3A_846 = arith.constant 0 : i32
      %dma_wait3A_847 = tpu.memref_slice %arg9[%dma_wait3A_844, %dma_wait3A_846] : memref<64x128xf32, #tpu.memory_space<vmem>> -> memref<1x128xf32, #tpu.memory_space<vmem>>
      %dma_wait3A_848 = tpu.memref_squeeze %dma_wait3A_847 : memref<1x128xf32, #tpu.memory_space<vmem>> -> memref<128xf32, #tpu.memory_space<vmem>>
      %dma_wait3A_849 = arith.constant 0 : i32
      %dma_wait3A_850 = tpu.memref_slice %arg8[%dma_wait3A_845, %dma_wait3A_849] : memref<64x128xi32, #tpu.memory_space<vmem>> -> memref<1x128xi32, #tpu.memory_space<vmem>>
      %dma_wait3A_851 = tpu.memref_squeeze %dma_wait3A_850 : memref<1x128xi32, #tpu.memory_space<vmem>> -> memref<128xi32, #tpu.memory_space<vmem>>
      %dma_wait3A_852 = arith.constant 0 : i32
      %dma_wait3A_853 = tpu.memref_slice %arg12[%dma_wait3A_852] : memref<1048576xf32, #tpu.memory_space<vmem_shared>> -> memref<1048576xf32, #tpu.memory_space<vmem_shared>>
      tpu.wait_indirect_dma semaphore(%arg13 : memref<!tpu.dma_semaphore, #tpu.memory_space<semaphore_mem>>) src(%dma_wait3A_848 : memref<128xf32, #tpu.memory_space<vmem>>) dst(%dma_wait3A_853 : memref<1048576xf32, #tpu.memory_space<vmem_shared>>)
      %dma_wait3A_854 = arith.constant 30 : i32
      %dma_wait3A_855 = arith.constant 30 : i32
      %dma_wait3A_856 = arith.constant 0 : i32
      %dma_wait3A_857 = tpu.memref_slice %arg9[%dma_wait3A_854, %dma_wait3A_856] : memref<64x128xf32, #tpu.memory_space<vmem>> -> memref<1x128xf32, #tpu.memory_space<vmem>>
      %dma_wait3A_858 = tpu.memref_squeeze %dma_wait3A_857 : memref<1x128xf32, #tpu.memory_space<vmem>> -> memref<128xf32, #tpu.memory_space<vmem>>
      %dma_wait3A_859 = arith.constant 0 : i32
      %dma_wait3A_860 = tpu.memref_slice %arg8[%dma_wait3A_855, %dma_wait3A_859] : memref<64x128xi32, #tpu.memory_space<vmem>> -> memref<1x128xi32, #tpu.memory_space<vmem>>
      %dma_wait3A_861 = tpu.memref_squeeze %dma_wait3A_860 : memref<1x128xi32, #tpu.memory_space<vmem>> -> memref<128xi32, #tpu.memory_space<vmem>>
      %dma_wait3A_862 = arith.constant 0 : i32
      %dma_wait3A_863 = tpu.memref_slice %arg12[%dma_wait3A_862] : memref<1048576xf32, #tpu.memory_space<vmem_shared>> -> memref<1048576xf32, #tpu.memory_space<vmem_shared>>
      tpu.wait_indirect_dma semaphore(%arg13 : memref<!tpu.dma_semaphore, #tpu.memory_space<semaphore_mem>>) src(%dma_wait3A_858 : memref<128xf32, #tpu.memory_space<vmem>>) dst(%dma_wait3A_863 : memref<1048576xf32, #tpu.memory_space<vmem_shared>>)
      %dma_wait3A_864 = arith.constant 31 : i32
      %dma_wait3A_865 = arith.constant 31 : i32
      %dma_wait3A_866 = arith.constant 0 : i32
      %dma_wait3A_867 = tpu.memref_slice %arg9[%dma_wait3A_864, %dma_wait3A_866] : memref<64x128xf32, #tpu.memory_space<vmem>> -> memref<1x128xf32, #tpu.memory_space<vmem>>
      %dma_wait3A_868 = tpu.memref_squeeze %dma_wait3A_867 : memref<1x128xf32, #tpu.memory_space<vmem>> -> memref<128xf32, #tpu.memory_space<vmem>>
      %dma_wait3A_869 = arith.constant 0 : i32
      %dma_wait3A_870 = tpu.memref_slice %arg8[%dma_wait3A_865, %dma_wait3A_869] : memref<64x128xi32, #tpu.memory_space<vmem>> -> memref<1x128xi32, #tpu.memory_space<vmem>>
      %dma_wait3A_871 = tpu.memref_squeeze %dma_wait3A_870 : memref<1x128xi32, #tpu.memory_space<vmem>> -> memref<128xi32, #tpu.memory_space<vmem>>
      %dma_wait3A_872 = arith.constant 0 : i32
      %dma_wait3A_873 = tpu.memref_slice %arg12[%dma_wait3A_872] : memref<1048576xf32, #tpu.memory_space<vmem_shared>> -> memref<1048576xf32, #tpu.memory_space<vmem_shared>>
      tpu.wait_indirect_dma semaphore(%arg13 : memref<!tpu.dma_semaphore, #tpu.memory_space<semaphore_mem>>) src(%dma_wait3A_868 : memref<128xf32, #tpu.memory_space<vmem>>) dst(%dma_wait3A_873 : memref<1048576xf32, #tpu.memory_space<vmem_shared>>)
      %dma_start3A_874 = arith.constant 32 : i32
      %dma_start3A_875 = arith.constant 32 : i32
      %dma_start3A_876 = arith.constant 0 : i32
      %dma_start3A_877 = tpu.memref_slice %arg9[%dma_start3A_874, %dma_start3A_876] : memref<64x128xf32, #tpu.memory_space<vmem>> -> memref<1x128xf32, #tpu.memory_space<vmem>>
      %dma_start3A_878 = tpu.memref_squeeze %dma_start3A_877 : memref<1x128xf32, #tpu.memory_space<vmem>> -> memref<128xf32, #tpu.memory_space<vmem>>
      %dma_start3A_879 = arith.constant 0 : i32
      %dma_start3A_880 = tpu.memref_slice %arg8[%dma_start3A_875, %dma_start3A_879] : memref<64x128xi32, #tpu.memory_space<vmem>> -> memref<1x128xi32, #tpu.memory_space<vmem>>
      %dma_start3A_881 = tpu.memref_squeeze %dma_start3A_880 : memref<1x128xi32, #tpu.memory_space<vmem>> -> memref<128xi32, #tpu.memory_space<vmem>>
      %dma_start3A_882 = arith.constant 0 : i32
      %dma_start3A_883 = tpu.memref_slice %arg12[%dma_start3A_882] : memref<1048576xf32, #tpu.memory_space<vmem_shared>> -> memref<1048576xf32, #tpu.memory_space<vmem_shared>>
      tpu.enqueue_indirect_dma source(%dma_start3A_878 : memref<128xf32, #tpu.memory_space<vmem>>) target(%dma_start3A_883 : memref<1048576xf32, #tpu.memory_space<vmem_shared>>) offsets(%dma_start3A_881 : memref<128xi32, #tpu.memory_space<vmem>>) semaphore(%arg13 : memref<!tpu.dma_semaphore, #tpu.memory_space<semaphore_mem>>) {add = true}
      %dma_start3A_884 = arith.constant 33 : i32
      %dma_start3A_885 = arith.constant 33 : i32
      %dma_start3A_886 = arith.constant 0 : i32
      %dma_start3A_887 = tpu.memref_slice %arg9[%dma_start3A_884, %dma_start3A_886] : memref<64x128xf32, #tpu.memory_space<vmem>> -> memref<1x128xf32, #tpu.memory_space<vmem>>
      %dma_start3A_888 = tpu.memref_squeeze %dma_start3A_887 : memref<1x128xf32, #tpu.memory_space<vmem>> -> memref<128xf32, #tpu.memory_space<vmem>>
      %dma_start3A_889 = arith.constant 0 : i32
      %dma_start3A_890 = tpu.memref_slice %arg8[%dma_start3A_885, %dma_start3A_889] : memref<64x128xi32, #tpu.memory_space<vmem>> -> memref<1x128xi32, #tpu.memory_space<vmem>>
      %dma_start3A_891 = tpu.memref_squeeze %dma_start3A_890 : memref<1x128xi32, #tpu.memory_space<vmem>> -> memref<128xi32, #tpu.memory_space<vmem>>
      %dma_start3A_892 = arith.constant 0 : i32
      %dma_start3A_893 = tpu.memref_slice %arg12[%dma_start3A_892] : memref<1048576xf32, #tpu.memory_space<vmem_shared>> -> memref<1048576xf32, #tpu.memory_space<vmem_shared>>
      tpu.enqueue_indirect_dma source(%dma_start3A_888 : memref<128xf32, #tpu.memory_space<vmem>>) target(%dma_start3A_893 : memref<1048576xf32, #tpu.memory_space<vmem_shared>>) offsets(%dma_start3A_891 : memref<128xi32, #tpu.memory_space<vmem>>) semaphore(%arg13 : memref<!tpu.dma_semaphore, #tpu.memory_space<semaphore_mem>>) {add = true}
      %dma_start3A_894 = arith.constant 34 : i32
      %dma_start3A_895 = arith.constant 34 : i32
      %dma_start3A_896 = arith.constant 0 : i32
      %dma_start3A_897 = tpu.memref_slice %arg9[%dma_start3A_894, %dma_start3A_896] : memref<64x128xf32, #tpu.memory_space<vmem>> -> memref<1x128xf32, #tpu.memory_space<vmem>>
      %dma_start3A_898 = tpu.memref_squeeze %dma_start3A_897 : memref<1x128xf32, #tpu.memory_space<vmem>> -> memref<128xf32, #tpu.memory_space<vmem>>
      %dma_start3A_899 = arith.constant 0 : i32
      %dma_start3A_900 = tpu.memref_slice %arg8[%dma_start3A_895, %dma_start3A_899] : memref<64x128xi32, #tpu.memory_space<vmem>> -> memref<1x128xi32, #tpu.memory_space<vmem>>
      %dma_start3A_901 = tpu.memref_squeeze %dma_start3A_900 : memref<1x128xi32, #tpu.memory_space<vmem>> -> memref<128xi32, #tpu.memory_space<vmem>>
      %dma_start3A_902 = arith.constant 0 : i32
      %dma_start3A_903 = tpu.memref_slice %arg12[%dma_start3A_902] : memref<1048576xf32, #tpu.memory_space<vmem_shared>> -> memref<1048576xf32, #tpu.memory_space<vmem_shared>>
      tpu.enqueue_indirect_dma source(%dma_start3A_898 : memref<128xf32, #tpu.memory_space<vmem>>) target(%dma_start3A_903 : memref<1048576xf32, #tpu.memory_space<vmem_shared>>) offsets(%dma_start3A_901 : memref<128xi32, #tpu.memory_space<vmem>>) semaphore(%arg13 : memref<!tpu.dma_semaphore, #tpu.memory_space<semaphore_mem>>) {add = true}
      %dma_start3A_904 = arith.constant 35 : i32
      %dma_start3A_905 = arith.constant 35 : i32
      %dma_start3A_906 = arith.constant 0 : i32
      %dma_start3A_907 = tpu.memref_slice %arg9[%dma_start3A_904, %dma_start3A_906] : memref<64x128xf32, #tpu.memory_space<vmem>> -> memref<1x128xf32, #tpu.memory_space<vmem>>
      %dma_start3A_908 = tpu.memref_squeeze %dma_start3A_907 : memref<1x128xf32, #tpu.memory_space<vmem>> -> memref<128xf32, #tpu.memory_space<vmem>>
      %dma_start3A_909 = arith.constant 0 : i32
      %dma_start3A_910 = tpu.memref_slice %arg8[%dma_start3A_905, %dma_start3A_909] : memref<64x128xi32, #tpu.memory_space<vmem>> -> memref<1x128xi32, #tpu.memory_space<vmem>>
      %dma_start3A_911 = tpu.memref_squeeze %dma_start3A_910 : memref<1x128xi32, #tpu.memory_space<vmem>> -> memref<128xi32, #tpu.memory_space<vmem>>
      %dma_start3A_912 = arith.constant 0 : i32
      %dma_start3A_913 = tpu.memref_slice %arg12[%dma_start3A_912] : memref<1048576xf32, #tpu.memory_space<vmem_shared>> -> memref<1048576xf32, #tpu.memory_space<vmem_shared>>
      tpu.enqueue_indirect_dma source(%dma_start3A_908 : memref<128xf32, #tpu.memory_space<vmem>>) target(%dma_start3A_913 : memref<1048576xf32, #tpu.memory_space<vmem_shared>>) offsets(%dma_start3A_911 : memref<128xi32, #tpu.memory_space<vmem>>) semaphore(%arg13 : memref<!tpu.dma_semaphore, #tpu.memory_space<semaphore_mem>>) {add = true}
      %dma_start3A_914 = arith.constant 36 : i32
      %dma_start3A_915 = arith.constant 36 : i32
      %dma_start3A_916 = arith.constant 0 : i32
      %dma_start3A_917 = tpu.memref_slice %arg9[%dma_start3A_914, %dma_start3A_916] : memref<64x128xf32, #tpu.memory_space<vmem>> -> memref<1x128xf32, #tpu.memory_space<vmem>>
      %dma_start3A_918 = tpu.memref_squeeze %dma_start3A_917 : memref<1x128xf32, #tpu.memory_space<vmem>> -> memref<128xf32, #tpu.memory_space<vmem>>
      %dma_start3A_919 = arith.constant 0 : i32
      %dma_start3A_920 = tpu.memref_slice %arg8[%dma_start3A_915, %dma_start3A_919] : memref<64x128xi32, #tpu.memory_space<vmem>> -> memref<1x128xi32, #tpu.memory_space<vmem>>
      %dma_start3A_921 = tpu.memref_squeeze %dma_start3A_920 : memref<1x128xi32, #tpu.memory_space<vmem>> -> memref<128xi32, #tpu.memory_space<vmem>>
      %dma_start3A_922 = arith.constant 0 : i32
      %dma_start3A_923 = tpu.memref_slice %arg12[%dma_start3A_922] : memref<1048576xf32, #tpu.memory_space<vmem_shared>> -> memref<1048576xf32, #tpu.memory_space<vmem_shared>>
      tpu.enqueue_indirect_dma source(%dma_start3A_918 : memref<128xf32, #tpu.memory_space<vmem>>) target(%dma_start3A_923 : memref<1048576xf32, #tpu.memory_space<vmem_shared>>) offsets(%dma_start3A_921 : memref<128xi32, #tpu.memory_space<vmem>>) semaphore(%arg13 : memref<!tpu.dma_semaphore, #tpu.memory_space<semaphore_mem>>) {add = true}
      %dma_start3A_924 = arith.constant 37 : i32
      %dma_start3A_925 = arith.constant 37 : i32
      %dma_start3A_926 = arith.constant 0 : i32
      %dma_start3A_927 = tpu.memref_slice %arg9[%dma_start3A_924, %dma_start3A_926] : memref<64x128xf32, #tpu.memory_space<vmem>> -> memref<1x128xf32, #tpu.memory_space<vmem>>
      %dma_start3A_928 = tpu.memref_squeeze %dma_start3A_927 : memref<1x128xf32, #tpu.memory_space<vmem>> -> memref<128xf32, #tpu.memory_space<vmem>>
      %dma_start3A_929 = arith.constant 0 : i32
      %dma_start3A_930 = tpu.memref_slice %arg8[%dma_start3A_925, %dma_start3A_929] : memref<64x128xi32, #tpu.memory_space<vmem>> -> memref<1x128xi32, #tpu.memory_space<vmem>>
      %dma_start3A_931 = tpu.memref_squeeze %dma_start3A_930 : memref<1x128xi32, #tpu.memory_space<vmem>> -> memref<128xi32, #tpu.memory_space<vmem>>
      %dma_start3A_932 = arith.constant 0 : i32
      %dma_start3A_933 = tpu.memref_slice %arg12[%dma_start3A_932] : memref<1048576xf32, #tpu.memory_space<vmem_shared>> -> memref<1048576xf32, #tpu.memory_space<vmem_shared>>
      tpu.enqueue_indirect_dma source(%dma_start3A_928 : memref<128xf32, #tpu.memory_space<vmem>>) target(%dma_start3A_933 : memref<1048576xf32, #tpu.memory_space<vmem_shared>>) offsets(%dma_start3A_931 : memref<128xi32, #tpu.memory_space<vmem>>) semaphore(%arg13 : memref<!tpu.dma_semaphore, #tpu.memory_space<semaphore_mem>>) {add = true}
      %dma_start3A_934 = arith.constant 38 : i32
      %dma_start3A_935 = arith.constant 38 : i32
      %dma_start3A_936 = arith.constant 0 : i32
      %dma_start3A_937 = tpu.memref_slice %arg9[%dma_start3A_934, %dma_start3A_936] : memref<64x128xf32, #tpu.memory_space<vmem>> -> memref<1x128xf32, #tpu.memory_space<vmem>>
      %dma_start3A_938 = tpu.memref_squeeze %dma_start3A_937 : memref<1x128xf32, #tpu.memory_space<vmem>> -> memref<128xf32, #tpu.memory_space<vmem>>
      %dma_start3A_939 = arith.constant 0 : i32
      %dma_start3A_940 = tpu.memref_slice %arg8[%dma_start3A_935, %dma_start3A_939] : memref<64x128xi32, #tpu.memory_space<vmem>> -> memref<1x128xi32, #tpu.memory_space<vmem>>
      %dma_start3A_941 = tpu.memref_squeeze %dma_start3A_940 : memref<1x128xi32, #tpu.memory_space<vmem>> -> memref<128xi32, #tpu.memory_space<vmem>>
      %dma_start3A_942 = arith.constant 0 : i32
      %dma_start3A_943 = tpu.memref_slice %arg12[%dma_start3A_942] : memref<1048576xf32, #tpu.memory_space<vmem_shared>> -> memref<1048576xf32, #tpu.memory_space<vmem_shared>>
      tpu.enqueue_indirect_dma source(%dma_start3A_938 : memref<128xf32, #tpu.memory_space<vmem>>) target(%dma_start3A_943 : memref<1048576xf32, #tpu.memory_space<vmem_shared>>) offsets(%dma_start3A_941 : memref<128xi32, #tpu.memory_space<vmem>>) semaphore(%arg13 : memref<!tpu.dma_semaphore, #tpu.memory_space<semaphore_mem>>) {add = true}
      %dma_start3A_944 = arith.constant 39 : i32
      %dma_start3A_945 = arith.constant 39 : i32
      %dma_start3A_946 = arith.constant 0 : i32
      %dma_start3A_947 = tpu.memref_slice %arg9[%dma_start3A_944, %dma_start3A_946] : memref<64x128xf32, #tpu.memory_space<vmem>> -> memref<1x128xf32, #tpu.memory_space<vmem>>
      %dma_start3A_948 = tpu.memref_squeeze %dma_start3A_947 : memref<1x128xf32, #tpu.memory_space<vmem>> -> memref<128xf32, #tpu.memory_space<vmem>>
      %dma_start3A_949 = arith.constant 0 : i32
      %dma_start3A_950 = tpu.memref_slice %arg8[%dma_start3A_945, %dma_start3A_949] : memref<64x128xi32, #tpu.memory_space<vmem>> -> memref<1x128xi32, #tpu.memory_space<vmem>>
      %dma_start3A_951 = tpu.memref_squeeze %dma_start3A_950 : memref<1x128xi32, #tpu.memory_space<vmem>> -> memref<128xi32, #tpu.memory_space<vmem>>
      %dma_start3A_952 = arith.constant 0 : i32
      %dma_start3A_953 = tpu.memref_slice %arg12[%dma_start3A_952] : memref<1048576xf32, #tpu.memory_space<vmem_shared>> -> memref<1048576xf32, #tpu.memory_space<vmem_shared>>
      tpu.enqueue_indirect_dma source(%dma_start3A_948 : memref<128xf32, #tpu.memory_space<vmem>>) target(%dma_start3A_953 : memref<1048576xf32, #tpu.memory_space<vmem_shared>>) offsets(%dma_start3A_951 : memref<128xi32, #tpu.memory_space<vmem>>) semaphore(%arg13 : memref<!tpu.dma_semaphore, #tpu.memory_space<semaphore_mem>>) {add = true}
      %dma_start3A_954 = arith.constant 40 : i32
      %dma_start3A_955 = arith.constant 40 : i32
      %dma_start3A_956 = arith.constant 0 : i32
      %dma_start3A_957 = tpu.memref_slice %arg9[%dma_start3A_954, %dma_start3A_956] : memref<64x128xf32, #tpu.memory_space<vmem>> -> memref<1x128xf32, #tpu.memory_space<vmem>>
      %dma_start3A_958 = tpu.memref_squeeze %dma_start3A_957 : memref<1x128xf32, #tpu.memory_space<vmem>> -> memref<128xf32, #tpu.memory_space<vmem>>
      %dma_start3A_959 = arith.constant 0 : i32
      %dma_start3A_960 = tpu.memref_slice %arg8[%dma_start3A_955, %dma_start3A_959] : memref<64x128xi32, #tpu.memory_space<vmem>> -> memref<1x128xi32, #tpu.memory_space<vmem>>
      %dma_start3A_961 = tpu.memref_squeeze %dma_start3A_960 : memref<1x128xi32, #tpu.memory_space<vmem>> -> memref<128xi32, #tpu.memory_space<vmem>>
      %dma_start3A_962 = arith.constant 0 : i32
      %dma_start3A_963 = tpu.memref_slice %arg12[%dma_start3A_962] : memref<1048576xf32, #tpu.memory_space<vmem_shared>> -> memref<1048576xf32, #tpu.memory_space<vmem_shared>>
      tpu.enqueue_indirect_dma source(%dma_start3A_958 : memref<128xf32, #tpu.memory_space<vmem>>) target(%dma_start3A_963 : memref<1048576xf32, #tpu.memory_space<vmem_shared>>) offsets(%dma_start3A_961 : memref<128xi32, #tpu.memory_space<vmem>>) semaphore(%arg13 : memref<!tpu.dma_semaphore, #tpu.memory_space<semaphore_mem>>) {add = true}
      %dma_start3A_964 = arith.constant 41 : i32
      %dma_start3A_965 = arith.constant 41 : i32
      %dma_start3A_966 = arith.constant 0 : i32
      %dma_start3A_967 = tpu.memref_slice %arg9[%dma_start3A_964, %dma_start3A_966] : memref<64x128xf32, #tpu.memory_space<vmem>> -> memref<1x128xf32, #tpu.memory_space<vmem>>
      %dma_start3A_968 = tpu.memref_squeeze %dma_start3A_967 : memref<1x128xf32, #tpu.memory_space<vmem>> -> memref<128xf32, #tpu.memory_space<vmem>>
      %dma_start3A_969 = arith.constant 0 : i32
      %dma_start3A_970 = tpu.memref_slice %arg8[%dma_start3A_965, %dma_start3A_969] : memref<64x128xi32, #tpu.memory_space<vmem>> -> memref<1x128xi32, #tpu.memory_space<vmem>>
      %dma_start3A_971 = tpu.memref_squeeze %dma_start3A_970 : memref<1x128xi32, #tpu.memory_space<vmem>> -> memref<128xi32, #tpu.memory_space<vmem>>
      %dma_start3A_972 = arith.constant 0 : i32
      %dma_start3A_973 = tpu.memref_slice %arg12[%dma_start3A_972] : memref<1048576xf32, #tpu.memory_space<vmem_shared>> -> memref<1048576xf32, #tpu.memory_space<vmem_shared>>
      tpu.enqueue_indirect_dma source(%dma_start3A_968 : memref<128xf32, #tpu.memory_space<vmem>>) target(%dma_start3A_973 : memref<1048576xf32, #tpu.memory_space<vmem_shared>>) offsets(%dma_start3A_971 : memref<128xi32, #tpu.memory_space<vmem>>) semaphore(%arg13 : memref<!tpu.dma_semaphore, #tpu.memory_space<semaphore_mem>>) {add = true}
      %dma_start3A_974 = arith.constant 42 : i32
      %dma_start3A_975 = arith.constant 42 : i32
      %dma_start3A_976 = arith.constant 0 : i32
      %dma_start3A_977 = tpu.memref_slice %arg9[%dma_start3A_974, %dma_start3A_976] : memref<64x128xf32, #tpu.memory_space<vmem>> -> memref<1x128xf32, #tpu.memory_space<vmem>>
      %dma_start3A_978 = tpu.memref_squeeze %dma_start3A_977 : memref<1x128xf32, #tpu.memory_space<vmem>> -> memref<128xf32, #tpu.memory_space<vmem>>
      %dma_start3A_979 = arith.constant 0 : i32
      %dma_start3A_980 = tpu.memref_slice %arg8[%dma_start3A_975, %dma_start3A_979] : memref<64x128xi32, #tpu.memory_space<vmem>> -> memref<1x128xi32, #tpu.memory_space<vmem>>
      %dma_start3A_981 = tpu.memref_squeeze %dma_start3A_980 : memref<1x128xi32, #tpu.memory_space<vmem>> -> memref<128xi32, #tpu.memory_space<vmem>>
      %dma_start3A_982 = arith.constant 0 : i32
      %dma_start3A_983 = tpu.memref_slice %arg12[%dma_start3A_982] : memref<1048576xf32, #tpu.memory_space<vmem_shared>> -> memref<1048576xf32, #tpu.memory_space<vmem_shared>>
      tpu.enqueue_indirect_dma source(%dma_start3A_978 : memref<128xf32, #tpu.memory_space<vmem>>) target(%dma_start3A_983 : memref<1048576xf32, #tpu.memory_space<vmem_shared>>) offsets(%dma_start3A_981 : memref<128xi32, #tpu.memory_space<vmem>>) semaphore(%arg13 : memref<!tpu.dma_semaphore, #tpu.memory_space<semaphore_mem>>) {add = true}
      %dma_start3A_984 = arith.constant 43 : i32
      %dma_start3A_985 = arith.constant 43 : i32
      %dma_start3A_986 = arith.constant 0 : i32
      %dma_start3A_987 = tpu.memref_slice %arg9[%dma_start3A_984, %dma_start3A_986] : memref<64x128xf32, #tpu.memory_space<vmem>> -> memref<1x128xf32, #tpu.memory_space<vmem>>
      %dma_start3A_988 = tpu.memref_squeeze %dma_start3A_987 : memref<1x128xf32, #tpu.memory_space<vmem>> -> memref<128xf32, #tpu.memory_space<vmem>>
      %dma_start3A_989 = arith.constant 0 : i32
      %dma_start3A_990 = tpu.memref_slice %arg8[%dma_start3A_985, %dma_start3A_989] : memref<64x128xi32, #tpu.memory_space<vmem>> -> memref<1x128xi32, #tpu.memory_space<vmem>>
      %dma_start3A_991 = tpu.memref_squeeze %dma_start3A_990 : memref<1x128xi32, #tpu.memory_space<vmem>> -> memref<128xi32, #tpu.memory_space<vmem>>
      %dma_start3A_992 = arith.constant 0 : i32
      %dma_start3A_993 = tpu.memref_slice %arg12[%dma_start3A_992] : memref<1048576xf32, #tpu.memory_space<vmem_shared>> -> memref<1048576xf32, #tpu.memory_space<vmem_shared>>
      tpu.enqueue_indirect_dma source(%dma_start3A_988 : memref<128xf32, #tpu.memory_space<vmem>>) target(%dma_start3A_993 : memref<1048576xf32, #tpu.memory_space<vmem_shared>>) offsets(%dma_start3A_991 : memref<128xi32, #tpu.memory_space<vmem>>) semaphore(%arg13 : memref<!tpu.dma_semaphore, #tpu.memory_space<semaphore_mem>>) {add = true}
      %dma_start3A_994 = arith.constant 44 : i32
      %dma_start3A_995 = arith.constant 44 : i32
      %dma_start3A_996 = arith.constant 0 : i32
      %dma_start3A_997 = tpu.memref_slice %arg9[%dma_start3A_994, %dma_start3A_996] : memref<64x128xf32, #tpu.memory_space<vmem>> -> memref<1x128xf32, #tpu.memory_space<vmem>>
      %dma_start3A_998 = tpu.memref_squeeze %dma_start3A_997 : memref<1x128xf32, #tpu.memory_space<vmem>> -> memref<128xf32, #tpu.memory_space<vmem>>
      %dma_start3A_999 = arith.constant 0 : i32
      %dma_start3A_1000 = tpu.memref_slice %arg8[%dma_start3A_995, %dma_start3A_999] : memref<64x128xi32, #tpu.memory_space<vmem>> -> memref<1x128xi32, #tpu.memory_space<vmem>>
      %dma_start3A_1001 = tpu.memref_squeeze %dma_start3A_1000 : memref<1x128xi32, #tpu.memory_space<vmem>> -> memref<128xi32, #tpu.memory_space<vmem>>
      %dma_start3A_1002 = arith.constant 0 : i32
      %dma_start3A_1003 = tpu.memref_slice %arg12[%dma_start3A_1002] : memref<1048576xf32, #tpu.memory_space<vmem_shared>> -> memref<1048576xf32, #tpu.memory_space<vmem_shared>>
      tpu.enqueue_indirect_dma source(%dma_start3A_998 : memref<128xf32, #tpu.memory_space<vmem>>) target(%dma_start3A_1003 : memref<1048576xf32, #tpu.memory_space<vmem_shared>>) offsets(%dma_start3A_1001 : memref<128xi32, #tpu.memory_space<vmem>>) semaphore(%arg13 : memref<!tpu.dma_semaphore, #tpu.memory_space<semaphore_mem>>) {add = true}
      %dma_start3A_1004 = arith.constant 45 : i32
      %dma_start3A_1005 = arith.constant 45 : i32
      %dma_start3A_1006 = arith.constant 0 : i32
      %dma_start3A_1007 = tpu.memref_slice %arg9[%dma_start3A_1004, %dma_start3A_1006] : memref<64x128xf32, #tpu.memory_space<vmem>> -> memref<1x128xf32, #tpu.memory_space<vmem>>
      %dma_start3A_1008 = tpu.memref_squeeze %dma_start3A_1007 : memref<1x128xf32, #tpu.memory_space<vmem>> -> memref<128xf32, #tpu.memory_space<vmem>>
      %dma_start3A_1009 = arith.constant 0 : i32
      %dma_start3A_1010 = tpu.memref_slice %arg8[%dma_start3A_1005, %dma_start3A_1009] : memref<64x128xi32, #tpu.memory_space<vmem>> -> memref<1x128xi32, #tpu.memory_space<vmem>>
      %dma_start3A_1011 = tpu.memref_squeeze %dma_start3A_1010 : memref<1x128xi32, #tpu.memory_space<vmem>> -> memref<128xi32, #tpu.memory_space<vmem>>
      %dma_start3A_1012 = arith.constant 0 : i32
      %dma_start3A_1013 = tpu.memref_slice %arg12[%dma_start3A_1012] : memref<1048576xf32, #tpu.memory_space<vmem_shared>> -> memref<1048576xf32, #tpu.memory_space<vmem_shared>>
      tpu.enqueue_indirect_dma source(%dma_start3A_1008 : memref<128xf32, #tpu.memory_space<vmem>>) target(%dma_start3A_1013 : memref<1048576xf32, #tpu.memory_space<vmem_shared>>) offsets(%dma_start3A_1011 : memref<128xi32, #tpu.memory_space<vmem>>) semaphore(%arg13 : memref<!tpu.dma_semaphore, #tpu.memory_space<semaphore_mem>>) {add = true}
      %dma_start3A_1014 = arith.constant 46 : i32
      %dma_start3A_1015 = arith.constant 46 : i32
      %dma_start3A_1016 = arith.constant 0 : i32
      %dma_start3A_1017 = tpu.memref_slice %arg9[%dma_start3A_1014, %dma_start3A_1016] : memref<64x128xf32, #tpu.memory_space<vmem>> -> memref<1x128xf32, #tpu.memory_space<vmem>>
      %dma_start3A_1018 = tpu.memref_squeeze %dma_start3A_1017 : memref<1x128xf32, #tpu.memory_space<vmem>> -> memref<128xf32, #tpu.memory_space<vmem>>
      %dma_start3A_1019 = arith.constant 0 : i32
      %dma_start3A_1020 = tpu.memref_slice %arg8[%dma_start3A_1015, %dma_start3A_1019] : memref<64x128xi32, #tpu.memory_space<vmem>> -> memref<1x128xi32, #tpu.memory_space<vmem>>
      %dma_start3A_1021 = tpu.memref_squeeze %dma_start3A_1020 : memref<1x128xi32, #tpu.memory_space<vmem>> -> memref<128xi32, #tpu.memory_space<vmem>>
      %dma_start3A_1022 = arith.constant 0 : i32
      %dma_start3A_1023 = tpu.memref_slice %arg12[%dma_start3A_1022] : memref<1048576xf32, #tpu.memory_space<vmem_shared>> -> memref<1048576xf32, #tpu.memory_space<vmem_shared>>
      tpu.enqueue_indirect_dma source(%dma_start3A_1018 : memref<128xf32, #tpu.memory_space<vmem>>) target(%dma_start3A_1023 : memref<1048576xf32, #tpu.memory_space<vmem_shared>>) offsets(%dma_start3A_1021 : memref<128xi32, #tpu.memory_space<vmem>>) semaphore(%arg13 : memref<!tpu.dma_semaphore, #tpu.memory_space<semaphore_mem>>) {add = true}
      %dma_start3A_1024 = arith.constant 47 : i32
      %dma_start3A_1025 = arith.constant 47 : i32
      %dma_start3A_1026 = arith.constant 0 : i32
      %dma_start3A_1027 = tpu.memref_slice %arg9[%dma_start3A_1024, %dma_start3A_1026] : memref<64x128xf32, #tpu.memory_space<vmem>> -> memref<1x128xf32, #tpu.memory_space<vmem>>
      %dma_start3A_1028 = tpu.memref_squeeze %dma_start3A_1027 : memref<1x128xf32, #tpu.memory_space<vmem>> -> memref<128xf32, #tpu.memory_space<vmem>>
      %dma_start3A_1029 = arith.constant 0 : i32
      %dma_start3A_1030 = tpu.memref_slice %arg8[%dma_start3A_1025, %dma_start3A_1029] : memref<64x128xi32, #tpu.memory_space<vmem>> -> memref<1x128xi32, #tpu.memory_space<vmem>>
      %dma_start3A_1031 = tpu.memref_squeeze %dma_start3A_1030 : memref<1x128xi32, #tpu.memory_space<vmem>> -> memref<128xi32, #tpu.memory_space<vmem>>
      %dma_start3A_1032 = arith.constant 0 : i32
      %dma_start3A_1033 = tpu.memref_slice %arg12[%dma_start3A_1032] : memref<1048576xf32, #tpu.memory_space<vmem_shared>> -> memref<1048576xf32, #tpu.memory_space<vmem_shared>>
      tpu.enqueue_indirect_dma source(%dma_start3A_1028 : memref<128xf32, #tpu.memory_space<vmem>>) target(%dma_start3A_1033 : memref<1048576xf32, #tpu.memory_space<vmem_shared>>) offsets(%dma_start3A_1031 : memref<128xi32, #tpu.memory_space<vmem>>) semaphore(%arg13 : memref<!tpu.dma_semaphore, #tpu.memory_space<semaphore_mem>>) {add = true}
      %dma_start3A_1034 = arith.constant 48 : i32
      %dma_start3A_1035 = arith.constant 48 : i32
      %dma_start3A_1036 = arith.constant 0 : i32
      %dma_start3A_1037 = tpu.memref_slice %arg9[%dma_start3A_1034, %dma_start3A_1036] : memref<64x128xf32, #tpu.memory_space<vmem>> -> memref<1x128xf32, #tpu.memory_space<vmem>>
      %dma_start3A_1038 = tpu.memref_squeeze %dma_start3A_1037 : memref<1x128xf32, #tpu.memory_space<vmem>> -> memref<128xf32, #tpu.memory_space<vmem>>
      %dma_start3A_1039 = arith.constant 0 : i32
      %dma_start3A_1040 = tpu.memref_slice %arg8[%dma_start3A_1035, %dma_start3A_1039] : memref<64x128xi32, #tpu.memory_space<vmem>> -> memref<1x128xi32, #tpu.memory_space<vmem>>
      %dma_start3A_1041 = tpu.memref_squeeze %dma_start3A_1040 : memref<1x128xi32, #tpu.memory_space<vmem>> -> memref<128xi32, #tpu.memory_space<vmem>>
      %dma_start3A_1042 = arith.constant 0 : i32
      %dma_start3A_1043 = tpu.memref_slice %arg12[%dma_start3A_1042] : memref<1048576xf32, #tpu.memory_space<vmem_shared>> -> memref<1048576xf32, #tpu.memory_space<vmem_shared>>
      tpu.enqueue_indirect_dma source(%dma_start3A_1038 : memref<128xf32, #tpu.memory_space<vmem>>) target(%dma_start3A_1043 : memref<1048576xf32, #tpu.memory_space<vmem_shared>>) offsets(%dma_start3A_1041 : memref<128xi32, #tpu.memory_space<vmem>>) semaphore(%arg13 : memref<!tpu.dma_semaphore, #tpu.memory_space<semaphore_mem>>) {add = true}
      %dma_start3A_1044 = arith.constant 49 : i32
      %dma_start3A_1045 = arith.constant 49 : i32
      %dma_start3A_1046 = arith.constant 0 : i32
      %dma_start3A_1047 = tpu.memref_slice %arg9[%dma_start3A_1044, %dma_start3A_1046] : memref<64x128xf32, #tpu.memory_space<vmem>> -> memref<1x128xf32, #tpu.memory_space<vmem>>
      %dma_start3A_1048 = tpu.memref_squeeze %dma_start3A_1047 : memref<1x128xf32, #tpu.memory_space<vmem>> -> memref<128xf32, #tpu.memory_space<vmem>>
      %dma_start3A_1049 = arith.constant 0 : i32
      %dma_start3A_1050 = tpu.memref_slice %arg8[%dma_start3A_1045, %dma_start3A_1049] : memref<64x128xi32, #tpu.memory_space<vmem>> -> memref<1x128xi32, #tpu.memory_space<vmem>>
      %dma_start3A_1051 = tpu.memref_squeeze %dma_start3A_1050 : memref<1x128xi32, #tpu.memory_space<vmem>> -> memref<128xi32, #tpu.memory_space<vmem>>
      %dma_start3A_1052 = arith.constant 0 : i32
      %dma_start3A_1053 = tpu.memref_slice %arg12[%dma_start3A_1052] : memref<1048576xf32, #tpu.memory_space<vmem_shared>> -> memref<1048576xf32, #tpu.memory_space<vmem_shared>>
      tpu.enqueue_indirect_dma source(%dma_start3A_1048 : memref<128xf32, #tpu.memory_space<vmem>>) target(%dma_start3A_1053 : memref<1048576xf32, #tpu.memory_space<vmem_shared>>) offsets(%dma_start3A_1051 : memref<128xi32, #tpu.memory_space<vmem>>) semaphore(%arg13 : memref<!tpu.dma_semaphore, #tpu.memory_space<semaphore_mem>>) {add = true}
      %dma_start3A_1054 = arith.constant 50 : i32
      %dma_start3A_1055 = arith.constant 50 : i32
      %dma_start3A_1056 = arith.constant 0 : i32
      %dma_start3A_1057 = tpu.memref_slice %arg9[%dma_start3A_1054, %dma_start3A_1056] : memref<64x128xf32, #tpu.memory_space<vmem>> -> memref<1x128xf32, #tpu.memory_space<vmem>>
      %dma_start3A_1058 = tpu.memref_squeeze %dma_start3A_1057 : memref<1x128xf32, #tpu.memory_space<vmem>> -> memref<128xf32, #tpu.memory_space<vmem>>
      %dma_start3A_1059 = arith.constant 0 : i32
      %dma_start3A_1060 = tpu.memref_slice %arg8[%dma_start3A_1055, %dma_start3A_1059] : memref<64x128xi32, #tpu.memory_space<vmem>> -> memref<1x128xi32, #tpu.memory_space<vmem>>
      %dma_start3A_1061 = tpu.memref_squeeze %dma_start3A_1060 : memref<1x128xi32, #tpu.memory_space<vmem>> -> memref<128xi32, #tpu.memory_space<vmem>>
      %dma_start3A_1062 = arith.constant 0 : i32
      %dma_start3A_1063 = tpu.memref_slice %arg12[%dma_start3A_1062] : memref<1048576xf32, #tpu.memory_space<vmem_shared>> -> memref<1048576xf32, #tpu.memory_space<vmem_shared>>
      tpu.enqueue_indirect_dma source(%dma_start3A_1058 : memref<128xf32, #tpu.memory_space<vmem>>) target(%dma_start3A_1063 : memref<1048576xf32, #tpu.memory_space<vmem_shared>>) offsets(%dma_start3A_1061 : memref<128xi32, #tpu.memory_space<vmem>>) semaphore(%arg13 : memref<!tpu.dma_semaphore, #tpu.memory_space<semaphore_mem>>) {add = true}
      %dma_start3A_1064 = arith.constant 51 : i32
      %dma_start3A_1065 = arith.constant 51 : i32
      %dma_start3A_1066 = arith.constant 0 : i32
      %dma_start3A_1067 = tpu.memref_slice %arg9[%dma_start3A_1064, %dma_start3A_1066] : memref<64x128xf32, #tpu.memory_space<vmem>> -> memref<1x128xf32, #tpu.memory_space<vmem>>
      %dma_start3A_1068 = tpu.memref_squeeze %dma_start3A_1067 : memref<1x128xf32, #tpu.memory_space<vmem>> -> memref<128xf32, #tpu.memory_space<vmem>>
      %dma_start3A_1069 = arith.constant 0 : i32
      %dma_start3A_1070 = tpu.memref_slice %arg8[%dma_start3A_1065, %dma_start3A_1069] : memref<64x128xi32, #tpu.memory_space<vmem>> -> memref<1x128xi32, #tpu.memory_space<vmem>>
      %dma_start3A_1071 = tpu.memref_squeeze %dma_start3A_1070 : memref<1x128xi32, #tpu.memory_space<vmem>> -> memref<128xi32, #tpu.memory_space<vmem>>
      %dma_start3A_1072 = arith.constant 0 : i32
      %dma_start3A_1073 = tpu.memref_slice %arg12[%dma_start3A_1072] : memref<1048576xf32, #tpu.memory_space<vmem_shared>> -> memref<1048576xf32, #tpu.memory_space<vmem_shared>>
      tpu.enqueue_indirect_dma source(%dma_start3A_1068 : memref<128xf32, #tpu.memory_space<vmem>>) target(%dma_start3A_1073 : memref<1048576xf32, #tpu.memory_space<vmem_shared>>) offsets(%dma_start3A_1071 : memref<128xi32, #tpu.memory_space<vmem>>) semaphore(%arg13 : memref<!tpu.dma_semaphore, #tpu.memory_space<semaphore_mem>>) {add = true}
      %dma_start3A_1074 = arith.constant 52 : i32
      %dma_start3A_1075 = arith.constant 52 : i32
      %dma_start3A_1076 = arith.constant 0 : i32
      %dma_start3A_1077 = tpu.memref_slice %arg9[%dma_start3A_1074, %dma_start3A_1076] : memref<64x128xf32, #tpu.memory_space<vmem>> -> memref<1x128xf32, #tpu.memory_space<vmem>>
      %dma_start3A_1078 = tpu.memref_squeeze %dma_start3A_1077 : memref<1x128xf32, #tpu.memory_space<vmem>> -> memref<128xf32, #tpu.memory_space<vmem>>
      %dma_start3A_1079 = arith.constant 0 : i32
      %dma_start3A_1080 = tpu.memref_slice %arg8[%dma_start3A_1075, %dma_start3A_1079] : memref<64x128xi32, #tpu.memory_space<vmem>> -> memref<1x128xi32, #tpu.memory_space<vmem>>
      %dma_start3A_1081 = tpu.memref_squeeze %dma_start3A_1080 : memref<1x128xi32, #tpu.memory_space<vmem>> -> memref<128xi32, #tpu.memory_space<vmem>>
      %dma_start3A_1082 = arith.constant 0 : i32
      %dma_start3A_1083 = tpu.memref_slice %arg12[%dma_start3A_1082] : memref<1048576xf32, #tpu.memory_space<vmem_shared>> -> memref<1048576xf32, #tpu.memory_space<vmem_shared>>
      tpu.enqueue_indirect_dma source(%dma_start3A_1078 : memref<128xf32, #tpu.memory_space<vmem>>) target(%dma_start3A_1083 : memref<1048576xf32, #tpu.memory_space<vmem_shared>>) offsets(%dma_start3A_1081 : memref<128xi32, #tpu.memory_space<vmem>>) semaphore(%arg13 : memref<!tpu.dma_semaphore, #tpu.memory_space<semaphore_mem>>) {add = true}
      %dma_start3A_1084 = arith.constant 53 : i32
      %dma_start3A_1085 = arith.constant 53 : i32
      %dma_start3A_1086 = arith.constant 0 : i32
      %dma_start3A_1087 = tpu.memref_slice %arg9[%dma_start3A_1084, %dma_start3A_1086] : memref<64x128xf32, #tpu.memory_space<vmem>> -> memref<1x128xf32, #tpu.memory_space<vmem>>
      %dma_start3A_1088 = tpu.memref_squeeze %dma_start3A_1087 : memref<1x128xf32, #tpu.memory_space<vmem>> -> memref<128xf32, #tpu.memory_space<vmem>>
      %dma_start3A_1089 = arith.constant 0 : i32
      %dma_start3A_1090 = tpu.memref_slice %arg8[%dma_start3A_1085, %dma_start3A_1089] : memref<64x128xi32, #tpu.memory_space<vmem>> -> memref<1x128xi32, #tpu.memory_space<vmem>>
      %dma_start3A_1091 = tpu.memref_squeeze %dma_start3A_1090 : memref<1x128xi32, #tpu.memory_space<vmem>> -> memref<128xi32, #tpu.memory_space<vmem>>
      %dma_start3A_1092 = arith.constant 0 : i32
      %dma_start3A_1093 = tpu.memref_slice %arg12[%dma_start3A_1092] : memref<1048576xf32, #tpu.memory_space<vmem_shared>> -> memref<1048576xf32, #tpu.memory_space<vmem_shared>>
      tpu.enqueue_indirect_dma source(%dma_start3A_1088 : memref<128xf32, #tpu.memory_space<vmem>>) target(%dma_start3A_1093 : memref<1048576xf32, #tpu.memory_space<vmem_shared>>) offsets(%dma_start3A_1091 : memref<128xi32, #tpu.memory_space<vmem>>) semaphore(%arg13 : memref<!tpu.dma_semaphore, #tpu.memory_space<semaphore_mem>>) {add = true}
      %dma_start3A_1094 = arith.constant 54 : i32
      %dma_start3A_1095 = arith.constant 54 : i32
      %dma_start3A_1096 = arith.constant 0 : i32
      %dma_start3A_1097 = tpu.memref_slice %arg9[%dma_start3A_1094, %dma_start3A_1096] : memref<64x128xf32, #tpu.memory_space<vmem>> -> memref<1x128xf32, #tpu.memory_space<vmem>>
      %dma_start3A_1098 = tpu.memref_squeeze %dma_start3A_1097 : memref<1x128xf32, #tpu.memory_space<vmem>> -> memref<128xf32, #tpu.memory_space<vmem>>
      %dma_start3A_1099 = arith.constant 0 : i32
      %dma_start3A_1100 = tpu.memref_slice %arg8[%dma_start3A_1095, %dma_start3A_1099] : memref<64x128xi32, #tpu.memory_space<vmem>> -> memref<1x128xi32, #tpu.memory_space<vmem>>
      %dma_start3A_1101 = tpu.memref_squeeze %dma_start3A_1100 : memref<1x128xi32, #tpu.memory_space<vmem>> -> memref<128xi32, #tpu.memory_space<vmem>>
      %dma_start3A_1102 = arith.constant 0 : i32
      %dma_start3A_1103 = tpu.memref_slice %arg12[%dma_start3A_1102] : memref<1048576xf32, #tpu.memory_space<vmem_shared>> -> memref<1048576xf32, #tpu.memory_space<vmem_shared>>
      tpu.enqueue_indirect_dma source(%dma_start3A_1098 : memref<128xf32, #tpu.memory_space<vmem>>) target(%dma_start3A_1103 : memref<1048576xf32, #tpu.memory_space<vmem_shared>>) offsets(%dma_start3A_1101 : memref<128xi32, #tpu.memory_space<vmem>>) semaphore(%arg13 : memref<!tpu.dma_semaphore, #tpu.memory_space<semaphore_mem>>) {add = true}
      %dma_start3A_1104 = arith.constant 55 : i32
      %dma_start3A_1105 = arith.constant 55 : i32
      %dma_start3A_1106 = arith.constant 0 : i32
      %dma_start3A_1107 = tpu.memref_slice %arg9[%dma_start3A_1104, %dma_start3A_1106] : memref<64x128xf32, #tpu.memory_space<vmem>> -> memref<1x128xf32, #tpu.memory_space<vmem>>
      %dma_start3A_1108 = tpu.memref_squeeze %dma_start3A_1107 : memref<1x128xf32, #tpu.memory_space<vmem>> -> memref<128xf32, #tpu.memory_space<vmem>>
      %dma_start3A_1109 = arith.constant 0 : i32
      %dma_start3A_1110 = tpu.memref_slice %arg8[%dma_start3A_1105, %dma_start3A_1109] : memref<64x128xi32, #tpu.memory_space<vmem>> -> memref<1x128xi32, #tpu.memory_space<vmem>>
      %dma_start3A_1111 = tpu.memref_squeeze %dma_start3A_1110 : memref<1x128xi32, #tpu.memory_space<vmem>> -> memref<128xi32, #tpu.memory_space<vmem>>
      %dma_start3A_1112 = arith.constant 0 : i32
      %dma_start3A_1113 = tpu.memref_slice %arg12[%dma_start3A_1112] : memref<1048576xf32, #tpu.memory_space<vmem_shared>> -> memref<1048576xf32, #tpu.memory_space<vmem_shared>>
      tpu.enqueue_indirect_dma source(%dma_start3A_1108 : memref<128xf32, #tpu.memory_space<vmem>>) target(%dma_start3A_1113 : memref<1048576xf32, #tpu.memory_space<vmem_shared>>) offsets(%dma_start3A_1111 : memref<128xi32, #tpu.memory_space<vmem>>) semaphore(%arg13 : memref<!tpu.dma_semaphore, #tpu.memory_space<semaphore_mem>>) {add = true}
      %dma_start3A_1114 = arith.constant 56 : i32
      %dma_start3A_1115 = arith.constant 56 : i32
      %dma_start3A_1116 = arith.constant 0 : i32
      %dma_start3A_1117 = tpu.memref_slice %arg9[%dma_start3A_1114, %dma_start3A_1116] : memref<64x128xf32, #tpu.memory_space<vmem>> -> memref<1x128xf32, #tpu.memory_space<vmem>>
      %dma_start3A_1118 = tpu.memref_squeeze %dma_start3A_1117 : memref<1x128xf32, #tpu.memory_space<vmem>> -> memref<128xf32, #tpu.memory_space<vmem>>
      %dma_start3A_1119 = arith.constant 0 : i32
      %dma_start3A_1120 = tpu.memref_slice %arg8[%dma_start3A_1115, %dma_start3A_1119] : memref<64x128xi32, #tpu.memory_space<vmem>> -> memref<1x128xi32, #tpu.memory_space<vmem>>
      %dma_start3A_1121 = tpu.memref_squeeze %dma_start3A_1120 : memref<1x128xi32, #tpu.memory_space<vmem>> -> memref<128xi32, #tpu.memory_space<vmem>>
      %dma_start3A_1122 = arith.constant 0 : i32
      %dma_start3A_1123 = tpu.memref_slice %arg12[%dma_start3A_1122] : memref<1048576xf32, #tpu.memory_space<vmem_shared>> -> memref<1048576xf32, #tpu.memory_space<vmem_shared>>
      tpu.enqueue_indirect_dma source(%dma_start3A_1118 : memref<128xf32, #tpu.memory_space<vmem>>) target(%dma_start3A_1123 : memref<1048576xf32, #tpu.memory_space<vmem_shared>>) offsets(%dma_start3A_1121 : memref<128xi32, #tpu.memory_space<vmem>>) semaphore(%arg13 : memref<!tpu.dma_semaphore, #tpu.memory_space<semaphore_mem>>) {add = true}
      %dma_start3A_1124 = arith.constant 57 : i32
      %dma_start3A_1125 = arith.constant 57 : i32
      %dma_start3A_1126 = arith.constant 0 : i32
      %dma_start3A_1127 = tpu.memref_slice %arg9[%dma_start3A_1124, %dma_start3A_1126] : memref<64x128xf32, #tpu.memory_space<vmem>> -> memref<1x128xf32, #tpu.memory_space<vmem>>
      %dma_start3A_1128 = tpu.memref_squeeze %dma_start3A_1127 : memref<1x128xf32, #tpu.memory_space<vmem>> -> memref<128xf32, #tpu.memory_space<vmem>>
      %dma_start3A_1129 = arith.constant 0 : i32
      %dma_start3A_1130 = tpu.memref_slice %arg8[%dma_start3A_1125, %dma_start3A_1129] : memref<64x128xi32, #tpu.memory_space<vmem>> -> memref<1x128xi32, #tpu.memory_space<vmem>>
      %dma_start3A_1131 = tpu.memref_squeeze %dma_start3A_1130 : memref<1x128xi32, #tpu.memory_space<vmem>> -> memref<128xi32, #tpu.memory_space<vmem>>
      %dma_start3A_1132 = arith.constant 0 : i32
      %dma_start3A_1133 = tpu.memref_slice %arg12[%dma_start3A_1132] : memref<1048576xf32, #tpu.memory_space<vmem_shared>> -> memref<1048576xf32, #tpu.memory_space<vmem_shared>>
      tpu.enqueue_indirect_dma source(%dma_start3A_1128 : memref<128xf32, #tpu.memory_space<vmem>>) target(%dma_start3A_1133 : memref<1048576xf32, #tpu.memory_space<vmem_shared>>) offsets(%dma_start3A_1131 : memref<128xi32, #tpu.memory_space<vmem>>) semaphore(%arg13 : memref<!tpu.dma_semaphore, #tpu.memory_space<semaphore_mem>>) {add = true}
      %dma_start3A_1134 = arith.constant 58 : i32
      %dma_start3A_1135 = arith.constant 58 : i32
      %dma_start3A_1136 = arith.constant 0 : i32
      %dma_start3A_1137 = tpu.memref_slice %arg9[%dma_start3A_1134, %dma_start3A_1136] : memref<64x128xf32, #tpu.memory_space<vmem>> -> memref<1x128xf32, #tpu.memory_space<vmem>>
      %dma_start3A_1138 = tpu.memref_squeeze %dma_start3A_1137 : memref<1x128xf32, #tpu.memory_space<vmem>> -> memref<128xf32, #tpu.memory_space<vmem>>
      %dma_start3A_1139 = arith.constant 0 : i32
      %dma_start3A_1140 = tpu.memref_slice %arg8[%dma_start3A_1135, %dma_start3A_1139] : memref<64x128xi32, #tpu.memory_space<vmem>> -> memref<1x128xi32, #tpu.memory_space<vmem>>
      %dma_start3A_1141 = tpu.memref_squeeze %dma_start3A_1140 : memref<1x128xi32, #tpu.memory_space<vmem>> -> memref<128xi32, #tpu.memory_space<vmem>>
      %dma_start3A_1142 = arith.constant 0 : i32
      %dma_start3A_1143 = tpu.memref_slice %arg12[%dma_start3A_1142] : memref<1048576xf32, #tpu.memory_space<vmem_shared>> -> memref<1048576xf32, #tpu.memory_space<vmem_shared>>
      tpu.enqueue_indirect_dma source(%dma_start3A_1138 : memref<128xf32, #tpu.memory_space<vmem>>) target(%dma_start3A_1143 : memref<1048576xf32, #tpu.memory_space<vmem_shared>>) offsets(%dma_start3A_1141 : memref<128xi32, #tpu.memory_space<vmem>>) semaphore(%arg13 : memref<!tpu.dma_semaphore, #tpu.memory_space<semaphore_mem>>) {add = true}
      %dma_start3A_1144 = arith.constant 59 : i32
      %dma_start3A_1145 = arith.constant 59 : i32
      %dma_start3A_1146 = arith.constant 0 : i32
      %dma_start3A_1147 = tpu.memref_slice %arg9[%dma_start3A_1144, %dma_start3A_1146] : memref<64x128xf32, #tpu.memory_space<vmem>> -> memref<1x128xf32, #tpu.memory_space<vmem>>
      %dma_start3A_1148 = tpu.memref_squeeze %dma_start3A_1147 : memref<1x128xf32, #tpu.memory_space<vmem>> -> memref<128xf32, #tpu.memory_space<vmem>>
      %dma_start3A_1149 = arith.constant 0 : i32
      %dma_start3A_1150 = tpu.memref_slice %arg8[%dma_start3A_1145, %dma_start3A_1149] : memref<64x128xi32, #tpu.memory_space<vmem>> -> memref<1x128xi32, #tpu.memory_space<vmem>>
      %dma_start3A_1151 = tpu.memref_squeeze %dma_start3A_1150 : memref<1x128xi32, #tpu.memory_space<vmem>> -> memref<128xi32, #tpu.memory_space<vmem>>
      %dma_start3A_1152 = arith.constant 0 : i32
      %dma_start3A_1153 = tpu.memref_slice %arg12[%dma_start3A_1152] : memref<1048576xf32, #tpu.memory_space<vmem_shared>> -> memref<1048576xf32, #tpu.memory_space<vmem_shared>>
      tpu.enqueue_indirect_dma source(%dma_start3A_1148 : memref<128xf32, #tpu.memory_space<vmem>>) target(%dma_start3A_1153 : memref<1048576xf32, #tpu.memory_space<vmem_shared>>) offsets(%dma_start3A_1151 : memref<128xi32, #tpu.memory_space<vmem>>) semaphore(%arg13 : memref<!tpu.dma_semaphore, #tpu.memory_space<semaphore_mem>>) {add = true}
      %dma_start3A_1154 = arith.constant 60 : i32
      %dma_start3A_1155 = arith.constant 60 : i32
      %dma_start3A_1156 = arith.constant 0 : i32
      %dma_start3A_1157 = tpu.memref_slice %arg9[%dma_start3A_1154, %dma_start3A_1156] : memref<64x128xf32, #tpu.memory_space<vmem>> -> memref<1x128xf32, #tpu.memory_space<vmem>>
      %dma_start3A_1158 = tpu.memref_squeeze %dma_start3A_1157 : memref<1x128xf32, #tpu.memory_space<vmem>> -> memref<128xf32, #tpu.memory_space<vmem>>
      %dma_start3A_1159 = arith.constant 0 : i32
      %dma_start3A_1160 = tpu.memref_slice %arg8[%dma_start3A_1155, %dma_start3A_1159] : memref<64x128xi32, #tpu.memory_space<vmem>> -> memref<1x128xi32, #tpu.memory_space<vmem>>
      %dma_start3A_1161 = tpu.memref_squeeze %dma_start3A_1160 : memref<1x128xi32, #tpu.memory_space<vmem>> -> memref<128xi32, #tpu.memory_space<vmem>>
      %dma_start3A_1162 = arith.constant 0 : i32
      %dma_start3A_1163 = tpu.memref_slice %arg12[%dma_start3A_1162] : memref<1048576xf32, #tpu.memory_space<vmem_shared>> -> memref<1048576xf32, #tpu.memory_space<vmem_shared>>
      tpu.enqueue_indirect_dma source(%dma_start3A_1158 : memref<128xf32, #tpu.memory_space<vmem>>) target(%dma_start3A_1163 : memref<1048576xf32, #tpu.memory_space<vmem_shared>>) offsets(%dma_start3A_1161 : memref<128xi32, #tpu.memory_space<vmem>>) semaphore(%arg13 : memref<!tpu.dma_semaphore, #tpu.memory_space<semaphore_mem>>) {add = true}
      %dma_start3A_1164 = arith.constant 61 : i32
      %dma_start3A_1165 = arith.constant 61 : i32
      %dma_start3A_1166 = arith.constant 0 : i32
      %dma_start3A_1167 = tpu.memref_slice %arg9[%dma_start3A_1164, %dma_start3A_1166] : memref<64x128xf32, #tpu.memory_space<vmem>> -> memref<1x128xf32, #tpu.memory_space<vmem>>
      %dma_start3A_1168 = tpu.memref_squeeze %dma_start3A_1167 : memref<1x128xf32, #tpu.memory_space<vmem>> -> memref<128xf32, #tpu.memory_space<vmem>>
      %dma_start3A_1169 = arith.constant 0 : i32
      %dma_start3A_1170 = tpu.memref_slice %arg8[%dma_start3A_1165, %dma_start3A_1169] : memref<64x128xi32, #tpu.memory_space<vmem>> -> memref<1x128xi32, #tpu.memory_space<vmem>>
      %dma_start3A_1171 = tpu.memref_squeeze %dma_start3A_1170 : memref<1x128xi32, #tpu.memory_space<vmem>> -> memref<128xi32, #tpu.memory_space<vmem>>
      %dma_start3A_1172 = arith.constant 0 : i32
      %dma_start3A_1173 = tpu.memref_slice %arg12[%dma_start3A_1172] : memref<1048576xf32, #tpu.memory_space<vmem_shared>> -> memref<1048576xf32, #tpu.memory_space<vmem_shared>>
      tpu.enqueue_indirect_dma source(%dma_start3A_1168 : memref<128xf32, #tpu.memory_space<vmem>>) target(%dma_start3A_1173 : memref<1048576xf32, #tpu.memory_space<vmem_shared>>) offsets(%dma_start3A_1171 : memref<128xi32, #tpu.memory_space<vmem>>) semaphore(%arg13 : memref<!tpu.dma_semaphore, #tpu.memory_space<semaphore_mem>>) {add = true}
      %dma_start3A_1174 = arith.constant 62 : i32
      %dma_start3A_1175 = arith.constant 62 : i32
      %dma_start3A_1176 = arith.constant 0 : i32
      %dma_start3A_1177 = tpu.memref_slice %arg9[%dma_start3A_1174, %dma_start3A_1176] : memref<64x128xf32, #tpu.memory_space<vmem>> -> memref<1x128xf32, #tpu.memory_space<vmem>>
      %dma_start3A_1178 = tpu.memref_squeeze %dma_start3A_1177 : memref<1x128xf32, #tpu.memory_space<vmem>> -> memref<128xf32, #tpu.memory_space<vmem>>
      %dma_start3A_1179 = arith.constant 0 : i32
      %dma_start3A_1180 = tpu.memref_slice %arg8[%dma_start3A_1175, %dma_start3A_1179] : memref<64x128xi32, #tpu.memory_space<vmem>> -> memref<1x128xi32, #tpu.memory_space<vmem>>
      %dma_start3A_1181 = tpu.memref_squeeze %dma_start3A_1180 : memref<1x128xi32, #tpu.memory_space<vmem>> -> memref<128xi32, #tpu.memory_space<vmem>>
      %dma_start3A_1182 = arith.constant 0 : i32
      %dma_start3A_1183 = tpu.memref_slice %arg12[%dma_start3A_1182] : memref<1048576xf32, #tpu.memory_space<vmem_shared>> -> memref<1048576xf32, #tpu.memory_space<vmem_shared>>
      tpu.enqueue_indirect_dma source(%dma_start3A_1178 : memref<128xf32, #tpu.memory_space<vmem>>) target(%dma_start3A_1183 : memref<1048576xf32, #tpu.memory_space<vmem_shared>>) offsets(%dma_start3A_1181 : memref<128xi32, #tpu.memory_space<vmem>>) semaphore(%arg13 : memref<!tpu.dma_semaphore, #tpu.memory_space<semaphore_mem>>) {add = true}
      %dma_start3A_1184 = arith.constant 63 : i32
      %dma_start3A_1185 = arith.constant 63 : i32
      %dma_start3A_1186 = arith.constant 0 : i32
      %dma_start3A_1187 = tpu.memref_slice %arg9[%dma_start3A_1184, %dma_start3A_1186] : memref<64x128xf32, #tpu.memory_space<vmem>> -> memref<1x128xf32, #tpu.memory_space<vmem>>
      %dma_start3A_1188 = tpu.memref_squeeze %dma_start3A_1187 : memref<1x128xf32, #tpu.memory_space<vmem>> -> memref<128xf32, #tpu.memory_space<vmem>>
      %dma_start3A_1189 = arith.constant 0 : i32
      %dma_start3A_1190 = tpu.memref_slice %arg8[%dma_start3A_1185, %dma_start3A_1189] : memref<64x128xi32, #tpu.memory_space<vmem>> -> memref<1x128xi32, #tpu.memory_space<vmem>>
      %dma_start3A_1191 = tpu.memref_squeeze %dma_start3A_1190 : memref<1x128xi32, #tpu.memory_space<vmem>> -> memref<128xi32, #tpu.memory_space<vmem>>
      %dma_start3A_1192 = arith.constant 0 : i32
      %dma_start3A_1193 = tpu.memref_slice %arg12[%dma_start3A_1192] : memref<1048576xf32, #tpu.memory_space<vmem_shared>> -> memref<1048576xf32, #tpu.memory_space<vmem_shared>>
      tpu.enqueue_indirect_dma source(%dma_start3A_1188 : memref<128xf32, #tpu.memory_space<vmem>>) target(%dma_start3A_1193 : memref<1048576xf32, #tpu.memory_space<vmem_shared>>) offsets(%dma_start3A_1191 : memref<128xi32, #tpu.memory_space<vmem>>) semaphore(%arg13 : memref<!tpu.dma_semaphore, #tpu.memory_space<semaphore_mem>>) {add = true}
    }
    %scan3A_148 = arith.constant 16 : i32
    %dma_wait3A_149 = arith.constant 0 : i32
    %dma_wait3A_150 = tpu.memref_slice %arg7[%dma_wait3A_149] : memref<8192xf32, #tpu.memory_space<vmem>> -> memref<4096xf32, #tpu.memory_space<vmem>>
    %dma_wait3A_151 = arith.constant 0 : i32
    %dma_wait3A_152 = tpu.memref_slice %arg3[%dma_wait3A_151] : memref<4194304xf32, #tpu.memory_space<hbm>> -> memref<4096xf32, #tpu.memory_space<hbm>>
    %dma_wait3A_153 = arith.constant 0 : i32
    %dma_wait3A_154 = tpu.memref_slice %arg7[%dma_wait3A_153] : memref<8192xf32, #tpu.memory_space<vmem>> -> memref<4096xf32, #tpu.memory_space<vmem>>
    %dma_wait3A_155 = arith.constant 0 : i32
    %dma_wait3A_156 = tpu.memref_slice %arg3[%dma_wait3A_155] : memref<4194304xf32, #tpu.memory_space<hbm>> -> memref<4096xf32, #tpu.memory_space<hbm>>
    tpu.wait_dma2 semaphore(%arg13 : memref<!tpu.dma_semaphore, #tpu.memory_space<semaphore_mem>>) src(%dma_wait3A_156 : memref<4096xf32, #tpu.memory_space<hbm>>) dst(%dma_wait3A_154 : memref<4096xf32, #tpu.memory_space<vmem>>)
    %barrier3A_157 = arith.constant 0 : index
    tpu.barrier barrier_id(%barrier3A_157)
    %mul3A_158 = arith.constant 65536 : i32
    %mul3A_159 = arith.muli %arg1, %mul3A_158 : i32
    %add3A_160 = arith.constant 0 : i32
    %add3A_161 = arith.addi %mul3A_159, %add3A_160 : i32
    %mul3A_162 = arith.constant 65536 : i32
    %mul3A_163 = arith.muli %arg1, %mul3A_162 : i32
    %add3A_164 = arith.constant 0 : i32
    %add3A_165 = arith.addi %mul3A_163, %add3A_164 : i32
    %dma_start3A_166 = tpu.memref_slice %arg5[%arg0, %add3A_165] : memref<2x1048576xf32, #tpu.memory_space<hbm>> -> memref<1x16384xf32, #tpu.memory_space<hbm>>
    %dma_start3A_167 = tpu.memref_squeeze %dma_start3A_166 : memref<1x16384xf32, #tpu.memory_space<hbm>> -> memref<16384xf32, #tpu.memory_space<hbm>>
    %dma_start3A_168 = tpu.memref_slice %arg12[%add3A_161] : memref<1048576xf32, #tpu.memory_space<vmem_shared>> -> memref<16384xf32, #tpu.memory_space<vmem_shared>>
    tpu.enqueue_dma source(%dma_start3A_168 : memref<16384xf32, #tpu.memory_space<vmem_shared>>) target(%dma_start3A_167 : memref<16384xf32, #tpu.memory_space<hbm>>) target_semaphore(%arg13 : memref<!tpu.dma_semaphore, #tpu.memory_space<semaphore_mem>>)
    %mul3A_169 = arith.constant 65536 : i32
    %mul3A_170 = arith.muli %arg1, %mul3A_169 : i32
    %add3A_171 = arith.constant 16384 : i32
    %add3A_172 = arith.addi %mul3A_170, %add3A_171 : i32
    %mul3A_173 = arith.constant 65536 : i32
    %mul3A_174 = arith.muli %arg1, %mul3A_173 : i32
    %add3A_175 = arith.constant 16384 : i32
    %add3A_176 = arith.addi %mul3A_174, %add3A_175 : i32
    %dma_start3A_177 = tpu.memref_slice %arg5[%arg0, %add3A_176] : memref<2x1048576xf32, #tpu.memory_space<hbm>> -> memref<1x16384xf32, #tpu.memory_space<hbm>>
    %dma_start3A_178 = tpu.memref_squeeze %dma_start3A_177 : memref<1x16384xf32, #tpu.memory_space<hbm>> -> memref<16384xf32, #tpu.memory_space<hbm>>
    %dma_start3A_179 = tpu.memref_slice %arg12[%add3A_172] : memref<1048576xf32, #tpu.memory_space<vmem_shared>> -> memref<16384xf32, #tpu.memory_space<vmem_shared>>
    tpu.enqueue_dma source(%dma_start3A_179 : memref<16384xf32, #tpu.memory_space<vmem_shared>>) target(%dma_start3A_178 : memref<16384xf32, #tpu.memory_space<hbm>>) target_semaphore(%arg13 : memref<!tpu.dma_semaphore, #tpu.memory_space<semaphore_mem>>)
    %mul3A_180 = arith.constant 65536 : i32
    %mul3A_181 = arith.muli %arg1, %mul3A_180 : i32
    %add3A_182 = arith.constant 32768 : i32
    %add3A_183 = arith.addi %mul3A_181, %add3A_182 : i32
    %mul3A_184 = arith.constant 65536 : i32
    %mul3A_185 = arith.muli %arg1, %mul3A_184 : i32
    %add3A_186 = arith.constant 32768 : i32
    %add3A_187 = arith.addi %mul3A_185, %add3A_186 : i32
    %dma_start3A_188 = tpu.memref_slice %arg5[%arg0, %add3A_187] : memref<2x1048576xf32, #tpu.memory_space<hbm>> -> memref<1x16384xf32, #tpu.memory_space<hbm>>
    %dma_start3A_189 = tpu.memref_squeeze %dma_start3A_188 : memref<1x16384xf32, #tpu.memory_space<hbm>> -> memref<16384xf32, #tpu.memory_space<hbm>>
    %dma_start3A_190 = tpu.memref_slice %arg12[%add3A_183] : memref<1048576xf32, #tpu.memory_space<vmem_shared>> -> memref<16384xf32, #tpu.memory_space<vmem_shared>>
    tpu.enqueue_dma source(%dma_start3A_190 : memref<16384xf32, #tpu.memory_space<vmem_shared>>) target(%dma_start3A_189 : memref<16384xf32, #tpu.memory_space<hbm>>) target_semaphore(%arg13 : memref<!tpu.dma_semaphore, #tpu.memory_space<semaphore_mem>>)
    %mul3A_191 = arith.constant 65536 : i32
    %mul3A_192 = arith.muli %arg1, %mul3A_191 : i32
    %add3A_193 = arith.constant 49152 : i32
    %add3A_194 = arith.addi %mul3A_192, %add3A_193 : i32
    %mul3A_195 = arith.constant 65536 : i32
    %mul3A_196 = arith.muli %arg1, %mul3A_195 : i32
    %add3A_197 = arith.constant 49152 : i32
    %add3A_198 = arith.addi %mul3A_196, %add3A_197 : i32
    %dma_start3A_199 = tpu.memref_slice %arg5[%arg0, %add3A_198] : memref<2x1048576xf32, #tpu.memory_space<hbm>> -> memref<1x16384xf32, #tpu.memory_space<hbm>>
    %dma_start3A_200 = tpu.memref_squeeze %dma_start3A_199 : memref<1x16384xf32, #tpu.memory_space<hbm>> -> memref<16384xf32, #tpu.memory_space<hbm>>
    %dma_start3A_201 = tpu.memref_slice %arg12[%add3A_194] : memref<1048576xf32, #tpu.memory_space<vmem_shared>> -> memref<16384xf32, #tpu.memory_space<vmem_shared>>
    tpu.enqueue_dma source(%dma_start3A_201 : memref<16384xf32, #tpu.memory_space<vmem_shared>>) target(%dma_start3A_200 : memref<16384xf32, #tpu.memory_space<hbm>>) target_semaphore(%arg13 : memref<!tpu.dma_semaphore, #tpu.memory_space<semaphore_mem>>)
    %dma_wait3A_202 = tpu.memref_slice %arg5[%arg0, %add3A_165] : memref<2x1048576xf32, #tpu.memory_space<hbm>> -> memref<1x16384xf32, #tpu.memory_space<hbm>>
    %dma_wait3A_203 = tpu.memref_squeeze %dma_wait3A_202 : memref<1x16384xf32, #tpu.memory_space<hbm>> -> memref<16384xf32, #tpu.memory_space<hbm>>
    %dma_wait3A_204 = tpu.memref_slice %arg12[%add3A_161] : memref<1048576xf32, #tpu.memory_space<vmem_shared>> -> memref<16384xf32, #tpu.memory_space<vmem_shared>>
    tpu.wait_dma2 semaphore(%arg13 : memref<!tpu.dma_semaphore, #tpu.memory_space<semaphore_mem>>) src(%dma_wait3A_204 : memref<16384xf32, #tpu.memory_space<vmem_shared>>) dst(%dma_wait3A_203 : memref<16384xf32, #tpu.memory_space<hbm>>)
    %dma_wait3A_205 = tpu.memref_slice %arg5[%arg0, %add3A_176] : memref<2x1048576xf32, #tpu.memory_space<hbm>> -> memref<1x16384xf32, #tpu.memory_space<hbm>>
    %dma_wait3A_206 = tpu.memref_squeeze %dma_wait3A_205 : memref<1x16384xf32, #tpu.memory_space<hbm>> -> memref<16384xf32, #tpu.memory_space<hbm>>
    %dma_wait3A_207 = tpu.memref_slice %arg12[%add3A_172] : memref<1048576xf32, #tpu.memory_space<vmem_shared>> -> memref<16384xf32, #tpu.memory_space<vmem_shared>>
    tpu.wait_dma2 semaphore(%arg13 : memref<!tpu.dma_semaphore, #tpu.memory_space<semaphore_mem>>) src(%dma_wait3A_207 : memref<16384xf32, #tpu.memory_space<vmem_shared>>) dst(%dma_wait3A_206 : memref<16384xf32, #tpu.memory_space<hbm>>)
    %dma_wait3A_208 = tpu.memref_slice %arg5[%arg0, %add3A_187] : memref<2x1048576xf32, #tpu.memory_space<hbm>> -> memref<1x16384xf32, #tpu.memory_space<hbm>>
    %dma_wait3A_209 = tpu.memref_squeeze %dma_wait3A_208 : memref<1x16384xf32, #tpu.memory_space<hbm>> -> memref<16384xf32, #tpu.memory_space<hbm>>
    %dma_wait3A_210 = tpu.memref_slice %arg12[%add3A_183] : memref<1048576xf32, #tpu.memory_space<vmem_shared>> -> memref<16384xf32, #tpu.memory_space<vmem_shared>>
    tpu.wait_dma2 semaphore(%arg13 : memref<!tpu.dma_semaphore, #tpu.memory_space<semaphore_mem>>) src(%dma_wait3A_210 : memref<16384xf32, #tpu.memory_space<vmem_shared>>) dst(%dma_wait3A_209 : memref<16384xf32, #tpu.memory_space<hbm>>)
    %dma_wait3A_211 = tpu.memref_slice %arg5[%arg0, %add3A_198] : memref<2x1048576xf32, #tpu.memory_space<hbm>> -> memref<1x16384xf32, #tpu.memory_space<hbm>>
    %dma_wait3A_212 = tpu.memref_squeeze %dma_wait3A_211 : memref<1x16384xf32, #tpu.memory_space<hbm>> -> memref<16384xf32, #tpu.memory_space<hbm>>
    %dma_wait3A_213 = tpu.memref_slice %arg12[%add3A_194] : memref<1048576xf32, #tpu.memory_space<vmem_shared>> -> memref<16384xf32, #tpu.memory_space<vmem_shared>>
    tpu.wait_dma2 semaphore(%arg13 : memref<!tpu.dma_semaphore, #tpu.memory_space<semaphore_mem>>) src(%dma_wait3A_213 : memref<16384xf32, #tpu.memory_space<vmem_shared>>) dst(%dma_wait3A_212 : memref<16384xf32, #tpu.memory_space<hbm>>)
    return
  }
}

</mosaic_0001>

<sc_bundles>
// kernel: _sc_accumulate.3.cloned.1.call-start
scs
__scs_entry_jumppad:
0x0: {  	(pc) =	sbr.rel $0x88, $3  }
0x1: {  	(tag) =	ssettag $0x0;
	lr =	simm.s32 $0x1  }
0x2: {  	[smem:$0x3F9E] =	sst lr;
	_ =	strace $0xD0000000  }
0x3: {  	_ = 	snop  }
0x4: {  	_ = 	snop  }
0x5: {  	_ = 	snop  }
0x6: {  	_ = 	snop  }
0x7: {  	_ = 	snop  }
__scs_overlays_trampoline_lowered:
0x8: {  	[smem:$0x3FAD] =	sst s0  }
0x9: {  	[smem:$0x3FAE] =	sst s1  }
0xa: {  	[smem:$0x3FAF] =	sst s2  }
0xb: {  	[smem:$0x3FB0] =	sst s3  }
0xc: {  	[smem:$0x3FB1] =	sst s4  }
0xd: {  	[smem:$0x3FB2] =	sst s5  }
0xe: {  	[smem:$0x3FB3] =	sst s6  }
0xf: {  	[smem:$0x3FB4] =	sst s7  }
0x10: {  	[smem:$0x3FB5] =	sst s8  }
0x11: {  	[smem:$0x3FB6] =	sst s9;
	s0 =	simm.s32 @!p0 $0x0  }
0x12: {  	s1 =	sld [smem:$0x3F9C];
	s0 =	simm.s32 @p0 $0x1  }
0x13: {  	[smem:$0x3FB7] =	sst s0;
	s0 =	simm.s32 @!p1 $0x0  }
0x14: {  	s2 =	sld [smem:$0x3F9B];
	s0 =	simm.s32 @p1 $0x1  }
0x15: {  	[smem:$0x3FB8] =	sst s0;
	s0 =	simm.s32 @!p2 $0x0  }
0x16: {  	s3 =	sld [smem:$0x3FDB];
	s0 =	simm.s32 @p2 $0x1  }
0x17: {  	s4 =	simm.s32 $0x1BF5;
	[smem:$0x3FBA] =	sst s0  }
0x18: {  	s0 =	sld [smem:$0x3F9D];
	_ =	swait.ge [sflag:s4], $0x0  }
0x19: {  	s7 =	sld [smem:$0x3F9E]  }
0x1a: {  	s8 =	sadd.s32 $0xFFFFE003, lr  }
0x1b: {  	s9 =	sadd.s32 $0xFFFFFEF7, lr;
	s5 =	simm.s32 $0xFFFFFFFF;
	p2 =	slt.u32 s8, $0xFFFFF086  }
0x1c: {  	p1 =	slt.u32 s9, $0xF7A;
	s5 =	simm.s32 @!p2 $0x0  }
0x1d: {  	s5 =	simm.s32 @p1 $0x1;
	p0 =	seq.s32 s7, s2  }
0x1e: {  	s7 =	smul.u32 @!p0 $0xF7A, s2;
	p2 =	seq.s32 @!p0 s5, $0x0  }
0x1f: {  	s9 =	smul.u32 $0xF7A, s1;
	s8 =	simm.s32 @!p0 $0x1BF5;
	p2 =	por !p2, p0  }
0x20: {  	[sflag:s8] =	ssyncset.s32 @!p0 $0xFFFFF086;
	s6 =	sadd.s32 @!p0 s3, s7;
	s7 =	simm.s32 @!p0 $0x108  }
0x21: {  	s3 =	sadd.s32 s3, s9;
	s6 =	sadd.s32 @!p0 $0x88, s6;
	s7 =	simm.s32 @p2 $0x1082  }
0x22: {  	[simem:s7], [sflag:s8] =	dma.local @!p0 [hbm:s6], $0xF7A  }
0x23: {  	s9 =	sor.u32 $0xD0000000, s2;
	s6 =	simm.s32 $0x108;
	_ =	swait.ge @!p0 [sflag:s8], $0x0  }
0x24: {  	s3 =	sadd.s32 $0x88, s3;
	s6 =	simm.s32 @!p1 $0x1082;
	[sflag:s4] =	ssyncset.s32 $0xFFFFF086  }
0x25: {  	[simem:s6], [sflag:s4] =	dma.local [hbm:s3], $0xF7A  }
0x26: {  	[smem:$0x3F9E] =	sst s1;
	(tag) =	ssettag s2;
	_ =	strace s9  }
0x27: {  	s1 =	sld [smem:$0x3FAE]  }
0x28: {  	s2 =	sld [smem:$0x3FAF]  }
0x29: {  	s4 =	sld [smem:$0x3FB1]  }
0x2a: {  	p0 =	seq.s32 s5, $0x0;
	s5 =	sld [smem:$0x3FB2]  }
0x2b: {  	s6 =	sld [smem:$0x3FB3]  }
0x2c: {  	s7 =	sld [smem:$0x3FB4]  }
0x2d: {  	s3 =	simm.s32 $0x108;
	s8 =	sld [smem:$0x3FB5]  }
0x2e: {  	s3 =	simm.s32 @!p0 $0x1082;
	s9 =	sld [smem:$0x3FB6]  }
0x2f: {  	lr =	sadd.s32 s0, s3;
	s0 =	sld [smem:$0x3FAD]  }
0x30: {  	s3 =	sld [smem:$0x3FB0]  }
0x31: {  	[smem:$0x3FB9] =	sst s10  }
0x32: {  	s10 =	sld [smem:$0x3FB7];
	_ =	sdelay $0x3  }
0x33: {  	p0 =	seq.s32 s10, $0x1;
	s10 =	sld [smem:$0x3FB9];
	_ =	sdelay $0x3  }
0x34: {  	[smem:$0x3FB9] =	sst s10  }
0x35: {  	s10 =	sld [smem:$0x3FB8];
	_ =	sdelay $0x3  }
0x36: {  	p1 =	seq.s32 s10, $0x1;
	s10 =	sld [smem:$0x3FB9];
	_ =	sdelay $0x3  }
0x37: {  	[smem:$0x3FB9] =	sst s10  }
0x38: {  	s10 =	sld [smem:$0x3FBA]  }
0x39: {  	_ = 	snop;
	(pc) =	sbr.ind lr, $3  }
0x3a: {  	_ = 	snop  }
0x3b: {  	_ = 	snop  }
0x3c: {  	p2 =	seq.s32 s10, $0x1;
	s10 =	sld [smem:$0x3FB9]  }
0x3d: {  	_ =	shalt  }
0x3e: {  	_ =	shalt  }
0x3f: {  	_ =	shalt  }
0x40: {  	_ =	shalt  }
0x41: {  	_ =	shalt  }
0x42: {  	_ =	shalt  }
0x43: {  	_ =	shalt  }
0x44: {  	_ =	shalt  }
0x45: {  	_ =	shalt  }
0x46: {  	_ =	shalt  }
0x47: {  	_ =	shalt  }
0x48: {  	_ =	shalt  }
0x49: {  	_ =	shalt  }
0x4a: {  	_ =	shalt  }
0x4b: {  	_ =	shalt  }
0x4c: {  	_ =	shalt  }
0x4d: {  	_ =	shalt  }
0x4e: {  	_ =	shalt  }
0x4f: {  	_ =	shalt  }
0x50: {  	_ =	shalt  }
0x51: {  	_ =	shalt  }
0x52: {  	_ =	shalt  }
0x53: {  	_ =	shalt  }
0x54: {  	_ =	shalt  }
0x55: {  	_ =	shalt  }
0x56: {  	_ =	shalt  }
0x57: {  	_ =	shalt  }
0x58: {  	_ =	shalt  }
0x59: {  	_ =	shalt  }
0x5a: {  	_ =	shalt  }
0x5b: {  	_ =	shalt  }
0x5c: {  	_ =	shalt  }
0x5d: {  	_ =	shalt  }
0x5e: {  	_ =	shalt  }
0x5f: {  	_ =	shalt  }
0x60: {  	_ =	shalt  }
0x61: {  	_ =	shalt  }
0x62: {  	_ =	shalt  }
0x63: {  	_ =	shalt  }
0x64: {  	_ =	shalt  }
0x65: {  	_ =	shalt  }
0x66: {  	_ =	shalt  }
0x67: {  	_ =	shalt  }
0x68: {  	_ =	shalt  }
0x69: {  	_ =	shalt  }
0x6a: {  	_ =	shalt  }
0x6b: {  	_ =	shalt  }
0x6c: {  	_ =	shalt  }
0x6d: {  	_ =	shalt  }
0x6e: {  	_ =	shalt  }
0x6f: {  	_ =	shalt  }
0x70: {  	_ =	shalt  }
0x71: {  	_ =	shalt  }
0x72: {  	_ =	shalt  }
0x73: {  	_ =	shalt  }
0x74: {  	_ =	shalt  }
0x75: {  	_ =	shalt  }
0x76: {  	_ =	shalt  }
0x77: {  	_ =	shalt  }
0x78: {  	_ =	shalt  }
0x79: {  	_ =	shalt  }
0x7a: {  	_ =	shalt  }
0x7b: {  	_ =	shalt  }
0x7c: {  	_ =	shalt  }
0x7d: {  	_ =	shalt  }
0x7e: {  	_ =	shalt  }
0x7f: {  	_ =	shalt  }
0x80: {  	_ =	shalt  }
0x81: {  	_ =	shalt  }
0x82: {  	_ =	shalt  }
0x83: {  	_ =	shalt  }
0x84: {  	_ =	shalt  }
0x85: {  	_ =	shalt  }
0x86: {  	_ =	shalt  }
0x87: {  	_ =	shalt  }
.Lfunc_end0:
.L_simem_size_0:
called_computation_lowered:
.L_overlay_start_0:
0x88: {  	s2 =	sld [smem:$0x3FD9]  }
0x89: {  	s3 =	sld [smem:$0x3FFE];
	_ =	sdelay $0x1  }
0x8a: {  	s1 =	srdreg.scid  }
0x8b: {  	s0 =	sand.u32 $0x1, s1  }
0x8c: {  	s18 =	sshll.u32 s0, $0xA;
	s2 =	sadd.s32 s3, s2  }
0x8d: {  	s2 =	sadd.s32 s2, s18  }
0x8e: {  	[smem:$0x3FC5] =	sst s2  }
0x8f: {  	_ = 	snop  }
0x90: {  	s2 =	sld [smem:$0x3FC9]  }
0x91: {  	s19 =	sld [smem:$0x3FC8]  }
0x92: {  	s4 =	sld [smem:$0x3FC7]  }
0x93: {  	s5 =	sld [smem:$0x3FD0];
	(tm) =	ssettm $0x1  }
0x94: {  	s6 =	sld [smem:$0x3FFB];
	_ =	sdelay $0x3  }
0x95: {  	_ =	strace s6  }
0x96: {  	s6 =	sld [smem:$0x3FFC];
	_ =	sdelay $0x3  }
0x97: {  	_ =	strace s6  }
0x98: {  	s6 =	sld [smem:$0x3FFD];
	_ =	sdelay $0x3  }
0x99: {  	_ =	strace s6  }
0x9a: {  	_ =	strace $0x8FFFFFFF  }
0x9b: {  	s20 =	sld [smem:$0x3FDB];
	_ =	sdelay $0x1  }
0x9c: {  	s7 =	simm.s32 $_scs_section_size  }
0x9d: {  	s8 =	simm.s32 $_size__tile_overlayer_lowered;
	s9 =	simm.s32 $_tile_overlayer_lowered  }
0x9e: {  	s23 =	simm.s32 $0x1BFF;
	s22 =	sshll.u32 s9, $0x1;
	s6 =	sadd.s32 s7, s20  }
0x9f: {  	s10 =	simm.s32 $0x0;
	s21 =	sshll.u32 s8, $0x1;
	s8 =	sadd.s32 s22, s6  }
0xa0: {  	[timem:s10], [sflag:s23] =	dma.local [hbm:s8], s21  }
0xa1: {  	_ =	swait.ge [sflag:s23], s21  }
0xa2: {  	s7 =	ssub.s32 $0x0, s21;
	[sflag:s23] =	ssyncset.done $0x0  }
0xa3: {  	[sflag:s23] =	ssyncadd.s32 s7;
	_ =	sdelay $0x1  }
0xa4: {  	s24 =	simm.s32 $0x1B8B  }
0xa5: {  	_ =	swait.ge [sflag:s24], $0x1  }
0xa6: {  	[sflag:s24] =	ssyncset.done $0x0  }
0xa7: {  	s25 =	simm.s32 $0x1B8E;
	[sflag:s24] =	ssyncadd.s32 $0xFFFFFFFF  }
0xa8: {  	s26 =	simm.s32 $execute0_lowered;
	[smem:$0x3FD2] =	sst s25  }
0xa9: {  	s7 =	sshll.u32 s26, $0x1;
	_ =	strace $0x80000046;
	[dreg:$0x1] =	wrdreg $0xFFFFFFFF  }
0xaa: {  	s28 =	simm.s32 $_size_execute0_lowered;
	s6 =	sadd.s32 s6, s7;
	[dreg:$0x0] =	wrdreg $0x0  }
0xab: {  	s7 =	sshll.u32 s28, $0x1;
	[dreg:$0x2] =	wrdreg s6  }
0xac: {  	[dreg:$0x3] =	wrdreg s7  }
0xad: {  	[dreg:$0x4] =	wrdreg $0xC0  }
0xae: {  	_ =	task [dreg:s10], $0x5FFFF  }
0xaf: {  	[dreg:$0x1] =	wrdreg $0xFFFFFFFF  }
0xb0: {  	[dreg:$0x0] =	wrdreg $0x60  }
0xb1: {  	[dreg:$0x2] =	wrdreg s2  }
0xb2: {  	[dreg:$0x3] =	wrdreg s19  }
0xb3: {  	[dreg:$0x4] =	wrdreg s4  }
0xb4: {  	[dreg:$0x5] =	wrdreg s5  }
0xb5: {  	[dreg:$0x6] =	wrdreg $0x90800  }
0xb6: {  	[dreg:$0x7] =	wrdreg $0x9  }
0xb7: {  	_ =	task.clear_ibuf [dreg:s10], $0x8FFFF;
	_ =	strace $0x90000046  }
0xb8: {  	s29 =	simm.s32 $0x9;
	_ =	strace $0x80000048  }
0xb9: {  	_ =	swait.ge [sflag:s29], $0x1  }
0xba: {  	[sflag:s29] =	ssyncadd.s32 $0xFFFFFFFF  }
0xbb: {  	_ =	strace $0x90000048  }
0xbc: {  	_ =	sfence  }
0xbd: {  	s30 =	sld [smem:$0x0];
	_ =	sdelay $0x2  }
0xbe: {  	s31 =	sshll.u32 s1, $0xD;
	s1 =	sshrl.u32 s1, $0x2  }
0xbf: {  	s3 =	sand.u32 $0x4000, s31;
	s1 =	sadd.s32 s1, s30  }
0xc0: {  	s0 =	sor.u32 s3, s0;
	s1 =	sshll.u32 s1, $0x11  }
0xc1: {  	s0 =	sor.u32 s1, s0  }
0xc2: {  	s0 =	sadd.s32 $0x8F2B, s0  }
0xc3: {  	[sflag:s0] =	ssyncadd.remote.s32 $0x1  }
0xc4: {  	_ =	sfence.sel $0xFFFF  }
0xc5: {  	[dreg:$0x0] =	wrdreg $0xFFFFFFFF;
	(pc) =	sbr.abs _section_cstart, $3  }
0xc6: {  	[dreg:$0x1] =	wrdreg $0xFFFFFFFF  }
0xc7: {  	_ =	task.clear_ibuf [dreg:s10], $0x2FFFF;
	_ =	strace $0x9FFFFFFF  }
0xc8: {  	(tm) =	ssettm $0x7FFFFFFF  }
0xc9: {  	_ =	shalt  }
tec
execute0_lowered:
.L_overlay_start_1:
0x0: {  	(tag) =	ssettag $0x1  }
0x1: {  	s0 =	rddreg [dreg:$0x3]  }
0x2: {  	s4 =	rddreg [dreg:$0x4];
	s2 =	simm.s32 $0x0  }
0x3: {  	s1 =	srdreg.scid;
	s9 =	stileid.u32;
	s31 =	simm.s32 $0x2  }
0x4: {  	s30 =	simm.s32 $0x80;
	s28 =	simm.s32 $0x5E00;
	s29 =	simm.s32 $0x7E00  }
0x5: {  	[smem:$0x7FF] =	sst s2;
	s1 =	sand.u32 $0x1, s1;
	s3 =	sshll.u32 s9, $0x10  }
0x6: {  	s24 =	sshll.u32 s9, $0x9;
	_ =	strace $0x80000047;
	s23 =	ssub.s32 $0x2, s1  }
0x7: {  	s10 =	sadd.s32 s3, s4;
	s26 =	sor.u32 $0x80, s24;
	s13 =	sor.u32 $0x100, s24  }
0x8: {  	s17 =	sshll.u32 s1, $0x12;
	s1 =	sshll.u32 s1, $0x7;
	s3 =	sor.u32 $0x180, s24  }
0x9: {  	s5 =	sshrl.u32 s23, $0x1;
	s25 =	sadd.s32 $0x1000, s10;
	[dreg:$0x6] =	wrdreg s10  }
0xa: {  	s6 =	sadd.s32 $0x2000, s10;
	s8 =	sadd.s32 $0x3000, s10;
	[dreg:$0x7] =	wrdreg s25  }
0xb: {  	s11 =	sshll.u32 s26, $0x7;
	s12 =	sadd.s32 $0x5000, s10;
	[dreg:$0x8] =	wrdreg s6  }
0xc: {  	s7 =	sadd.s32 $0x6000, s10;
	s14 =	sadd.s32 $0x7000, s10;
	[dreg:$0x9] =	wrdreg s8  }
0xd: {  	s15 =	sshll.u32 s13, $0x7;
	s16 =	sadd.s32 $0x9000, s10;
	[dreg:$0xb] =	wrdreg s12  }
0xe: {  	s19 =	sshll.u32 s3, $0x8;
	s20 =	sadd.s32 $0xA000, s10;
	[dreg:$0xc] =	wrdreg s7  }
0xf: {  	s3 =	sshll.u32 s3, $0x7;
	s22 =	sadd.s32 $0xB000, s10;
	[dreg:$0xd] =	wrdreg s14  }
0x10: {  	s24 =	sadd.s32 $0xD000, s10;
	s2 =	ssub.s32 s23, s5;
	[dreg:$0xf] =	wrdreg s16  }
0x11: {  	s6 =	sadd.s32 s11, s4;
	s7 =	sadd.s32 s15, s4;
	[dreg:$0x10] =	wrdreg s20  }
0x12: {  	s8 =	sshll.u32 s9, $0xE;
	s9 =	sshll.u32 s9, $0x11;
	[dreg:$0x15] =	wrdreg s22  }
0x13: {  	s5 =	sshll.u32 s26, $0x8;
	[dreg:$0x18] =	wrdreg s24;
	s25 =	sadd.s32 $0xE000, s10  }
0x14: {  	s26 =	sadd.s32 $0xF000, s10;
	s10 =	simm.s32 $0x7A80;
	s12 =	simm.s32 $0x5B00  }
0x15: {  	s14 =	simm.s32 $0x5B80;
	s16 =	simm.s32 $0x7B80;
	s20 =	simm.s32 $0x5C80  }
0x16: {  	s22 =	simm.s32 $0x5D00;
	s11 =	simm.s32 $0x5E80;
	[dreg:$0xa] =	wrdreg s6  }
0x17: {  	s15 =	simm.s32 $0x7E80;
	s24 =	simm.s32 $0x5F00;
	[dreg:$0xe] =	wrdreg s7  }
0x18: {  	s17 =	sor.u32 s8, s17;
	s18 =	sor.u32 s1, s9;
	s6 =	sshll.u32 s13, $0x8  }
0x19: {  	s5 =	sor.u32 s1, s5;
	s8 =	sadd.s32 s3, s4;
	[dreg:$0x19] =	wrdreg s25  }
0x1a: {  	s23 =	smax.u32 s2, $0x1;
	[dreg:$0x1a] =	wrdreg s26;
	s3 =	simm.s32 $0x1  }
0x1b: {  	s13 =	simm.s32 $0x7B00;
	s25 =	simm.s32 $0x5D80;
	s26 =	simm.s32 $0x7D80  }
0x1c: {  	s6 =	sor.u32 s1, s6;
	s1 =	sor.u32 s1, s19;
	s7 =	sshrl.u32 s18, $0x3  }
0x1d: {  	s5 =	sshrl.u32 s5, $0x3;
	[dreg:$0x17] =	wrdreg s23;
	s18 =	simm.s32 $0x5C00  }
0x1e: {  	s19 =	simm.s32 $0x7C00;
	[dreg:$0x16] =	wrdreg s8;
	s7 =	sadd.s32 s0, s7  }
0x1f: {  	s23 =	simm.s32 $0x7D00;
	s5 =	sadd.s32 s0, s5;
	[dreg:$0x11] =	wrdreg s7  }
0x20: {  	s6 =	sshrl.u32 s6, $0x3;
	s1 =	sshrl.u32 s1, $0x3;
	[dreg:$0x12] =	wrdreg s5  }
0x21: {  	s21 =	sadd.s32 s0, s6;
	s0 =	sadd.s32 s0, s1;
	s7 =	simm.s32 $0x7F00  }
0x22: {  	s1 =	simm.s32 $0x7F80;
	s5 =	simm.s32 $0x0;
	[dreg:$0x13] =	wrdreg s21  }
0x23: {  	[dreg:$0x14] =	wrdreg s0;
	s21 =	simm.s32 $0x7C80;
	s0 =	simm.s32 $0x5F80  }
.LBB2_1:
0x24: {  	[dreg:$0x1b] =	wrdreg s5  }
0x25: {  	s2 =	rddreg [dreg:$0x2];
	s9 =	simm.s32 $0x0;
	s6 =	simm.s32 $0x8000  }
0x26: {  	[tilespmem:s6], [sflag:$0x2] =	stream.linear.gather [hbm4b:s2+s9], $0x80, $0x38;
	[tilespmem:$0x19080] =	vst v63  }
0x27: {  	_ =	swait.ge [sflag:s31], $0x80  }
0x28: {  	[sflag:s31] =	ssyncset.done $0x0  }
0x29: {  	[sflag:s31] =	ssyncadd.s32 $0xFFFFFF80  }
0x2a: {  	v2 =	vld [tilespmem:$0x8020]  }
0x2b: {  	v3 =	vld [tilespmem:$0x8030];
	_ =	sdelay $0x2  }
0x2c: {  	v0 =	vld [tilespmem:$0x8000]  }
0x2d: {  	s5 =	simm.s32 $0x0;
	s2 =	simm.s32 $0x40;
	v1 =	vld [tilespmem:$0x8010]  }
.LBB2_2:
0x2e: {  	p0 =	sne.s32 s2, $0x3FC0;
	[tilespmem:s5+$0x8080] =	vst v3;
	s5 =	smov.u32 s2;
	s2 =	sadd.s32 $0x40, s2  }
.Ltmp0:
0x2f: {  	(pc) =	sbr.rel @p0 .LBB2_2-.Ltmp0, $2  }
0x30: {  	_ =	sdelay $0x2  }
0x31: {  	s5 =	sshra.s32 s5, $0x2  }
0x32: {  	[tilespmem:s5+$0x8080] =	vst v3;
	s2 =	rddreg [dreg:$0x6];
	s5 =	simm.s32 $0x8080  }
0x33: {  	[spmem:s2] =	stream.linear.scatter [tilespmem:s5], [sflag:$0x1], $0x1000, $0x38;
	[tilespmem:$0x19080] =	vst v63  }
0x34: {  	s9 =	rddreg [dreg:$0x7]  }
0x35: {  	[spmem:s9] =	stream.linear.scatter [tilespmem:s5], [sflag:$0x1], $0x1000, $0x38;
	[tilespmem:$0x19080] =	vst v63  }
0x36: {  	s6 =	rddreg [dreg:$0x8]  }
0x37: {  	[spmem:s6] =	stream.linear.scatter [tilespmem:s5], [sflag:$0x1], $0x1000, $0x38;
	[tilespmem:$0x19080] =	vst v63  }
0x38: {  	s9 =	rddreg [dreg:$0x9]  }
0x39: {  	[spmem:s9] =	stream.linear.scatter [tilespmem:s5], [sflag:$0x1], $0x1000, $0x38;
	[tilespmem:$0x19080] =	vst v63  }
0x3a: {  	s6 =	rddreg [dreg:$0xa]  }
0x3b: {  	[spmem:s6] =	stream.linear.scatter [tilespmem:s5], [sflag:$0x1], $0x1000, $0x38;
	[tilespmem:$0x19080] =	vst v63  }
0x3c: {  	s9 =	rddreg [dreg:$0xb]  }
0x3d: {  	[spmem:s9] =	stream.linear.scatter [tilespmem:s5], [sflag:$0x1], $0x1000, $0x38;
	[tilespmem:$0x19080] =	vst v63  }
0x3e: {  	s6 =	rddreg [dreg:$0xc]  }
0x3f: {  	[spmem:s6] =	stream.linear.scatter [tilespmem:s5], [sflag:$0x1], $0x1000, $0x38;
	[tilespmem:$0x19080] =	vst v63  }
0x40: {  	s9 =	rddreg [dreg:$0xd]  }
0x41: {  	[spmem:s9] =	stream.linear.scatter [tilespmem:s5], [sflag:$0x1], $0x1000, $0x38;
	[tilespmem:$0x19080] =	vst v63  }
0x42: {  	s6 =	rddreg [dreg:$0xe]  }
0x43: {  	[spmem:s6] =	stream.linear.scatter [tilespmem:s5], [sflag:$0x1], $0x1000, $0x38;
	[tilespmem:$0x19080] =	vst v63  }
0x44: {  	s9 =	rddreg [dreg:$0xf]  }
0x45: {  	[spmem:s9] =	stream.linear.scatter [tilespmem:s5], [sflag:$0x1], $0x1000, $0x38;
	[tilespmem:$0x19080] =	vst v63  }
0x46: {  	s6 =	rddreg [dreg:$0x10]  }
0x47: {  	[spmem:s6] =	stream.linear.scatter [tilespmem:s5], [sflag:$0x1], $0x1000, $0x38;
	[tilespmem:$0x19080] =	vst v63  }
0x48: {  	s9 =	rddreg [dreg:$0x15]  }
0x49: {  	[spmem:s9] =	stream.linear.scatter [tilespmem:s5], [sflag:$0x1], $0x1000, $0x38;
	[tilespmem:$0x19080] =	vst v63  }
0x4a: {  	_ = 	snop  }
0x4b: {  	[spmem:s8] =	stream.linear.scatter [tilespmem:s5], [sflag:$0x1], $0x1000, $0x38;
	[tilespmem:$0x19080] =	vst v63  }
0x4c: {  	s6 =	rddreg [dreg:$0x18]  }
0x4d: {  	[spmem:s6] =	stream.linear.scatter [tilespmem:s5], [sflag:$0x1], $0x1000, $0x38;
	[tilespmem:$0x19080] =	vst v63  }
0x4e: {  	s8 =	rddreg [dreg:$0x19]  }
0x4f: {  	[spmem:s8] =	stream.linear.scatter [tilespmem:s5], [sflag:$0x1], $0x1000, $0x38;
	[tilespmem:$0x19080] =	vst v63  }
0x50: {  	s9 =	rddreg [dreg:$0x1a]  }
0x51: {  	[spmem:s9] =	stream.linear.scatter [tilespmem:s5], [sflag:$0x1], $0x1000, $0x38;
	[tilespmem:$0x19080] =	vst v63  }
0x52: {  	_ =	swait.ge [sflag:s3], $0x1000  }
0x53: {  	[sflag:s3] =	ssyncset.done $0x0  }
0x54: {  	[sflag:s3] =	ssyncadd.s32 $0xFFFFF000  }
0x55: {  	_ =	swait.ge [sflag:s3], $0x1000  }
0x56: {  	[sflag:s3] =	ssyncset.done $0x0  }
0x57: {  	[sflag:s3] =	ssyncadd.s32 $0xFFFFF000  }
0x58: {  	_ =	swait.ge [sflag:s3], $0x1000  }
0x59: {  	[sflag:s3] =	ssyncset.done $0x0  }
0x5a: {  	[sflag:s3] =	ssyncadd.s32 $0xFFFFF000  }
0x5b: {  	_ =	swait.ge [sflag:s3], $0x1000  }
0x5c: {  	[sflag:s3] =	ssyncset.done $0x0  }
0x5d: {  	[sflag:s3] =	ssyncadd.s32 $0xFFFFF000  }
0x5e: {  	_ =	swait.ge [sflag:s3], $0x1000  }
0x5f: {  	[sflag:s3] =	ssyncset.done $0x0  }
0x60: {  	[sflag:s3] =	ssyncadd.s32 $0xFFFFF000  }
0x61: {  	_ =	swait.ge [sflag:s3], $0x1000  }
0x62: {  	[sflag:s3] =	ssyncset.done $0x0  }
0x63: {  	[sflag:s3] =	ssyncadd.s32 $0xFFFFF000  }
0x64: {  	_ =	swait.ge [sflag:s3], $0x1000  }
0x65: {  	[sflag:s3] =	ssyncset.done $0x0  }
0x66: {  	[sflag:s3] =	ssyncadd.s32 $0xFFFFF000  }
0x67: {  	_ =	swait.ge [sflag:s3], $0x1000  }
0x68: {  	[sflag:s3] =	ssyncset.done $0x0  }
0x69: {  	[sflag:s3] =	ssyncadd.s32 $0xFFFFF000  }
0x6a: {  	_ =	swait.ge [sflag:s3], $0x1000  }
0x6b: {  	[sflag:s3] =	ssyncset.done $0x0  }
0x6c: {  	[sflag:s3] =	ssyncadd.s32 $0xFFFFF000  }
0x6d: {  	_ =	swait.ge [sflag:s3], $0x1000  }
0x6e: {  	[sflag:s3] =	ssyncset.done $0x0  }
0x6f: {  	[sflag:s3] =	ssyncadd.s32 $0xFFFFF000  }
0x70: {  	_ =	swait.ge [sflag:s3], $0x1000  }
0x71: {  	[sflag:s3] =	ssyncset.done $0x0  }
0x72: {  	[sflag:s3] =	ssyncadd.s32 $0xFFFFF000  }
0x73: {  	_ =	swait.ge [sflag:s3], $0x1000  }
0x74: {  	[sflag:s3] =	ssyncset.done $0x0  }
0x75: {  	[sflag:s3] =	ssyncadd.s32 $0xFFFFF000  }
0x76: {  	_ =	swait.ge [sflag:s3], $0x1000  }
0x77: {  	[sflag:s3] =	ssyncset.done $0x0  }
0x78: {  	[sflag:s3] =	ssyncadd.s32 $0xFFFFF000  }
0x79: {  	_ =	swait.ge [sflag:s3], $0x1000  }
0x7a: {  	[sflag:s3] =	ssyncset.done $0x0  }
0x7b: {  	[sflag:s3] =	ssyncadd.s32 $0xFFFFF000  }
0x7c: {  	_ =	swait.ge [sflag:s3], $0x1000  }
0x7d: {  	[sflag:s3] =	ssyncset.done $0x0  }
0x7e: {  	[sflag:s3] =	ssyncadd.s32 $0xFFFFF000  }
0x7f: {  	_ =	swait.ge [sflag:s3], $0x1000  }
0x80: {  	[sflag:s3] =	ssyncset.done $0x0  }
0x81: {  	[sflag:s3] =	ssyncadd.s32 $0xFFFFF000  }
0x82: {  	s2 =	simm.s32 $0x0;
	s6 =	simm.s32 $0x0;
	[bflag:$0x0] =	sbarrier.arrive $0xFFFF  }
.LBB2_4:
0x83: {  	s5 =	sshll.u32 s6, $0xA  }
0x84: {  	s8 =	rddreg [dreg:$0x0];
	s5 =	sadd.s32 s17, s5  }
0x85: {  	s8 =	sadd.s32 s8, s5  }
0x86: {  	[tilespmem:s2], [sflag:$0x2] =	stream.linear.gather [hbm4b:s8+s2], $0x2000, $0x38;
	[tilespmem:$0x19080] =	vst v63  }
0x87: {  	_ =	swait.ge [sflag:s31], $0x2000  }
0x88: {  	[sflag:s31] =	ssyncset.done $0x0  }
0x89: {  	[sflag:s31] =	ssyncadd.s32 $0xFFFFE000  }
0x8a: {  	s9 =	rddreg [dreg:$0x1]  }
0x8b: {  	s5 =	sadd.s32 s9, s5;
	s9 =	simm.s32 $0x2000  }
0x8c: {  	[tilespmem:s9], [sflag:$0x2] =	stream.linear.gather [hbm4b:s5+s2], $0x2000, $0x38;
	[tilespmem:$0x19080] =	vst v63  }
0x8d: {  	_ =	swait.ge [sflag:s31], $0x2000  }
0x8e: {  	[sflag:s31] =	ssyncset.done $0x0  }
0x8f: {  	s5 =	simm.s32 $0x0;
	[sflag:s31] =	ssyncadd.s32 $0xFFFFE000  }
0x90: {  	v3 =	vld [tilespmem:s5+$0x2070];
	_ =	sdelay $0x1  }
0x91: {  	v6 =	vld [tilespmem:s5+$0x2000]  }
0x92: {  	v8 =	vld [tilespmem:s5+$0x2010]  }
0x93: {  	v9 =	vld [tilespmem:s5+$0x2020]  }
0x94: {  	v10 =	vld [tilespmem:s5+$0x2030];
	v4 =	vmul.f32 v3, v0  }
0x95: {  	v11 =	vld [tilespmem:s5+$0x2040]  }
0x96: {  	v7 =	vld [tilespmem:s5+$0x2060];
	v4 =	vadd.f32 v4, v1  }
0x97: {  	v14 =	vld [tilespmem:s5+$0x2050]  }
0x98: {  	v5 =	vmul.f32 v6, v0;
	v13 =	vmul.f32 v4, v3  }
0x99: {  	v12 =	vld [tilespmem:s5+$0x0];
	v16 =	vmul.f32 v8, v0;
	v18 =	vmul.f32 v9, v0  }
0x9a: {  	v15 =	vld [tilespmem:s5+$0x10];
	v19 =	vmul.f32 v10, v0;
	v20 =	vmul.f32 v11, v0;
	v13 =	vadd.f32 v13, v2  }
0x9b: {  	v21 =	vmul.f32 v7, v0;
	v17 =	vadd.f32 v5, v1;
	v5 =	vld [tilespmem:s5+$0x40];
	v16 =	vadd.f32 v16, v1  }
0x9c: {  	v18 =	vadd.f32 v18, v1;
	v19 =	vadd.f32 v19, v1;
	v3 =	vld [tilespmem:s5+$0x20];
	[tilespmem:s5+$0x6070] =	vst v13;
	v13 =	vmul.f32 v14, v0  }
0x9d: {  	v20 =	vadd.f32 v20, v1;
	v4 =	vld [tilespmem:s5+$0x30];
	v17 =	vmul.f32 v17, v6;
	v16 =	vmul.f32 v16, v8  }
0x9e: {  	v6 =	vld [tilespmem:s5+$0x50];
	v9 =	vmul.f32 v18, v9;
	v10 =	vmul.f32 v19, v10;
	v18 =	vadd.f32 v13, v1  }
0x9f: {  	[tilespmem:s5+$0x4000] =	vst v12;
	v8 =	vld [tilespmem:s5+$0x60];
	v12 =	vmul.f32 v20, v11;
	v11 =	vadd.f32 v21, v1;
	v13 =	vadd.f32 v17, v2  }
0xa0: {  	s8 =	simm.s32 $0x80;
	s9 =	simm.s32 $0x400;
	[tilespmem:s5+$0x4010] =	vst v15;
	v16 =	vadd.f32 v16, v2;
	v15 =	vadd.f32 v9, v2;
	v9 =	vld [tilespmem:s5+$0x70];
	v14 =	vmul.f32 v18, v14  }
.LBB2_5:
0xa1: {  	p0 =	sne.s32 s9, $0x3E00;
	v17 =	vld [tilespmem:s8+$0x2070];
	[tilespmem:s5+$0x6000] =	vst v13;
	v10 =	vadd.f32 v10, v2;
	v12 =	vadd.f32 v12, v2;
	v7 =	vmul.f32 v11, v7  }
0xa2: {  	v11 =	vld [tilespmem:s8+$0x2000];
	[tilespmem:s5+$0x6010] =	vst v16;
	v13 =	vadd.f32 v14, v2  }
0xa3: {  	v14 =	vld [tilespmem:s8+$0x2010];
	[tilespmem:s5+$0x6020] =	vst v15;
	v7 =	vadd.f32 v7, v2  }
0xa4: {  	v15 =	vld [tilespmem:s8+$0x2020];
	[tilespmem:s5+$0x6030] =	vst v10  }
0xa5: {  	v10 =	vld [tilespmem:s8+$0x2030];
	[tilespmem:s5+$0x6040] =	vst v12  }
0xa6: {  	v12 =	vld [tilespmem:s8+$0x2040];
	v16 =	vmul.f32 v17, v0;
	[tilespmem:s5+$0x6050] =	vst v13  }
0xa7: {  	v13 =	vmul.f32 v11, v0;
	v18 =	vld [tilespmem:s8+$0x2050];
	[tilespmem:s5+$0x6060] =	vst v7  }
0xa8: {  	v19 =	vmul.f32 v14, v0;
	v7 =	vld [tilespmem:s8+$0x2060];
	v16 =	vadd.f32 v16, v1;
	[tilespmem:s5+$0x4020] =	vst v3  }
0xa9: {  	v3 =	vadd.f32 v13, v1;
	v20 =	vld [tilespmem:s8+$0x0];
	v13 =	vmul.f32 v15, v0;
	[tilespmem:s5+$0x4030] =	vst v4  }
0xaa: {  	v19 =	vadd.f32 v19, v1;
	v21 =	vld [tilespmem:s8+$0x10];
	v4 =	vmul.f32 v10, v0;
	v16 =	vmul.f32 v16, v17;
	[tilespmem:s5+$0x4040] =	vst v5  }
0xab: {  	v11 =	vmul.f32 v3, v11;
	v13 =	vadd.f32 v13, v1;
	v3 =	vld [tilespmem:s8+$0x20];
	v5 =	vmul.f32 v12, v0;
	[tilespmem:s5+$0x4050] =	vst v6  }
.Ltmp1:
0xac: {  	v6 =	vadd.f32 v4, v1;
	v4 =	vld [tilespmem:s8+$0x30];
	v17 =	vmul.f32 v18, v0;
	v16 =	vadd.f32 v16, v2;
	[tilespmem:s5+$0x4060] =	vst v8;
	(pc) =	sbr.rel @p0 .LBB2_5-.Ltmp1, $4  }
0xad: {  	v14 =	vmul.f32 v19, v14;
	v8 =	vadd.f32 v5, v1;
	v5 =	vld [tilespmem:s8+$0x40];
	v19 =	vmul.f32 v7, v0;
	[tilespmem:s5+$0x4070] =	vst v9;
	s5 =	smov.u32 s8  }
0xae: {  	v9 =	vmul.f32 v13, v15;
	v10 =	vmul.f32 v6, v10;
	v17 =	vadd.f32 v17, v1;
	v6 =	vld [tilespmem:s5+$0x50];
	[tilespmem:s5+$0x6070] =	vst v16  }
0xaf: {  	v13 =	vadd.f32 v11, v2;
	[tilespmem:s5+$0x4000] =	vst v20;
	v12 =	vmul.f32 v8, v12;
	v11 =	vadd.f32 v19, v1;
	v8 =	vld [tilespmem:s5+$0x60]  }
0xb0: {  	s8 =	sshra.s32 s9, $0x2;
	s9 =	sadd.s32 $0x200, s9;
	v16 =	vadd.f32 v14, v2;
	v15 =	vadd.f32 v9, v2;
	[tilespmem:s5+$0x4010] =	vst v21;
	v14 =	vmul.f32 v17, v18;
	v9 =	vld [tilespmem:s5+$0x70]  }
0xb1: {  	v17 =	vld [tilespmem:s8+$0x2070];
	[tilespmem:s5+$0x6000] =	vst v13  }
0xb2: {  	v10 =	vadd.f32 v10, v2;
	v13 =	vld [tilespmem:s8+$0x2000];
	[tilespmem:s5+$0x6010] =	vst v16  }
0xb3: {  	v12 =	vadd.f32 v12, v2;
	v7 =	vmul.f32 v11, v7;
	v16 =	vld [tilespmem:s8+$0x2010];
	[tilespmem:s5+$0x6020] =	vst v15  }
0xb4: {  	v11 =	vadd.f32 v14, v2;
	v15 =	vld [tilespmem:s8+$0x2020];
	[tilespmem:s5+$0x6030] =	vst v10  }
0xb5: {  	v7 =	vadd.f32 v7, v2;
	v10 =	vld [tilespmem:s8+$0x2030];
	[tilespmem:s5+$0x6040] =	vst v12  }
0xb6: {  	v12 =	vld [tilespmem:s8+$0x2040];
	[tilespmem:s5+$0x6050] =	vst v11;
	v14 =	vmul.f32 v17, v0  }
0xb7: {  	v11 =	vld [tilespmem:s8+$0x2050];
	[tilespmem:s5+$0x6060] =	vst v7  }
0xb8: {  	v7 =	vld [tilespmem:s8+$0x2060];
	[tilespmem:s5+$0x4020] =	vst v3;
	v14 =	vadd.f32 v14, v1  }
0xb9: {  	v3 =	vld [tilespmem:s8+$0x0];
	[tilespmem:s5+$0x4030] =	vst v4  }
0xba: {  	v4 =	vld [tilespmem:s8+$0x10];
	[tilespmem:s5+$0x4040] =	vst v5;
	v14 =	vmul.f32 v14, v17  }
0xbb: {  	v5 =	vld [tilespmem:s8+$0x20];
	[tilespmem:s5+$0x4050] =	vst v6  }
0xbc: {  	v18 =	vmul.f32 v16, v0;
	v6 =	vld [tilespmem:s8+$0x30];
	[tilespmem:s5+$0x4060] =	vst v8;
	v14 =	vadd.f32 v14, v2  }
0xbd: {  	v17 =	vld [tilespmem:s8+$0x40];
	[tilespmem:s5+$0x4070] =	vst v9  }
0xbe: {  	v18 =	vadd.f32 v18, v1;
	v8 =	vmul.f32 v13, v0;
	[tilespmem:s8+$0x6070] =	vst v14  }
0xbf: {  	v20 =	vld [tilespmem:s8+$0x50];
	[tilespmem:s8+$0x4000] =	vst v3  }
0xc0: {  	v9 =	vmul.f32 v15, v0;
	v8 =	vadd.f32 v8, v1;
	v14 =	vmul.f32 v18, v16;
	v18 =	vld [tilespmem:s8+$0x60];
	[tilespmem:s8+$0x4010] =	vst v4  }
0xc1: {  	v19 =	vmul.f32 v10, v0;
	v21 =	vmul.f32 v12, v0;
	[tilespmem:s8+$0x4020] =	vst v5  }
0xc2: {  	v9 =	vadd.f32 v9, v1;
	v8 =	vmul.f32 v8, v13;
	[tilespmem:s8+$0x4030] =	vst v6  }
0xc3: {  	v3 =	vmul.f32 v11, v0;
	v16 =	vadd.f32 v21, v1;
	v13 =	vadd.f32 v19, v1;
	[tilespmem:s8+$0x4040] =	vst v17  }
0xc4: {  	v19 =	vmul.f32 v7, v0;
	v9 =	vmul.f32 v9, v15;
	v8 =	vadd.f32 v8, v2;
	[tilespmem:s8+$0x4050] =	vst v20  }
0xc5: {  	v3 =	vadd.f32 v3, v1;
	v4 =	vmul.f32 v13, v10;
	v10 =	vadd.f32 v14, v2;
	[tilespmem:s8+$0x4060] =	vst v18  }
0xc6: {  	v12 =	vmul.f32 v16, v12;
	v9 =	vadd.f32 v9, v2;
	[tilespmem:s8+$0x6000] =	vst v8  }
0xc7: {  	v13 =	vld [tilespmem:s8+$0x70];
	v14 =	vadd.f32 v19, v1;
	v3 =	vmul.f32 v3, v11;
	v4 =	vadd.f32 v4, v2;
	[tilespmem:s8+$0x6010] =	vst v10  }
0xc8: {  	v8 =	vadd.f32 v12, v2;
	[tilespmem:s8+$0x6020] =	vst v9  }
0xc9: {  	v7 =	vmul.f32 v14, v7;
	v3 =	vadd.f32 v3, v2;
	[tilespmem:s8+$0x6030] =	vst v4  }
0xca: {  	[tilespmem:s8+$0x6040] =	vst v8  }
0xcb: {  	v4 =	vadd.f32 v7, v2;
	[tilespmem:s8+$0x6050] =	vst v3  }
0xcc: {  	p0 =	seq.s32 s6, $0x0;
	[tilespmem:s8+$0x4070] =	vst v13  }
0xcd: {  	s5 =	simm.s32 @!p0 $0x1;
	[tilespmem:s8+$0x6060] =	vst v4  }
0xce: {  	_ =	swait.ge @!p0 [sflag:s5], $0x1000  }
0xcf: {  	[sflag:s5] =	ssyncset.done @!p0 $0x0  }
0xd0: {  	s9 =	simm.s32 $0x6000;
	s8 =	simm.s32 $0x4000;
	[sflag:s5] =	ssyncadd.s32 @!p0 $0xFFFFF000  }
0xd1: {  	[spmem:s4] =	stream.indirect.scatter.add.f32 [tilespmem:s9], [sflag:$0x1], $0x1, s8, s30, $0xb8;
	[tilespmem:$0x19080] =	vst v63  }
0xd2: {  	s8 =	simm.s32 $0x4080;
	s9 =	simm.s32 $0x6080  }
0xd3: {  	[spmem:s4] =	stream.indirect.scatter.add.f32 [tilespmem:s9], [sflag:$0x1], $0x1, s8, s30, $0xb8;
	[tilespmem:$0x19080] =	vst v63  }
0xd4: {  	s8 =	simm.s32 $0x4100;
	s9 =	simm.s32 $0x6100  }
0xd5: {  	[spmem:s4] =	stream.indirect.scatter.add.f32 [tilespmem:s9], [sflag:$0x1], $0x1, s8, s30, $0xb8;
	[tilespmem:$0x19080] =	vst v63  }
0xd6: {  	s8 =	simm.s32 $0x4180;
	s9 =	simm.s32 $0x6180  }
0xd7: {  	[spmem:s4] =	stream.indirect.scatter.add.f32 [tilespmem:s9], [sflag:$0x1], $0x1, s8, s30, $0xb8;
	[tilespmem:$0x19080] =	vst v63  }
0xd8: {  	s8 =	simm.s32 $0x4200;
	s9 =	simm.s32 $0x6200  }
0xd9: {  	[spmem:s4] =	stream.indirect.scatter.add.f32 [tilespmem:s9], [sflag:$0x1], $0x1, s8, s30, $0xb8;
	[tilespmem:$0x19080] =	vst v63  }
0xda: {  	s8 =	simm.s32 $0x4280;
	s9 =	simm.s32 $0x6280  }
0xdb: {  	[spmem:s4] =	stream.indirect.scatter.add.f32 [tilespmem:s9], [sflag:$0x1], $0x1, s8, s30, $0xb8;
	[tilespmem:$0x19080] =	vst v63  }
0xdc: {  	s8 =	simm.s32 $0x4300;
	s9 =	simm.s32 $0x6300  }
0xdd: {  	[spmem:s4] =	stream.indirect.scatter.add.f32 [tilespmem:s9], [sflag:$0x1], $0x1, s8, s30, $0xb8;
	[tilespmem:$0x19080] =	vst v63  }
0xde: {  	s8 =	simm.s32 $0x4380;
	s9 =	simm.s32 $0x6380  }
0xdf: {  	[spmem:s4] =	stream.indirect.scatter.add.f32 [tilespmem:s9], [sflag:$0x1], $0x1, s8, s30, $0xb8;
	[tilespmem:$0x19080] =	vst v63  }
0xe0: {  	s8 =	simm.s32 $0x4400;
	s9 =	simm.s32 $0x6400  }
0xe1: {  	[spmem:s4] =	stream.indirect.scatter.add.f32 [tilespmem:s9], [sflag:$0x1], $0x1, s8, s30, $0xb8;
	[tilespmem:$0x19080] =	vst v63  }
0xe2: {  	s8 =	simm.s32 $0x4480;
	s9 =	simm.s32 $0x6480  }
0xe3: {  	[spmem:s4] =	stream.indirect.scatter.add.f32 [tilespmem:s9], [sflag:$0x1], $0x1, s8, s30, $0xb8;
	[tilespmem:$0x19080] =	vst v63  }
0xe4: {  	s8 =	simm.s32 $0x4500;
	s9 =	simm.s32 $0x6500  }
0xe5: {  	[spmem:s4] =	stream.indirect.scatter.add.f32 [tilespmem:s9], [sflag:$0x1], $0x1, s8, s30, $0xb8;
	[tilespmem:$0x19080] =	vst v63  }
0xe6: {  	s8 =	simm.s32 $0x4580;
	s9 =	simm.s32 $0x6580  }
0xe7: {  	[spmem:s4] =	stream.indirect.scatter.add.f32 [tilespmem:s9], [sflag:$0x1], $0x1, s8, s30, $0xb8;
	[tilespmem:$0x19080] =	vst v63  }
0xe8: {  	s8 =	simm.s32 $0x4600;
	s9 =	simm.s32 $0x6600  }
0xe9: {  	[spmem:s4] =	stream.indirect.scatter.add.f32 [tilespmem:s9], [sflag:$0x1], $0x1, s8, s30, $0xb8;
	[tilespmem:$0x19080] =	vst v63  }
0xea: {  	s8 =	simm.s32 $0x4680;
	s9 =	simm.s32 $0x6680  }
0xeb: {  	[spmem:s4] =	stream.indirect.scatter.add.f32 [tilespmem:s9], [sflag:$0x1], $0x1, s8, s30, $0xb8;
	[tilespmem:$0x19080] =	vst v63  }
0xec: {  	s8 =	simm.s32 $0x4700;
	s9 =	simm.s32 $0x6700  }
0xed: {  	[spmem:s4] =	stream.indirect.scatter.add.f32 [tilespmem:s9], [sflag:$0x1], $0x1, s8, s30, $0xb8;
	[tilespmem:$0x19080] =	vst v63  }
0xee: {  	s8 =	simm.s32 $0x4780;
	s9 =	simm.s32 $0x6780  }
0xef: {  	[spmem:s4] =	stream.indirect.scatter.add.f32 [tilespmem:s9], [sflag:$0x1], $0x1, s8, s30, $0xb8;
	[tilespmem:$0x19080] =	vst v63  }
0xf0: {  	s8 =	simm.s32 $0x4800;
	s9 =	simm.s32 $0x6800  }
0xf1: {  	[spmem:s4] =	stream.indirect.scatter.add.f32 [tilespmem:s9], [sflag:$0x1], $0x1, s8, s30, $0xb8;
	[tilespmem:$0x19080] =	vst v63  }
0xf2: {  	s8 =	simm.s32 $0x4880;
	s9 =	simm.s32 $0x6880  }
0xf3: {  	[spmem:s4] =	stream.indirect.scatter.add.f32 [tilespmem:s9], [sflag:$0x1], $0x1, s8, s30, $0xb8;
	[tilespmem:$0x19080] =	vst v63  }
0xf4: {  	s8 =	simm.s32 $0x4900;
	s9 =	simm.s32 $0x6900  }
0xf5: {  	[spmem:s4] =	stream.indirect.scatter.add.f32 [tilespmem:s9], [sflag:$0x1], $0x1, s8, s30, $0xb8;
	[tilespmem:$0x19080] =	vst v63  }
0xf6: {  	s8 =	simm.s32 $0x4980;
	s9 =	simm.s32 $0x6980  }
0xf7: {  	[spmem:s4] =	stream.indirect.scatter.add.f32 [tilespmem:s9], [sflag:$0x1], $0x1, s8, s30, $0xb8;
	[tilespmem:$0x19080] =	vst v63  }
0xf8: {  	s8 =	simm.s32 $0x4A00;
	s9 =	simm.s32 $0x6A00  }
0xf9: {  	[spmem:s4] =	stream.indirect.scatter.add.f32 [tilespmem:s9], [sflag:$0x1], $0x1, s8, s30, $0xb8;
	[tilespmem:$0x19080] =	vst v63  }
0xfa: {  	s8 =	simm.s32 $0x4A80;
	s9 =	simm.s32 $0x6A80  }
0xfb: {  	[spmem:s4] =	stream.indirect.scatter.add.f32 [tilespmem:s9], [sflag:$0x1], $0x1, s8, s30, $0xb8;
	[tilespmem:$0x19080] =	vst v63  }
0xfc: {  	s8 =	simm.s32 $0x4B00;
	s9 =	simm.s32 $0x6B00  }
0xfd: {  	[spmem:s4] =	stream.indirect.scatter.add.f32 [tilespmem:s9], [sflag:$0x1], $0x1, s8, s30, $0xb8;
	[tilespmem:$0x19080] =	vst v63  }
0xfe: {  	s8 =	simm.s32 $0x4B80;
	s9 =	simm.s32 $0x6B80  }
0xff: {  	[spmem:s4] =	stream.indirect.scatter.add.f32 [tilespmem:s9], [sflag:$0x1], $0x1, s8, s30, $0xb8;
	[tilespmem:$0x19080] =	vst v63  }
0x100: {  	s8 =	simm.s32 $0x4C00;
	s9 =	simm.s32 $0x6C00  }
0x101: {  	[spmem:s4] =	stream.indirect.scatter.add.f32 [tilespmem:s9], [sflag:$0x1], $0x1, s8, s30, $0xb8;
	[tilespmem:$0x19080] =	vst v63  }
0x102: {  	s8 =	simm.s32 $0x4C80;
	s9 =	simm.s32 $0x6C80  }
0x103: {  	[spmem:s4] =	stream.indirect.scatter.add.f32 [tilespmem:s9], [sflag:$0x1], $0x1, s8, s30, $0xb8;
	[tilespmem:$0x19080] =	vst v63  }
0x104: {  	s8 =	simm.s32 $0x4D00;
	s9 =	simm.s32 $0x6D00  }
0x105: {  	[spmem:s4] =	stream.indirect.scatter.add.f32 [tilespmem:s9], [sflag:$0x1], $0x1, s8, s30, $0xb8;
	[tilespmem:$0x19080] =	vst v63  }
0x106: {  	s8 =	simm.s32 $0x4D80;
	s9 =	simm.s32 $0x6D80  }
0x107: {  	[spmem:s4] =	stream.indirect.scatter.add.f32 [tilespmem:s9], [sflag:$0x1], $0x1, s8, s30, $0xb8;
	[tilespmem:$0x19080] =	vst v63  }
0x108: {  	s8 =	simm.s32 $0x4E00;
	s9 =	simm.s32 $0x6E00  }
0x109: {  	[spmem:s4] =	stream.indirect.scatter.add.f32 [tilespmem:s9], [sflag:$0x1], $0x1, s8, s30, $0xb8;
	[tilespmem:$0x19080] =	vst v63  }
0x10a: {  	s8 =	simm.s32 $0x4E80;
	s9 =	simm.s32 $0x6E80  }
0x10b: {  	[spmem:s4] =	stream.indirect.scatter.add.f32 [tilespmem:s9], [sflag:$0x1], $0x1, s8, s30, $0xb8;
	[tilespmem:$0x19080] =	vst v63  }
0x10c: {  	s8 =	simm.s32 $0x4F00;
	s9 =	simm.s32 $0x6F00  }
0x10d: {  	[spmem:s4] =	stream.indirect.scatter.add.f32 [tilespmem:s9], [sflag:$0x1], $0x1, s8, s30, $0xb8;
	[tilespmem:$0x19080] =	vst v63  }
0x10e: {  	s5 =	simm.s32 $0x0;
	s8 =	simm.s32 $0x4F80;
	s9 =	simm.s32 $0x6F80  }
0x10f: {  	[spmem:s4] =	stream.indirect.scatter.add.f32 [tilespmem:s9], [sflag:$0x1], $0x1, s8, s30, $0xb8;
	[tilespmem:$0x19080] =	vst v63  }
0x110: {  	v3 =	vld [tilespmem:s5+$0x3070]  }
0x111: {  	v6 =	vld [tilespmem:s5+$0x3000]  }
0x112: {  	v8 =	vld [tilespmem:s5+$0x3010]  }
0x113: {  	v9 =	vld [tilespmem:s5+$0x3020]  }
0x114: {  	v10 =	vld [tilespmem:s5+$0x3030]  }
0x115: {  	v11 =	vld [tilespmem:s5+$0x3040]  }
0x116: {  	v14 =	vld [tilespmem:s5+$0x3050];
	_ =	sdelay $0x1  }
0x117: {  	v7 =	vld [tilespmem:s5+$0x3060];
	v4 =	vmul.f32 v3, v0  }
0x118: {  	v5 =	vmul.f32 v6, v0;
	v16 =	vmul.f32 v8, v0  }
0x119: {  	v12 =	vld [tilespmem:s5+$0x1000];
	v18 =	vmul.f32 v9, v0;
	v19 =	vmul.f32 v10, v0;
	v4 =	vadd.f32 v4, v1  }
0x11a: {  	v15 =	vld [tilespmem:s5+$0x1010];
	v62 =	vmul.f32 v11, v0;
	v63 =	vmul.f32 v14, v0;
	v17 =	vadd.f32 v5, v1  }
0x11b: {  	v5 =	vld [tilespmem:s5+$0x1040];
	v16 =	vadd.f32 v16, v1;
	v18 =	vadd.f32 v18, v1;
	v13 =	vmul.f32 v4, v3  }
0x11c: {  	v22 =	vmul.f32 v7, v0;
	v19 =	vadd.f32 v19, v1;
	v20 =	vadd.f32 v62, v1;
	v3 =	vld [tilespmem:s5+$0x1020]  }
0x11d: {  	v4 =	vld [tilespmem:s5+$0x1030];
	v17 =	vmul.f32 v17, v6;
	v16 =	vmul.f32 v16, v8;
	v13 =	vadd.f32 v13, v2  }
0x11e: {  	[tilespmem:s5+$0x5000] =	vst v12;
	v6 =	vld [tilespmem:s5+$0x1050];
	v9 =	vmul.f32 v18, v9;
	v10 =	vmul.f32 v19, v10;
	v18 =	vadd.f32 v63, v1  }
0x11f: {  	v8 =	vld [tilespmem:s5+$0x1060];
	v12 =	vmul.f32 v20, v11;
	v11 =	vadd.f32 v22, v1;
	[tilespmem:s5+$0x7070] =	vst v13;
	v13 =	vadd.f32 v17, v2  }
0x120: {  	s8 =	simm.s32 $0x80;
	s9 =	simm.s32 $0x400;
	[tilespmem:s5+$0x5010] =	vst v15;
	v16 =	vadd.f32 v16, v2;
	v15 =	vadd.f32 v9, v2;
	v14 =	vmul.f32 v18, v14;
	v9 =	vld [tilespmem:s5+$0x1070]  }
.LBB2_7:
0x121: {  	p0 =	sne.s32 s9, $0x3E00;
	v17 =	vld [tilespmem:s8+$0x3070];
	[tilespmem:s5+$0x7000] =	vst v13;
	v10 =	vadd.f32 v10, v2;
	v12 =	vadd.f32 v12, v2;
	v7 =	vmul.f32 v11, v7  }
0x122: {  	v11 =	vld [tilespmem:s8+$0x3000];
	[tilespmem:s5+$0x7010] =	vst v16;
	v13 =	vadd.f32 v14, v2  }
0x123: {  	v14 =	vld [tilespmem:s8+$0x3010];
	[tilespmem:s5+$0x7020] =	vst v15;
	v7 =	vadd.f32 v7, v2  }
0x124: {  	v15 =	vld [tilespmem:s8+$0x3020];
	[tilespmem:s5+$0x7030] =	vst v10  }
0x125: {  	v10 =	vld [tilespmem:s8+$0x3030];
	[tilespmem:s5+$0x7040] =	vst v12  }
0x126: {  	v12 =	vld [tilespmem:s8+$0x3040];
	v16 =	vmul.f32 v17, v0;
	[tilespmem:s5+$0x7050] =	vst v13  }
0x127: {  	v13 =	vmul.f32 v11, v0;
	v18 =	vld [tilespmem:s8+$0x3050];
	[tilespmem:s5+$0x7060] =	vst v7  }
0x128: {  	v19 =	vmul.f32 v14, v0;
	v7 =	vld [tilespmem:s8+$0x3060];
	v16 =	vadd.f32 v16, v1;
	[tilespmem:s5+$0x5020] =	vst v3  }
0x129: {  	v3 =	vadd.f32 v13, v1;
	v20 =	vld [tilespmem:s8+$0x1000];
	v13 =	vmul.f32 v15, v0;
	[tilespmem:s5+$0x5030] =	vst v4  }
0x12a: {  	v19 =	vadd.f32 v19, v1;
	v21 =	vld [tilespmem:s8+$0x1010];
	v4 =	vmul.f32 v10, v0;
	v16 =	vmul.f32 v16, v17;
	[tilespmem:s5+$0x5040] =	vst v5  }
0x12b: {  	v11 =	vmul.f32 v3, v11;
	v13 =	vadd.f32 v13, v1;
	v3 =	vld [tilespmem:s8+$0x1020];
	v5 =	vmul.f32 v12, v0;
	[tilespmem:s5+$0x5050] =	vst v6  }
.Ltmp2:
0x12c: {  	v6 =	vadd.f32 v4, v1;
	v4 =	vld [tilespmem:s8+$0x1030];
	v17 =	vmul.f32 v18, v0;
	v16 =	vadd.f32 v16, v2;
	[tilespmem:s5+$0x5060] =	vst v8;
	(pc) =	sbr.rel @p0 .LBB2_7-.Ltmp2, $4  }
0x12d: {  	v14 =	vmul.f32 v19, v14;
	v8 =	vadd.f32 v5, v1;
	v5 =	vld [tilespmem:s8+$0x1040];
	v19 =	vmul.f32 v7, v0;
	[tilespmem:s5+$0x5070] =	vst v9;
	s5 =	smov.u32 s8  }
0x12e: {  	v9 =	vmul.f32 v13, v15;
	v10 =	vmul.f32 v6, v10;
	v17 =	vadd.f32 v17, v1;
	v6 =	vld [tilespmem:s5+$0x1050];
	[tilespmem:s5+$0x7070] =	vst v16  }
0x12f: {  	v13 =	vadd.f32 v11, v2;
	[tilespmem:s5+$0x5000] =	vst v20;
	v12 =	vmul.f32 v8, v12;
	v11 =	vadd.f32 v19, v1;
	v8 =	vld [tilespmem:s5+$0x1060]  }
0x130: {  	s8 =	sshra.s32 s9, $0x2;
	s9 =	sadd.s32 $0x200, s9;
	v16 =	vadd.f32 v14, v2;
	v15 =	vadd.f32 v9, v2;
	[tilespmem:s5+$0x5010] =	vst v21;
	v14 =	vmul.f32 v17, v18;
	v9 =	vld [tilespmem:s5+$0x1070]  }
0x131: {  	v17 =	vld [tilespmem:s8+$0x3070];
	[tilespmem:s5+$0x7000] =	vst v13  }
0x132: {  	v10 =	vadd.f32 v10, v2;
	v13 =	vld [tilespmem:s8+$0x3000];
	[tilespmem:s5+$0x7010] =	vst v16  }
0x133: {  	v12 =	vadd.f32 v12, v2;
	v7 =	vmul.f32 v11, v7;
	v16 =	vld [tilespmem:s8+$0x3010];
	[tilespmem:s5+$0x7020] =	vst v15  }
0x134: {  	v49 =	vadd.f32 v14, v2;
	v15 =	vld [tilespmem:s8+$0x3020];
	[tilespmem:s5+$0x7030] =	vst v10  }
0x135: {  	v7 =	vadd.f32 v7, v2;
	v10 =	vld [tilespmem:s8+$0x3030];
	[tilespmem:s5+$0x7040] =	vst v12  }
0x136: {  	v12 =	vld [tilespmem:s8+$0x3040];
	[tilespmem:s5+$0x7050] =	vst v49;
	v50 =	vmul.f32 v17, v0  }
0x137: {  	v11 =	vld [tilespmem:s8+$0x3050];
	[tilespmem:s5+$0x7060] =	vst v7  }
0x138: {  	v7 =	vld [tilespmem:s8+$0x3060];
	[tilespmem:s5+$0x5020] =	vst v3;
	v14 =	vadd.f32 v50, v1  }
0x139: {  	v3 =	vld [tilespmem:s8+$0x1000];
	[tilespmem:s5+$0x5030] =	vst v4  }
0x13a: {  	v4 =	vld [tilespmem:s8+$0x1010];
	[tilespmem:s5+$0x5040] =	vst v5;
	v14 =	vmul.f32 v14, v17  }
0x13b: {  	v51 =	vmul.f32 v13, v0;
	v5 =	vld [tilespmem:s8+$0x1020];
	[tilespmem:s5+$0x5050] =	vst v6  }
0x13c: {  	v18 =	vmul.f32 v15, v0;
	v6 =	vld [tilespmem:s8+$0x1030];
	[tilespmem:s5+$0x5060] =	vst v8;
	v14 =	vadd.f32 v14, v2  }
0x13d: {  	v19 =	vmul.f32 v10, v0;
	v8 =	vadd.f32 v51, v1;
	v52 =	vld [tilespmem:s8+$0x1040];
	[tilespmem:s5+$0x5070] =	vst v9  }
0x13e: {  	v54 =	vadd.f32 v18, v1;
	[tilespmem:s8+$0x7070] =	vst v14  }
0x13f: {  	v53 =	vmul.f32 v16, v0;
	v55 =	vadd.f32 v19, v1;
	v8 =	vmul.f32 v8, v13;
	[tilespmem:s8+$0x5000] =	vst v3  }
0x140: {  	v21 =	vmul.f32 v12, v0;
	v13 =	vmul.f32 v54, v15;
	[tilespmem:s8+$0x5010] =	vst v4  }
0x141: {  	v9 =	vadd.f32 v53, v1;
	v59 =	vmul.f32 v55, v10;
	v8 =	vadd.f32 v8, v2;
	[tilespmem:s8+$0x5020] =	vst v5  }
0x142: {  	v56 =	vadd.f32 v21, v1;
	v13 =	vadd.f32 v13, v2;
	[tilespmem:s8+$0x5030] =	vst v6  }
0x143: {  	v9 =	vmul.f32 v9, v16;
	v4 =	vadd.f32 v59, v2;
	[tilespmem:s8+$0x7000] =	vst v8  }
0x144: {  	v58 =	vmul.f32 v7, v0;
	v20 =	vld [tilespmem:s8+$0x1050];
	v12 =	vmul.f32 v56, v12;
	[tilespmem:s8+$0x7020] =	vst v13  }
0x145: {  	v3 =	vmul.f32 v11, v0;
	v57 =	vld [tilespmem:s8+$0x1060];
	v9 =	vadd.f32 v9, v2;
	[tilespmem:s8+$0x7030] =	vst v4  }
0x146: {  	v60 =	vld [tilespmem:s8+$0x1070];
	v61 =	vadd.f32 v58, v1;
	v62 =	vadd.f32 v12, v2;
	[tilespmem:s8+$0x5040] =	vst v52  }
0x147: {  	v3 =	vadd.f32 v3, v1;
	[tilespmem:s8+$0x7010] =	vst v9  }
0x148: {  	v7 =	vmul.f32 v61, v7;
	[tilespmem:s8+$0x7040] =	vst v62  }
0x149: {  	v3 =	vmul.f32 v3, v11;
	[tilespmem:s8+$0x5050] =	vst v20  }
0x14a: {  	v63 =	vadd.f32 v7, v2;
	[tilespmem:s8+$0x5060] =	vst v57  }
0x14b: {  	[tilespmem:s8+$0x5070] =	vst v60;
	v3 =	vadd.f32 v3, v2  }
0x14c: {  	[tilespmem:s8+$0x7060] =	vst v63  }
0x14d: {  	[tilespmem:s8+$0x7050] =	vst v3  }
0x14e: {  	_ =	swait.ge [sflag:s3], $0x80  }
0x14f: {  	[sflag:s3] =	ssyncset.done $0x0  }
0x150: {  	[sflag:s3] =	ssyncadd.s32 $0xFFFFFF80  }
0x151: {  	_ =	swait.ge [sflag:s3], $0x80  }
0x152: {  	[sflag:s3] =	ssyncset.done $0x0  }
0x153: {  	[sflag:s3] =	ssyncadd.s32 $0xFFFFFF80  }
0x154: {  	_ =	swait.ge [sflag:s3], $0x80  }
0x155: {  	[sflag:s3] =	ssyncset.done $0x0  }
0x156: {  	[sflag:s3] =	ssyncadd.s32 $0xFFFFFF80  }
0x157: {  	_ =	swait.ge [sflag:s3], $0x80  }
0x158: {  	[sflag:s3] =	ssyncset.done $0x0  }
0x159: {  	[sflag:s3] =	ssyncadd.s32 $0xFFFFFF80  }
0x15a: {  	_ =	swait.ge [sflag:s3], $0x80  }
0x15b: {  	[sflag:s3] =	ssyncset.done $0x0  }
0x15c: {  	[sflag:s3] =	ssyncadd.s32 $0xFFFFFF80  }
0x15d: {  	_ =	swait.ge [sflag:s3], $0x80  }
0x15e: {  	[sflag:s3] =	ssyncset.done $0x0  }
0x15f: {  	[sflag:s3] =	ssyncadd.s32 $0xFFFFFF80  }
0x160: {  	_ =	swait.ge [sflag:s3], $0x80  }
0x161: {  	[sflag:s3] =	ssyncset.done $0x0  }
0x162: {  	[sflag:s3] =	ssyncadd.s32 $0xFFFFFF80  }
0x163: {  	_ =	swait.ge [sflag:s3], $0x80  }
0x164: {  	[sflag:s3] =	ssyncset.done $0x0  }
0x165: {  	[sflag:s3] =	ssyncadd.s32 $0xFFFFFF80  }
0x166: {  	_ =	swait.ge [sflag:s3], $0x80  }
0x167: {  	[sflag:s3] =	ssyncset.done $0x0  }
0x168: {  	[sflag:s3] =	ssyncadd.s32 $0xFFFFFF80  }
0x169: {  	_ =	swait.ge [sflag:s3], $0x80  }
0x16a: {  	[sflag:s3] =	ssyncset.done $0x0  }
0x16b: {  	[sflag:s3] =	ssyncadd.s32 $0xFFFFFF80  }
0x16c: {  	_ =	swait.ge [sflag:s3], $0x80  }
0x16d: {  	[sflag:s3] =	ssyncset.done $0x0  }
0x16e: {  	[sflag:s3] =	ssyncadd.s32 $0xFFFFFF80  }
0x16f: {  	_ =	swait.ge [sflag:s3], $0x80  }
0x170: {  	[sflag:s3] =	ssyncset.done $0x0  }
0x171: {  	[sflag:s3] =	ssyncadd.s32 $0xFFFFFF80  }
0x172: {  	_ =	swait.ge [sflag:s3], $0x80  }
0x173: {  	[sflag:s3] =	ssyncset.done $0x0  }
0x174: {  	[sflag:s3] =	ssyncadd.s32 $0xFFFFFF80  }
0x175: {  	_ =	swait.ge [sflag:s3], $0x80  }
0x176: {  	[sflag:s3] =	ssyncset.done $0x0  }
0x177: {  	[sflag:s3] =	ssyncadd.s32 $0xFFFFFF80  }
0x178: {  	_ =	swait.ge [sflag:s3], $0x80  }
0x179: {  	[sflag:s3] =	ssyncset.done $0x0  }
0x17a: {  	[sflag:s3] =	ssyncadd.s32 $0xFFFFFF80  }
0x17b: {  	_ =	swait.ge [sflag:s3], $0x80  }
0x17c: {  	[sflag:s3] =	ssyncset.done $0x0  }
0x17d: {  	[sflag:s3] =	ssyncadd.s32 $0xFFFFFF80  }
0x17e: {  	_ =	swait.ge [sflag:s3], $0x80  }
0x17f: {  	[sflag:s3] =	ssyncset.done $0x0  }
0x180: {  	[sflag:s3] =	ssyncadd.s32 $0xFFFFFF80  }
0x181: {  	_ =	swait.ge [sflag:s3], $0x80  }
0x182: {  	[sflag:s3] =	ssyncset.done $0x0  }
0x183: {  	[sflag:s3] =	ssyncadd.s32 $0xFFFFFF80  }
0x184: {  	_ =	swait.ge [sflag:s3], $0x80  }
0x185: {  	[sflag:s3] =	ssyncset.done $0x0  }
0x186: {  	[sflag:s3] =	ssyncadd.s32 $0xFFFFFF80  }
0x187: {  	_ =	swait.ge [sflag:s3], $0x80  }
0x188: {  	[sflag:s3] =	ssyncset.done $0x0  }
0x189: {  	[sflag:s3] =	ssyncadd.s32 $0xFFFFFF80  }
0x18a: {  	_ =	swait.ge [sflag:s3], $0x80  }
0x18b: {  	[sflag:s3] =	ssyncset.done $0x0  }
0x18c: {  	[sflag:s3] =	ssyncadd.s32 $0xFFFFFF80  }
0x18d: {  	_ =	swait.ge [sflag:s3], $0x80  }
0x18e: {  	[sflag:s3] =	ssyncset.done $0x0  }
0x18f: {  	[sflag:s3] =	ssyncadd.s32 $0xFFFFFF80  }
0x190: {  	_ =	swait.ge [sflag:s3], $0x80  }
0x191: {  	[sflag:s3] =	ssyncset.done $0x0  }
0x192: {  	[sflag:s3] =	ssyncadd.s32 $0xFFFFFF80  }
0x193: {  	_ =	swait.ge [sflag:s3], $0x80  }
0x194: {  	[sflag:s3] =	ssyncset.done $0x0  }
0x195: {  	[sflag:s3] =	ssyncadd.s32 $0xFFFFFF80  }
0x196: {  	_ =	swait.ge [sflag:s3], $0x80  }
0x197: {  	[sflag:s3] =	ssyncset.done $0x0  }
0x198: {  	[sflag:s3] =	ssyncadd.s32 $0xFFFFFF80  }
0x199: {  	_ =	swait.ge [sflag:s3], $0x80  }
0x19a: {  	[sflag:s3] =	ssyncset.done $0x0  }
0x19b: {  	[sflag:s3] =	ssyncadd.s32 $0xFFFFFF80  }
0x19c: {  	_ =	swait.ge [sflag:s3], $0x80  }
0x19d: {  	[sflag:s3] =	ssyncset.done $0x0  }
0x19e: {  	[sflag:s3] =	ssyncadd.s32 $0xFFFFFF80  }
0x19f: {  	_ =	swait.ge [sflag:s3], $0x80  }
0x1a0: {  	[sflag:s3] =	ssyncset.done $0x0  }
0x1a1: {  	[sflag:s3] =	ssyncadd.s32 $0xFFFFFF80  }
0x1a2: {  	_ =	swait.ge [sflag:s3], $0x80  }
0x1a3: {  	[sflag:s3] =	ssyncset.done $0x0  }
0x1a4: {  	[sflag:s3] =	ssyncadd.s32 $0xFFFFFF80  }
0x1a5: {  	_ =	swait.ge [sflag:s3], $0x80  }
0x1a6: {  	[sflag:s3] =	ssyncset.done $0x0  }
0x1a7: {  	[sflag:s3] =	ssyncadd.s32 $0xFFFFFF80  }
0x1a8: {  	_ =	swait.ge [sflag:s3], $0x80  }
0x1a9: {  	[sflag:s3] =	ssyncset.done $0x0  }
0x1aa: {  	[sflag:s3] =	ssyncadd.s32 $0xFFFFFF80  }
0x1ab: {  	_ =	swait.ge [sflag:s3], $0x80  }
0x1ac: {  	[sflag:s3] =	ssyncset.done $0x0  }
0x1ad: {  	s9 =	simm.s32 $0x7000;
	s8 =	simm.s32 $0x5000;
	[sflag:s3] =	ssyncadd.s32 $0xFFFFFF80  }
0x1ae: {  	[spmem:s4] =	stream.indirect.scatter.add.f32 [tilespmem:s9], [sflag:$0x1], $0x1, s8, s30, $0xb8;
	[tilespmem:$0x19080] =	vst v63  }
0x1af: {  	s8 =	simm.s32 $0x5080;
	s9 =	simm.s32 $0x7080  }
0x1b0: {  	[spmem:s4] =	stream.indirect.scatter.add.f32 [tilespmem:s9], [sflag:$0x1], $0x1, s8, s30, $0xb8;
	[tilespmem:$0x19080] =	vst v63  }
0x1b1: {  	s8 =	simm.s32 $0x5100;
	s9 =	simm.s32 $0x7100  }
0x1b2: {  	[spmem:s4] =	stream.indirect.scatter.add.f32 [tilespmem:s9], [sflag:$0x1], $0x1, s8, s30, $0xb8;
	[tilespmem:$0x19080] =	vst v63  }
0x1b3: {  	s8 =	simm.s32 $0x5180;
	s9 =	simm.s32 $0x7180  }
0x1b4: {  	[spmem:s4] =	stream.indirect.scatter.add.f32 [tilespmem:s9], [sflag:$0x1], $0x1, s8, s30, $0xb8;
	[tilespmem:$0x19080] =	vst v63  }
0x1b5: {  	s8 =	simm.s32 $0x5200;
	s9 =	simm.s32 $0x7200  }
0x1b6: {  	[spmem:s4] =	stream.indirect.scatter.add.f32 [tilespmem:s9], [sflag:$0x1], $0x1, s8, s30, $0xb8;
	[tilespmem:$0x19080] =	vst v63  }
0x1b7: {  	s8 =	simm.s32 $0x5280;
	s9 =	simm.s32 $0x7280  }
0x1b8: {  	[spmem:s4] =	stream.indirect.scatter.add.f32 [tilespmem:s9], [sflag:$0x1], $0x1, s8, s30, $0xb8;
	[tilespmem:$0x19080] =	vst v63  }
0x1b9: {  	s8 =	simm.s32 $0x5300;
	s9 =	simm.s32 $0x7300  }
0x1ba: {  	[spmem:s4] =	stream.indirect.scatter.add.f32 [tilespmem:s9], [sflag:$0x1], $0x1, s8, s30, $0xb8;
	[tilespmem:$0x19080] =	vst v63  }
0x1bb: {  	s8 =	simm.s32 $0x5380;
	s9 =	simm.s32 $0x7380  }
0x1bc: {  	[spmem:s4] =	stream.indirect.scatter.add.f32 [tilespmem:s9], [sflag:$0x1], $0x1, s8, s30, $0xb8;
	[tilespmem:$0x19080] =	vst v63  }
0x1bd: {  	s8 =	simm.s32 $0x5400;
	s9 =	simm.s32 $0x7400  }
0x1be: {  	[spmem:s4] =	stream.indirect.scatter.add.f32 [tilespmem:s9], [sflag:$0x1], $0x1, s8, s30, $0xb8;
	[tilespmem:$0x19080] =	vst v63  }
0x1bf: {  	s8 =	simm.s32 $0x5480;
	s9 =	simm.s32 $0x7480  }
0x1c0: {  	[spmem:s4] =	stream.indirect.scatter.add.f32 [tilespmem:s9], [sflag:$0x1], $0x1, s8, s30, $0xb8;
	[tilespmem:$0x19080] =	vst v63  }
0x1c1: {  	s8 =	simm.s32 $0x5500;
	s9 =	simm.s32 $0x7500  }
0x1c2: {  	[spmem:s4] =	stream.indirect.scatter.add.f32 [tilespmem:s9], [sflag:$0x1], $0x1, s8, s30, $0xb8;
	[tilespmem:$0x19080] =	vst v63  }
0x1c3: {  	s8 =	simm.s32 $0x5580;
	s9 =	simm.s32 $0x7580  }
0x1c4: {  	[spmem:s4] =	stream.indirect.scatter.add.f32 [tilespmem:s9], [sflag:$0x1], $0x1, s8, s30, $0xb8;
	[tilespmem:$0x19080] =	vst v63  }
0x1c5: {  	s8 =	simm.s32 $0x5600;
	s9 =	simm.s32 $0x7600  }
0x1c6: {  	[spmem:s4] =	stream.indirect.scatter.add.f32 [tilespmem:s9], [sflag:$0x1], $0x1, s8, s30, $0xb8;
	[tilespmem:$0x19080] =	vst v63  }
0x1c7: {  	s8 =	simm.s32 $0x5680;
	s9 =	simm.s32 $0x7680  }
0x1c8: {  	[spmem:s4] =	stream.indirect.scatter.add.f32 [tilespmem:s9], [sflag:$0x1], $0x1, s8, s30, $0xb8;
	[tilespmem:$0x19080] =	vst v63  }
0x1c9: {  	s8 =	simm.s32 $0x5700;
	s9 =	simm.s32 $0x7700  }
0x1ca: {  	[spmem:s4] =	stream.indirect.scatter.add.f32 [tilespmem:s9], [sflag:$0x1], $0x1, s8, s30, $0xb8;
	[tilespmem:$0x19080] =	vst v63  }
0x1cb: {  	s8 =	simm.s32 $0x5780;
	s9 =	simm.s32 $0x7780  }
0x1cc: {  	[spmem:s4] =	stream.indirect.scatter.add.f32 [tilespmem:s9], [sflag:$0x1], $0x1, s8, s30, $0xb8;
	[tilespmem:$0x19080] =	vst v63  }
0x1cd: {  	s8 =	simm.s32 $0x5800;
	s9 =	simm.s32 $0x7800  }
0x1ce: {  	[spmem:s4] =	stream.indirect.scatter.add.f32 [tilespmem:s9], [sflag:$0x1], $0x1, s8, s30, $0xb8;
	[tilespmem:$0x19080] =	vst v63  }
0x1cf: {  	s8 =	simm.s32 $0x5880;
	s9 =	simm.s32 $0x7880  }
0x1d0: {  	[spmem:s4] =	stream.indirect.scatter.add.f32 [tilespmem:s9], [sflag:$0x1], $0x1, s8, s30, $0xb8;
	[tilespmem:$0x19080] =	vst v63  }
0x1d1: {  	s8 =	simm.s32 $0x5900;
	s9 =	simm.s32 $0x7900  }
0x1d2: {  	[spmem:s4] =	stream.indirect.scatter.add.f32 [tilespmem:s9], [sflag:$0x1], $0x1, s8, s30, $0xb8;
	[tilespmem:$0x19080] =	vst v63  }
0x1d3: {  	s8 =	simm.s32 $0x5980;
	s9 =	simm.s32 $0x7980  }
0x1d4: {  	[spmem:s4] =	stream.indirect.scatter.add.f32 [tilespmem:s9], [sflag:$0x1], $0x1, s8, s30, $0xb8;
	[tilespmem:$0x19080] =	vst v63  }
0x1d5: {  	s8 =	simm.s32 $0x5A00;
	s9 =	simm.s32 $0x7A00  }
0x1d6: {  	[spmem:s4] =	stream.indirect.scatter.add.f32 [tilespmem:s9], [sflag:$0x1], $0x1, s8, s30, $0xb8;
	[tilespmem:$0x19080] =	vst v63  }
0x1d7: {  	s9 =	simm.s32 $0x5A80  }
0x1d8: {  	[spmem:s4] =	stream.indirect.scatter.add.f32 [tilespmem:s10], [sflag:$0x1], $0x1, s9, s30, $0xb8;
	[tilespmem:$0x19080] =	vst v63  }
0x1d9: {  	_ = 	snop  }
0x1da: {  	[spmem:s4] =	stream.indirect.scatter.add.f32 [tilespmem:s13], [sflag:$0x1], $0x1, s12, s30, $0xb8;
	[tilespmem:$0x19080] =	vst v63  }
0x1db: {  	_ = 	snop  }
0x1dc: {  	[spmem:s4] =	stream.indirect.scatter.add.f32 [tilespmem:s16], [sflag:$0x1], $0x1, s14, s30, $0xb8;
	[tilespmem:$0x19080] =	vst v63  }
0x1dd: {  	_ = 	snop  }
0x1de: {  	[spmem:s4] =	stream.indirect.scatter.add.f32 [tilespmem:s19], [sflag:$0x1], $0x1, s18, s30, $0xb8;
	[tilespmem:$0x19080] =	vst v63  }
0x1df: {  	_ = 	snop  }
0x1e0: {  	[spmem:s4] =	stream.indirect.scatter.add.f32 [tilespmem:s21], [sflag:$0x1], $0x1, s20, s30, $0xb8;
	[tilespmem:$0x19080] =	vst v63  }
0x1e1: {  	_ = 	snop  }
0x1e2: {  	[spmem:s4] =	stream.indirect.scatter.add.f32 [tilespmem:s23], [sflag:$0x1], $0x1, s22, s30, $0xb8;
	[tilespmem:$0x19080] =	vst v63  }
0x1e3: {  	_ = 	snop  }
0x1e4: {  	[spmem:s4] =	stream.indirect.scatter.add.f32 [tilespmem:s26], [sflag:$0x1], $0x1, s25, s30, $0xb8;
	[tilespmem:$0x19080] =	vst v63  }
0x1e5: {  	s6 =	sadd.s32 $0x1, s6  }
0x1e6: {  	[spmem:s4] =	stream.indirect.scatter.add.f32 [tilespmem:s29], [sflag:$0x1], $0x1, s28, s30, $0xb8;
	[tilespmem:$0x19080] =	vst v63  }
0x1e7: {  	p0 =	sne.s32 s6, $0x10  }
0x1e8: {  	[spmem:s4] =	stream.indirect.scatter.add.f32 [tilespmem:s15], [sflag:$0x1], $0x1, s11, s30, $0xb8;
	[tilespmem:$0x19080] =	vst v63  }
.Ltmp3:
0x1e9: {  	_ = 	snop;
	(pc) =	sbr.rel @p0 .LBB2_4-.Ltmp3, $4  }
0x1ea: {  	_ = 	snop  }
0x1eb: {  	[spmem:s4] =	stream.indirect.scatter.add.f32 [tilespmem:s7], [sflag:$0x1], $0x1, s24, s30, $0xb8;
	[tilespmem:$0x19080] =	vst v63  }
0x1ec: {  	_ = 	snop  }
0x1ed: {  	[spmem:s4] =	stream.indirect.scatter.add.f32 [tilespmem:s1], [sflag:$0x1], $0x1, s0, s30, $0xb8;
	[tilespmem:$0x19080] =	vst v63  }
0x1ee: {  	_ =	swait.ge [sflag:s3], $0x1000  }
0x1ef: {  	[sflag:s3] =	ssyncset.done $0x0  }
0x1f0: {  	[sflag:s3] =	ssyncadd.s32 $0xFFFFF000  }
0x1f1: {  	s2 =	stileid.u32;
	s9 =	simm.s32 $0x20;
	[bflag:$0x0] =	sbarrier.arrive $0xFFFF  }
0x1f2: {  	s10 =	simm.s32 $0x10;
	s2 =	sshll.u32 s2, $0x6;
	s5 =	rddreg [dreg:$0x6]  }
0x1f3: {  	s2 =	sor.u32 $0x1C01, s2;
	s6 =	rddreg [dreg:$0x11];
	s5 =	sshrl.u32 s5, $0x3  }
0x1f4: {  	[hbm:s6@s9], [sflag:s2] =	dma.strided [spmem:s5@s10], $0x800, s3, $0x10   }
0x1f5: {  	s5 =	rddreg [dreg:$0xa]  }
0x1f6: {  	s6 =	rddreg [dreg:$0x12];
	s5 =	sshrl.u32 s5, $0x3  }
0x1f7: {  	[hbm:s6@s9], [sflag:s2] =	dma.strided [spmem:s5@s10], $0x800, s3, $0x10   }
0x1f8: {  	s5 =	rddreg [dreg:$0xe]  }
0x1f9: {  	s6 =	rddreg [dreg:$0x13];
	s5 =	sshrl.u32 s5, $0x3  }
0x1fa: {  	[hbm:s6@s9], [sflag:s2] =	dma.strided [spmem:s5@s10], $0x800, s3, $0x10   }
0x1fb: {  	s8 =	rddreg [dreg:$0x16]  }
0x1fc: {  	s6 =	rddreg [dreg:$0x14];
	s5 =	sshrl.u32 s8, $0x3  }
0x1fd: {  	[hbm:s6@s9], [sflag:s2] =	dma.strided [spmem:s5@s10], $0x800, s3, $0x10   }
0x1fe: {  	_ =	swait.ge [sflag:s3], $0x800  }
0x1ff: {  	[sflag:s3] =	ssyncset.done $0x0  }
0x200: {  	[sflag:s3] =	ssyncadd.s32 $0xFFFFF800  }
0x201: {  	_ =	swait.ge [sflag:s3], $0x800  }
0x202: {  	[sflag:s3] =	ssyncset.done $0x0  }
0x203: {  	[sflag:s3] =	ssyncadd.s32 $0xFFFFF800  }
0x204: {  	_ =	swait.ge [sflag:s3], $0x800  }
0x205: {  	[sflag:s3] =	ssyncset.done $0x0  }
0x206: {  	[sflag:s3] =	ssyncadd.s32 $0xFFFFF800  }
0x207: {  	_ =	swait.ge [sflag:s3], $0x800  }
0x208: {  	s6 =	rddreg [dreg:$0x1b]  }
0x209: {  	s9 =	rddreg [dreg:$0x17];
	s5 =	sadd.s32 $0x1, s6  }
0x20a: {  	p0 =	sne.s32 s5, s9  }
.Ltmp4:
0x20b: {  	_ = 	snop;
	(pc) =	sbr.rel @p0 .LBB2_1-.Ltmp4, $3  }
0x20c: {  	_ =	sdelay $0x1  }
0x20d: {  	[sflag:s3] =	ssyncset.done $0x0  }
0x20e: {  	s10 =	simm.s32 $0x7A80;
	[sflag:s3] =	ssyncadd.s32 $0xFFFFF800  }
0x20f: {  	_ =	sfence.sel $0x180000  }
0x210: {  	[bflag:$0x0] =	sbarrier.arrive $0xFFFF  }
0x211: {  	_ =	strace $0x90000047  }
0x212: {  	s0 =	stileid.u32;
	[bflag:$0x2] =	sbarrier.arrive $0xFFFF  }
0x213: {  	p0 =	sne.s32 s0, $0x0;
	s0 =	rddreg [dreg:$0x5]  }
0x214: {  	s0 =	sadd.s32 @!p0 $0x100000, s0  }
0x215: {  	[sflag:s0] =	ssyncadd.tile.s32 @!p0 $0x1;
	_ =	shalt  }
.Lfunc_end2:
_tile_overlayer_lowered:
.L_overlay_start_2:
0x216: {  	(tag) =	ssettag $0x2  }
0x217: {  	s0 =	rddreg [dreg:$0x0];
	s2 =	stileid.u32  }
0x218: {  	s1 =	rddreg [dreg:$0x1];
	p0 =	sne.s32 s2, $0x0  }
0x219: {  	s3 =	rddreg [dreg:$0x2];
	[bflag:$0x3] =	sbarrier.arrive $0xFFFF;
	s2 =	simm.s32 @!p0 $0x1C02  }
0x21a: {  	[timem:s3], [sflag:s2] =	dma.local @!p0 [hbm:s0], s1  }
0x21b: {  	s0 =	simm.s32 @!p0 $0x2  }
0x21c: {  	_ =	swait.ge @!p0 [sflag:s0], s1  }
0x21d: {  	s1 =	ssub.s32 @!p0 $0x0, s1;
	[sflag:s0] =	ssyncset.done @!p0 $0x0  }
0x21e: {  	[sflag:s0] =	ssyncadd.s32 @!p0 s1  }
0x21f: {  	[bflag:$0x3] =	sbarrier.arrive $0xFFFF  }
0x220: {  	_ =	shalt  }

</sc_bundles>
